<compile_context>
chip_gen: v7x
topology: tpu7x:2x2x1
jax: 0.10.2.dev20260603
libtpu: 0.0.44.dev20260713+nightly
codegen_flags: <defaults>
</compile_context>

<pallas_src>
import jax
import jax.numpy as jnp
from jax import lax
from jax.experimental import pallas as pl
from jax.experimental.pallas import tpu as pltpu
from jax.experimental.pallas import tpu_sc as plsc

_N = 1024
_F = 784
_NBR = 5
_BIG = 1e10
_STEPS = 10
_BLK = 128
_MASKED = 3.0e38

_ROWS_PER_W = _N // 32
_SLOTS = 16


def _sc_topk_kernel(dist_ref, val_ref, idx_ref, rows_v, oval_v, oidx_v):
    wid = lax.axis_index("s") * 2 + lax.axis_index("c")
    base = wid * _ROWS_PER_W
    pltpu.sync_copy(dist_ref.at[pl.ds(base * _N, _ROWS_PER_W * _N)], rows_v)
    iota = lax.iota(jnp.int32, 16)

    def row_body(r, carry):
        rowbase = r * _N
        mprev = jnp.full((16,), jnp.float32(-1.0), jnp.float32)
        gprev = jnp.full((16,), jnp.int32(-1), jnp.int32)
        vals16 = jnp.zeros((16,), jnp.float32)
        idxs16 = jnp.zeros((16,), jnp.int32)
        for t in range(_NBR + 1):
            def scan_chunk(c, acc, mprev=mprev, gprev=gprev):
                vmin, argc = acc
                off = pl.multiple_of(rowbase + c * 16, 16)
                v = rows_v[pl.ds(off, 16)]
                i16 = c * 16 + iota
                valid = jnp.logical_or(
                    v > mprev, jnp.logical_and(v == mprev, i16 > gprev))
                v = jnp.where(valid, v, jnp.float32(_MASKED))
                upd = v < vmin
                return (jnp.where(upd, v, vmin), jnp.where(upd, c, argc))

            vmin, argc = lax.fori_loop(
                0, _N // 16, scan_chunk,
                (jnp.full((16,), jnp.float32(_MASKED), jnp.float32),
                 jnp.zeros((16,), jnp.int32)))
            m16 = vmin
            for k in (8, 4, 2, 1):
                perm = jnp.bitwise_xor(iota, jnp.int32(k))
                m16 = jnp.minimum(m16, m16.at[perm].get(mode="promise_in_bounds"))
            cand = jnp.where(vmin == m16, argc * 16 + iota, jnp.int32(1 << 30))
            g16 = cand
            for k in (8, 4, 2, 1):
                perm = jnp.bitwise_xor(iota, jnp.int32(k))
                g16 = jnp.minimum(g16, g16.at[perm].get(mode="promise_in_bounds"))
            mprev, gprev = m16, g16
            vals16 = jnp.where(iota == t, m16, vals16)
            idxs16 = jnp.where(iota == t, g16, idxs16)
        obase = pl.multiple_of(r * _SLOTS, 16)
        oval_v[pl.ds(obase, 16)] = vals16
        oidx_v[pl.ds(obase, 16)] = idxs16
        return carry

    lax.fori_loop(0, _ROWS_PER_W, row_body, jnp.int32(0))
    pltpu.sync_copy(oval_v, val_ref.at[pl.ds(base * _SLOTS, _ROWS_PER_W * _SLOTS)])
    pltpu.sync_copy(oidx_v, idx_ref.at[pl.ds(base * _SLOTS, _ROWS_PER_W * _SLOTS)])


def _sc_topk(dist):
    fn = pl.kernel(
        _sc_topk_kernel,
        out_type=[
            jax.ShapeDtypeStruct((_N * _SLOTS,), jnp.float32),
            jax.ShapeDtypeStruct((_N * _SLOTS,), jnp.int32),
        ],
        mesh=plsc.VectorSubcoreMesh(core_axis_name="c", subcore_axis_name="s"),
        scratch_types=[
            pltpu.VMEM((_ROWS_PER_W * _N,), jnp.float32),
            pltpu.VMEM((_ROWS_PER_W * _SLOTS,), jnp.float32),
            pltpu.VMEM((_ROWS_PER_W * _SLOTS,), jnp.int32),
        ],
    )
    return fn(dist.reshape(_N * _N))


def _graph_kernel(idx_ref, valr_ref, g_ref):
    col_ids = jax.lax.broadcasted_iota(jnp.int32, (_N, _N), 1)
    g = jnp.full((_N, _N), _BIG, jnp.float32)
    for t in range(1, _NBR + 1):
        oh = col_ids == idx_ref[:, t:t + 1]
        g = jnp.where(oh, valr_ref[:, t:t + 1], g)
    g = jnp.minimum(g, g.T)
    row_ids = jax.lax.broadcasted_iota(jnp.int32, (_N, _N), 0)
    g = jnp.where(row_ids == col_ids, jnp.float32(0.0), g)
    g_ref[...] = g


def _minplus_kernel(ga_ref, gf_ref, h_ref, ch_ref):
    i = pl.program_id(0)
    ga = ga_ref[...]
    ch = 128
    h = jnp.full((_BLK, _N), jnp.float32(jnp.inf), jnp.float32)

    def body(c, h):
        base = c * ch
        a = ga_ref[:, pl.ds(base, ch)]
        b = gf_ref[pl.ds(base, ch), :]
        cands = [a[:, t:t + 1] + b[t:t + 1, :] for t in range(ch)]
        while len(cands) > 1:
            cands = [jnp.minimum(cands[2 * u], cands[2 * u + 1])
                     for u in range(len(cands) // 2)]
        return jnp.minimum(h, cands[0])

    h = jax.lax.fori_loop(0, _N // ch, body, h)
    h_ref[...] = h
    changed = jnp.max(jnp.where(h < ga, jnp.float32(1.0), jnp.float32(0.0)))

    @pl.when(i == 0)
    def _init():
        ch_ref[0, 0] = jnp.float32(0.0)

    ch_ref[0, 0] = jnp.maximum(ch_ref[0, 0], changed)


def _minplus_call(g):
    h, chg = pl.pallas_call(
        _minplus_kernel,
        grid=(_N // _BLK,),
        in_specs=[
            pl.BlockSpec((_BLK, _N), lambda i: (i, 0)),
            pl.BlockSpec((_N, _N), lambda i: (0, 0)),
        ],
        out_specs=[
            pl.BlockSpec((_BLK, _N), lambda i: (i, 0)),
            pl.BlockSpec((1, 1), lambda i: (0, 0), memory_space=pltpu.SMEM),
        ],
        out_shape=[
            jax.ShapeDtypeStruct((_N, _N), jnp.float32),
            jax.ShapeDtypeStruct((1, 1), jnp.float32),
        ],
    )(g, g)
    return h, chg[0, 0] > 0.5


def _minplus_square_tail(D, chunk=64):
    n = D.shape[0]
    outs = []
    for s in range(0, n, chunk):
        block = D[s:s + chunk]
        cand = block[:, :, None] + D[None, :, :]
        outs.append(jnp.min(cand, axis=1))
    return jnp.concatenate(outs, axis=0)


def kernel(toLearn):
    flat = toLearn.reshape(toLearn.shape[0], -1)
    sq = jnp.sum(flat * flat, axis=1)
    d2 = sq[:, None] + sq[None, :] - 2.0 * (flat @ flat.T)
    dist = jnp.sqrt(jnp.maximum(d2, 0.0))

    vals_flat, idxs_flat = _sc_topk(dist)
    nbr_val = vals_flat.reshape(_N, _SLOTS)
    nbr_idx = idxs_flat.reshape(_N, _SLOTS)

    g = pl.pallas_call(
        _graph_kernel,
        out_shape=jax.ShapeDtypeStruct((_N, _N), jnp.float32),
    )(nbr_idx, nbr_val)

    def cond(carry):
        _, it, chg = carry
        return jnp.logical_and(it < _STEPS - 1, chg)

    def body(carry):
        gc, it, _ = carry
        h, chg = _minplus_call(gc)
        return h, it + 1, chg

    g, _, _ = jax.lax.while_loop(cond, body, (g, jnp.int32(0), jnp.bool_(True)))

    g = _minplus_square_tail(g)
    finite = g < _BIG * 0.5
    maxfin = jnp.max(jnp.where(finite, g, 0.0))
    D_geo = jnp.where(finite, g, maxfin)
    D2 = D_geo * D_geo
    row_mean = jnp.mean(D2, axis=1, keepdims=True)
    col_mean = jnp.mean(D2, axis=0, keepdims=True)
    tot = jnp.mean(D2)
    K = -0.5 * (D2 - row_mean - col_mean + tot)
    K = 0.5 * (K + K.T)
    evals, evecs = jnp.linalg.eigh(K)
    evals = evals[::-1][:_F]
    evecs = evecs[:, ::-1][:, :_F]
    emb = evecs * jnp.sqrt(jnp.maximum(evals, 0.0))[None, :]
    return emb.astype(jnp.float32)

# --- scband reference (transcript-rebuilt; emitter-appended) ---
"""Pipeline reference for scband-manifold-encoder-10823317586024 (READ-ONLY COPY).

The authoritative reference and input builder live on the scoring server;
editing this copy changes nothing except your own understanding.
"""

import jax, jax.numpy as jnp
import numpy as np

N_COMPONENTS = 784
N_NEIGHBORS = 5
BIG = jnp.float32(1e10)


def setup_inputs(seed: int = 0) -> dict:
    key = jax.random.key(seed)
    toLearn = jax.random.normal(key, (1024, 1, 28, 28), dtype=jnp.float32)
    return {"toLearn": toLearn}


def _pairwise_dist(x):
    sq = jnp.sum(x * x, axis=1)
    d2 = sq[:, None] + sq[None, :] - 2.0 * (x @ x.T)
    return jnp.sqrt(jnp.maximum(d2, 0.0))


def _minplus_square(D, chunk=64):
    n = D.shape[0]
    outs = []
    for s in range(0, n, chunk):
        block = D[s:s + chunk]  # (c, n)
        cand = block[:, :, None] + D[None, :, :]  # (c, n, n)
        outs.append(jnp.min(cand, axis=1))
    return jnp.concatenate(outs, axis=0)


def _isomap(flat):
    n = flat.shape[0]
    D = _pairwise_dist(flat)
    # kNN graph (exclude self, which is always the nearest at distance 0)
    neg_d, idx = jax.lax.top_k(-D, N_NEIGHBORS + 1)
    nbr_idx = idx[:, 1:]
    nbr_dist = -neg_d[:, 1:]
    G = jnp.full((n, n), BIG, dtype=jnp.float32)
    rows = jnp.arange(n)[:, None]
    G = G.at[rows, nbr_idx].set(nbr_dist)
    G = jnp.minimum(G, G.T)  # undirected graph, like sklearn shortest_path(directed=False)
    G = G.at[jnp.arange(n), jnp.arange(n)].set(0.0)
    # all-pairs shortest paths via repeated min-plus squaring
    steps = int(np.ceil(np.log2(max(n - 1, 2))))
    for _ in range(steps):
        G = _minplus_square(G)
    finite = G < BIG * 0.5
    maxfin = jnp.max(jnp.where(finite, G, 0.0))
    D_geo = jnp.where(finite, G, maxfin)  # clamp disconnected components
    # classical MDS on geodesic distances (double centering)
    D2 = D_geo * D_geo
    row_mean = jnp.mean(D2, axis=1, keepdims=True)
    col_mean = jnp.mean(D2, axis=0, keepdims=True)
    tot = jnp.mean(D2)
    K = -0.5 * (D2 - row_mean - col_mean + tot)
    K = 0.5 * (K + K.T)
    evals, evecs = jnp.linalg.eigh(K)
    evals = evals[::-1][:N_COMPONENTS]
    evecs = evecs[:, ::-1][:, :N_COMPONENTS]
    emb = evecs * jnp.sqrt(jnp.maximum(evals, 0.0))[None, :]
    return emb.astype(jnp.float32)


def reference(toLearn):
    # torch.flatten(toLearn, 2, 3) then torch.flatten(..., 1, 2) -> [B, C*H*W]
    flat = toLearn.reshape(toLearn.shape[0], -1)
    # Isomap(n_components=784, n_neighbors=5).fit_transform(flat)
    return _isomap(flat)

if __name__ == "__main__":
    import jax
    _d = setup_inputs()
    print(jax.jit(kernel)(*tuple(_d.values())))

</pallas_src>

<mosaic_0001>
#map = affine_map<(d0, d1) -> (0)>
module attributes {stable_mosaic.version = 14 : i64} {
  func.func @_sc_topk_kernel(%arg0: i32, %arg1: i32, %arg2: memref<1048576xf32, #tpu.memory_space<hbm>>, %arg3: memref<16384xf32, #tpu.memory_space<hbm>>, %arg4: memref<16384xi32, #tpu.memory_space<hbm>>, %arg5: memref<32768xf32, #tpu.memory_space<vmem>>, %arg6: memref<512xf32, #tpu.memory_space<vmem>>, %arg7: memref<512xi32, #tpu.memory_space<vmem>>) attributes {dimension_semantics = [#tpu.dimension_semantics<core_parallel>, #tpu.dimension_semantics<subcore_parallel>], iteration_bounds = array<i64: 2, 16>, scalar_prefetch = 0 : i64, scratch_operands = 3 : i64, tpu.core_type = #tpu.core_type<sc_vector_subcore>, window_params = [{transform_indices = #map}, {transform_indices = #map}, {transform_indices = #map}]} {
    %mul3A = arith.constant 2 : i32
    %mul3A_0 = arith.muli %arg1, %mul3A : i32
    %add3A = arith.addi %mul3A_0, %arg0 : i32
    %mul3A_1 = arith.constant 32 : i32
    %mul3A_2 = arith.muli %add3A, %mul3A_1 : i32
    %mul3A_3 = arith.constant 1024 : i32
    %mul3A_4 = arith.muli %mul3A_2, %mul3A_3 : i32
    "tpu.region"() ({
      %run_scoped3A = tpu.sem_alloc : memref<!tpu.dma_semaphore, #tpu.memory_space<semaphore_mem>>
      %dma_start3A = tpu.memref_slice %arg2[%mul3A_4] : memref<1048576xf32, #tpu.memory_space<hbm>> -> memref<32768xf32, #tpu.memory_space<hbm>>
      %dma_start3A_14 = tpu.memref_slice %arg2[%mul3A_4] : memref<1048576xf32, #tpu.memory_space<hbm>> -> memref<32768xf32, #tpu.memory_space<hbm>>
      tpu.enqueue_dma source(%dma_start3A_14 : memref<32768xf32, #tpu.memory_space<hbm>>) target(%arg5 : memref<32768xf32, #tpu.memory_space<vmem>>) target_semaphore(%run_scoped3A : memref<!tpu.dma_semaphore, #tpu.memory_space<semaphore_mem>>)
      %dma_wait3A = tpu.memref_slice %arg2[%mul3A_4] : memref<1048576xf32, #tpu.memory_space<hbm>> -> memref<32768xf32, #tpu.memory_space<hbm>>
      %dma_wait3A_15 = tpu.memref_slice %arg2[%mul3A_4] : memref<1048576xf32, #tpu.memory_space<hbm>> -> memref<32768xf32, #tpu.memory_space<hbm>>
      tpu.wait_dma2 semaphore(%run_scoped3A : memref<!tpu.dma_semaphore, #tpu.memory_space<semaphore_mem>>) src(%dma_wait3A_15 : memref<32768xf32, #tpu.memory_space<hbm>>) dst(%arg5 : memref<32768xf32, #tpu.memory_space<vmem>>)
      tpu.yield
    }) : () -> ()
    %iota3A = tpu.iota {dimensions = array<i32: 0>} : vector<16xi32>
    %scan3A = arith.constant 0 : i32
    %scan3A_5 = arith.constant 0 : i32
    %scan3A_6 = arith.constant 32 : i32
    %scan3A_7 = arith.addi %scan3A_5, %scan3A_6 : i32
    %scan3A_8 = arith.constant 1 : i32
    scf.for %scan3A_14 = %scan3A_5 to %scan3A_7 step %scan3A_8  : i32 {
      %mul3A_15 = arith.constant 1024 : i32
      %mul3A_16 = arith.muli %scan3A_14, %mul3A_15 : i32
      %broadcast_in_dim3A = arith.constant -1.000000e+00 : f32
      %broadcast_in_dim3A_17 = vector.broadcast %broadcast_in_dim3A : f32 to vector<16xf32>
      %broadcast_in_dim3A_18 = arith.constant -1 : i32
      %broadcast_in_dim3A_19 = vector.broadcast %broadcast_in_dim3A_18 : i32 to vector<16xi32>
      %broadcast_in_dim3A_20 = arith.constant 0.000000e+00 : f32
      %broadcast_in_dim3A_21 = vector.broadcast %broadcast_in_dim3A_20 : f32 to vector<16xf32>
      %broadcast_in_dim3A_22 = arith.constant 0 : i32
      %broadcast_in_dim3A_23 = vector.broadcast %broadcast_in_dim3A_22 : i32 to vector<16xi32>
      %broadcast_in_dim3A_24 = arith.constant 3.000000e+38 : f32
      %broadcast_in_dim3A_25 = vector.broadcast %broadcast_in_dim3A_24 : f32 to vector<16xf32>
      %broadcast_in_dim3A_26 = arith.constant 0 : i32
      %broadcast_in_dim3A_27 = vector.broadcast %broadcast_in_dim3A_26 : i32 to vector<16xi32>
      %scan3A_28 = arith.constant 0 : i32
      %scan3A_29 = arith.constant 64 : i32
      %scan3A_30 = arith.addi %scan3A_28, %scan3A_29 : i32
      %scan3A_31 = arith.constant 1 : i32
      %scan3A_32:2 = scf.for %scan3A_854 = %scan3A_28 to %scan3A_30 step %scan3A_31 iter_args(%scan3A_855 = %broadcast_in_dim3A_25, %scan3A_856 = %broadcast_in_dim3A_27) -> (vector<16xf32>, vector<16xi32>)  : i32 {
        %mul3A_857 = arith.constant 16 : i32
        %mul3A_858 = arith.muli %scan3A_854, %mul3A_857 : i32
        %add3A_859 = arith.addi %mul3A_16, %mul3A_858 : i32
        %multiple_of3A_860 = tpu.assume_multiple %add3A_859, 16 : i32
        %get3A = arith.index_cast %multiple_of3A_860 : i32 to index
        %get3A_861 = tpu.vector_load %arg5[%get3A] {strides = array<i32>} : memref<32768xf32, #tpu.memory_space<vmem>>, vector<16xf32>,
        %get3A_862 = vector.shape_cast %get3A_861 : vector<16xf32> to vector<16xf32>
        %mul3A_863 = arith.constant 16 : i32
        %mul3A_864 = arith.muli %scan3A_854, %mul3A_863 : i32
        %add3A_865 = vector.broadcast %mul3A_864 : i32 to vector<16xi32>
        %add3A_866 = arith.addi %add3A_865, %iota3A : vector<16xi32>
        %gt3A = arith.cmpf ogt, %get3A_862, %broadcast_in_dim3A_17 : vector<16xf32>
        %eq3A_867 = arith.cmpf oeq, %get3A_862, %broadcast_in_dim3A_17 : vector<16xf32>
        %gt3A_868 = arith.cmpi sgt, %add3A_866, %broadcast_in_dim3A_19 : vector<16xi32>
        %and3A = arith.andi %eq3A_867, %gt3A_868 : vector<16xi1>
        %or3A = arith.ori %gt3A, %and3A : vector<16xi1>
        %jit3A_869 = arith.constant 3.000000e+38 : f32
        %broadcast_in_dim3A_870 = vector.broadcast %jit3A_869 : f32 to vector<16xf32>
        %select_n3A_871 = arith.select %or3A, %get3A_862, %broadcast_in_dim3A_870 : vector<16xi1>, vector<16xf32>
        %lt3A_872 = arith.cmpf olt, %select_n3A_871, %scan3A_855 : vector<16xf32>
        %select_n3A_873 = arith.select %lt3A_872, %select_n3A_871, %scan3A_855 : vector<16xi1>, vector<16xf32>
        %broadcast_in_dim3A_874 = vector.broadcast %scan3A_854 : i32 to vector<16xi32>
        %select_n3A_875 = arith.select %lt3A_872, %broadcast_in_dim3A_874, %scan3A_856 : vector<16xi1>, vector<16xi32>
        scf.yield %select_n3A_873, %select_n3A_875 : vector<16xf32>, vector<16xi32>
      }
      %scan3A_33 = arith.constant 64 : i32
      %xor3A = arith.constant 8 : i32
      %xor3A_34 = vector.broadcast %xor3A : i32 to vector<16xi32>
      %xor3A_35 = arith.xori %iota3A, %xor3A_34 : vector<16xi32>
      %lt3A = arith.constant 0 : i32
      %lt3A_36 = vector.broadcast %lt3A : i32 to vector<16xi32>
      %lt3A_37 = arith.cmpi slt, %xor3A_35, %lt3A_36 : vector<16xi32>
      %add3A_38 = arith.constant 16 : i32
      %add3A_39 = vector.broadcast %add3A_38 : i32 to vector<16xi32>
      %add3A_40 = arith.addi %xor3A_35, %add3A_39 : vector<16xi32>
      %select_n3A = arith.select %lt3A_37, %add3A_40, %xor3A_35 : vector<16xi1>, vector<16xi32>
      %broadcast_in_dim3A_41 = vector.shape_cast %select_n3A : vector<16xi32> to vector<16x1xi32>
      %gather3A = vector.shape_cast %broadcast_in_dim3A_41 : vector<16x1xi32> to vector<16xi32>
      %gather3A_42 = tpu.dynamic_gather %scan3A_32#0[%gather3A] in [0] : vector<16xf32>, vector<16xi32> -> vector<16xf32>
      %min3A = arith.minimumf %scan3A_32#0, %gather3A_42 : vector<16xf32>
      %xor3A_43 = arith.constant 4 : i32
      %xor3A_44 = vector.broadcast %xor3A_43 : i32 to vector<16xi32>
      %xor3A_45 = arith.xori %iota3A, %xor3A_44 : vector<16xi32>
      %lt3A_46 = arith.constant 0 : i32
      %lt3A_47 = vector.broadcast %lt3A_46 : i32 to vector<16xi32>
      %lt3A_48 = arith.cmpi slt, %xor3A_45, %lt3A_47 : vector<16xi32>
      %add3A_49 = arith.constant 16 : i32
      %add3A_50 = vector.broadcast %add3A_49 : i32 to vector<16xi32>
      %add3A_51 = arith.addi %xor3A_45, %add3A_50 : vector<16xi32>
      %select_n3A_52 = arith.select %lt3A_48, %add3A_51, %xor3A_45 : vector<16xi1>, vector<16xi32>
      %broadcast_in_dim3A_53 = vector.shape_cast %select_n3A_52 : vector<16xi32> to vector<16x1xi32>
      %gather3A_54 = vector.shape_cast %broadcast_in_dim3A_53 : vector<16x1xi32> to vector<16xi32>
      %gather3A_55 = tpu.dynamic_gather %min3A[%gather3A_54] in [0] : vector<16xf32>, vector<16xi32> -> vector<16xf32>
      %min3A_56 = arith.minimumf %min3A, %gather3A_55 : vector<16xf32>
      %xor3A_57 = arith.constant 2 : i32
      %xor3A_58 = vector.broadcast %xor3A_57 : i32 to vector<16xi32>
      %xor3A_59 = arith.xori %iota3A, %xor3A_58 : vector<16xi32>
      %lt3A_60 = arith.constant 0 : i32
      %lt3A_61 = vector.broadcast %lt3A_60 : i32 to vector<16xi32>
      %lt3A_62 = arith.cmpi slt, %xor3A_59, %lt3A_61 : vector<16xi32>
      %add3A_63 = arith.constant 16 : i32
      %add3A_64 = vector.broadcast %add3A_63 : i32 to vector<16xi32>
      %add3A_65 = arith.addi %xor3A_59, %add3A_64 : vector<16xi32>
      %select_n3A_66 = arith.select %lt3A_62, %add3A_65, %xor3A_59 : vector<16xi1>, vector<16xi32>
      %broadcast_in_dim3A_67 = vector.shape_cast %select_n3A_66 : vector<16xi32> to vector<16x1xi32>
      %gather3A_68 = vector.shape_cast %broadcast_in_dim3A_67 : vector<16x1xi32> to vector<16xi32>
      %gather3A_69 = tpu.dynamic_gather %min3A_56[%gather3A_68] in [0] : vector<16xf32>, vector<16xi32> -> vector<16xf32>
      %min3A_70 = arith.minimumf %min3A_56, %gather3A_69 : vector<16xf32>
      %xor3A_71 = arith.constant 1 : i32
      %xor3A_72 = vector.broadcast %xor3A_71 : i32 to vector<16xi32>
      %xor3A_73 = arith.xori %iota3A, %xor3A_72 : vector<16xi32>
      %lt3A_74 = arith.constant 0 : i32
      %lt3A_75 = vector.broadcast %lt3A_74 : i32 to vector<16xi32>
      %lt3A_76 = arith.cmpi slt, %xor3A_73, %lt3A_75 : vector<16xi32>
      %add3A_77 = arith.constant 16 : i32
      %add3A_78 = vector.broadcast %add3A_77 : i32 to vector<16xi32>
      %add3A_79 = arith.addi %xor3A_73, %add3A_78 : vector<16xi32>
      %select_n3A_80 = arith.select %lt3A_76, %add3A_79, %xor3A_73 : vector<16xi1>, vector<16xi32>
      %broadcast_in_dim3A_81 = vector.shape_cast %select_n3A_80 : vector<16xi32> to vector<16x1xi32>
      %gather3A_82 = vector.shape_cast %broadcast_in_dim3A_81 : vector<16x1xi32> to vector<16xi32>
      %gather3A_83 = tpu.dynamic_gather %min3A_70[%gather3A_82] in [0] : vector<16xf32>, vector<16xi32> -> vector<16xf32>
      %min3A_84 = arith.minimumf %min3A_70, %gather3A_83 : vector<16xf32>
      %eq3A = arith.cmpf oeq, %scan3A_32#0, %min3A_84 : vector<16xf32>
      %mul3A_85 = arith.constant 16 : i32
      %mul3A_86 = vector.broadcast %mul3A_85 : i32 to vector<16xi32>
      %mul3A_87 = arith.muli %scan3A_32#1, %mul3A_86 : vector<16xi32>
      %add3A_88 = arith.addi %mul3A_87, %iota3A : vector<16xi32>
      %jit3A = arith.constant 1073741824 : i32
      %broadcast_in_dim3A_89 = vector.broadcast %jit3A : i32 to vector<16xi32>
      %select_n3A_90 = arith.select %eq3A, %add3A_88, %broadcast_in_dim3A_89 : vector<16xi1>, vector<16xi32>
      %xor3A_91 = arith.constant 8 : i32
      %xor3A_92 = vector.broadcast %xor3A_91 : i32 to vector<16xi32>
      %xor3A_93 = arith.xori %iota3A, %xor3A_92 : vector<16xi32>
      %lt3A_94 = arith.constant 0 : i32
      %lt3A_95 = vector.broadcast %lt3A_94 : i32 to vector<16xi32>
      %lt3A_96 = arith.cmpi slt, %xor3A_93, %lt3A_95 : vector<16xi32>
      %add3A_97 = arith.constant 16 : i32
      %add3A_98 = vector.broadcast %add3A_97 : i32 to vector<16xi32>
      %add3A_99 = arith.addi %xor3A_93, %add3A_98 : vector<16xi32>
      %select_n3A_100 = arith.select %lt3A_96, %add3A_99, %xor3A_93 : vector<16xi1>, vector<16xi32>
      %broadcast_in_dim3A_101 = vector.shape_cast %select_n3A_100 : vector<16xi32> to vector<16x1xi32>
      %gather3A_102 = vector.shape_cast %broadcast_in_dim3A_101 : vector<16x1xi32> to vector<16xi32>
      %gather3A_103 = tpu.dynamic_gather %select_n3A_90[%gather3A_102] in [0] : vector<16xi32>, vector<16xi32> -> vector<16xi32>
      %min3A_104 = arith.minsi %select_n3A_90, %gather3A_103 : vector<16xi32>
      %xor3A_105 = arith.constant 4 : i32
      %xor3A_106 = vector.broadcast %xor3A_105 : i32 to vector<16xi32>
      %xor3A_107 = arith.xori %iota3A, %xor3A_106 : vector<16xi32>
      %lt3A_108 = arith.constant 0 : i32
      %lt3A_109 = vector.broadcast %lt3A_108 : i32 to vector<16xi32>
      %lt3A_110 = arith.cmpi slt, %xor3A_107, %lt3A_109 : vector<16xi32>
      %add3A_111 = arith.constant 16 : i32
      %add3A_112 = vector.broadcast %add3A_111 : i32 to vector<16xi32>
      %add3A_113 = arith.addi %xor3A_107, %add3A_112 : vector<16xi32>
      %select_n3A_114 = arith.select %lt3A_110, %add3A_113, %xor3A_107 : vector<16xi1>, vector<16xi32>
      %broadcast_in_dim3A_115 = vector.shape_cast %select_n3A_114 : vector<16xi32> to vector<16x1xi32>
      %gather3A_116 = vector.shape_cast %broadcast_in_dim3A_115 : vector<16x1xi32> to vector<16xi32>
      %gather3A_117 = tpu.dynamic_gather %min3A_104[%gather3A_116] in [0] : vector<16xi32>, vector<16xi32> -> vector<16xi32>
      %min3A_118 = arith.minsi %min3A_104, %gather3A_117 : vector<16xi32>
      %xor3A_119 = arith.constant 2 : i32
      %xor3A_120 = vector.broadcast %xor3A_119 : i32 to vector<16xi32>
      %xor3A_121 = arith.xori %iota3A, %xor3A_120 : vector<16xi32>
      %lt3A_122 = arith.constant 0 : i32
      %lt3A_123 = vector.broadcast %lt3A_122 : i32 to vector<16xi32>
      %lt3A_124 = arith.cmpi slt, %xor3A_121, %lt3A_123 : vector<16xi32>
      %add3A_125 = arith.constant 16 : i32
      %add3A_126 = vector.broadcast %add3A_125 : i32 to vector<16xi32>
      %add3A_127 = arith.addi %xor3A_121, %add3A_126 : vector<16xi32>
      %select_n3A_128 = arith.select %lt3A_124, %add3A_127, %xor3A_121 : vector<16xi1>, vector<16xi32>
      %broadcast_in_dim3A_129 = vector.shape_cast %select_n3A_128 : vector<16xi32> to vector<16x1xi32>
      %gather3A_130 = vector.shape_cast %broadcast_in_dim3A_129 : vector<16x1xi32> to vector<16xi32>
      %gather3A_131 = tpu.dynamic_gather %min3A_118[%gather3A_130] in [0] : vector<16xi32>, vector<16xi32> -> vector<16xi32>
      %min3A_132 = arith.minsi %min3A_118, %gather3A_131 : vector<16xi32>
      %xor3A_133 = arith.constant 1 : i32
      %xor3A_134 = vector.broadcast %xor3A_133 : i32 to vector<16xi32>
      %xor3A_135 = arith.xori %iota3A, %xor3A_134 : vector<16xi32>
      %lt3A_136 = arith.constant 0 : i32
      %lt3A_137 = vector.broadcast %lt3A_136 : i32 to vector<16xi32>
      %lt3A_138 = arith.cmpi slt, %xor3A_135, %lt3A_137 : vector<16xi32>
      %add3A_139 = arith.constant 16 : i32
      %add3A_140 = vector.broadcast %add3A_139 : i32 to vector<16xi32>
      %add3A_141 = arith.addi %xor3A_135, %add3A_140 : vector<16xi32>
      %select_n3A_142 = arith.select %lt3A_138, %add3A_141, %xor3A_135 : vector<16xi1>, vector<16xi32>
      %broadcast_in_dim3A_143 = vector.shape_cast %select_n3A_142 : vector<16xi32> to vector<16x1xi32>
      %gather3A_144 = vector.shape_cast %broadcast_in_dim3A_143 : vector<16x1xi32> to vector<16xi32>
      %gather3A_145 = tpu.dynamic_gather %min3A_132[%gather3A_144] in [0] : vector<16xi32>, vector<16xi32> -> vector<16xi32>
      %min3A_146 = arith.minsi %min3A_132, %gather3A_145 : vector<16xi32>
      %eq3A_147 = arith.constant 0 : i32
      %eq3A_148 = vector.broadcast %eq3A_147 : i32 to vector<16xi32>
      %eq3A_149 = arith.cmpi eq, %iota3A, %eq3A_148 : vector<16xi32>
      %select_n3A_150 = arith.select %eq3A_149, %min3A_84, %broadcast_in_dim3A_21 : vector<16xi1>, vector<16xf32>
      %eq3A_151 = arith.constant 0 : i32
      %eq3A_152 = vector.broadcast %eq3A_151 : i32 to vector<16xi32>
      %eq3A_153 = arith.cmpi eq, %iota3A, %eq3A_152 : vector<16xi32>
      %select_n3A_154 = arith.select %eq3A_153, %min3A_146, %broadcast_in_dim3A_23 : vector<16xi1>, vector<16xi32>
      %broadcast_in_dim3A_155 = arith.constant 3.000000e+38 : f32
      %broadcast_in_dim3A_156 = vector.broadcast %broadcast_in_dim3A_155 : f32 to vector<16xf32>
      %broadcast_in_dim3A_157 = arith.constant 0 : i32
      %broadcast_in_dim3A_158 = vector.broadcast %broadcast_in_dim3A_157 : i32 to vector<16xi32>
      %scan3A_159 = arith.constant 0 : i32
      %scan3A_160 = arith.constant 64 : i32
      %scan3A_161 = arith.addi %scan3A_159, %scan3A_160 : i32
      %scan3A_162 = arith.constant 1 : i32
      %scan3A_163:2 = scf.for %scan3A_854 = %scan3A_159 to %scan3A_161 step %scan3A_162 iter_args(%scan3A_855 = %broadcast_in_dim3A_156, %scan3A_856 = %broadcast_in_dim3A_158) -> (vector<16xf32>, vector<16xi32>)  : i32 {
        %mul3A_857 = arith.constant 16 : i32
        %mul3A_858 = arith.muli %scan3A_854, %mul3A_857 : i32
        %add3A_859 = arith.addi %mul3A_16, %mul3A_858 : i32
        %multiple_of3A_860 = tpu.assume_multiple %add3A_859, 16 : i32
        %get3A = arith.index_cast %multiple_of3A_860 : i32 to index
        %get3A_861 = tpu.vector_load %arg5[%get3A] {strides = array<i32>} : memref<32768xf32, #tpu.memory_space<vmem>>, vector<16xf32>,
        %get3A_862 = vector.shape_cast %get3A_861 : vector<16xf32> to vector<16xf32>
        %mul3A_863 = arith.constant 16 : i32
        %mul3A_864 = arith.muli %scan3A_854, %mul3A_863 : i32
        %add3A_865 = vector.broadcast %mul3A_864 : i32 to vector<16xi32>
        %add3A_866 = arith.addi %add3A_865, %iota3A : vector<16xi32>
        %gt3A = arith.cmpf ogt, %get3A_862, %min3A_84 : vector<16xf32>
        %eq3A_867 = arith.cmpf oeq, %get3A_862, %min3A_84 : vector<16xf32>
        %gt3A_868 = arith.cmpi sgt, %add3A_866, %min3A_146 : vector<16xi32>
        %and3A = arith.andi %eq3A_867, %gt3A_868 : vector<16xi1>
        %or3A = arith.ori %gt3A, %and3A : vector<16xi1>
        %jit3A_869 = arith.constant 3.000000e+38 : f32
        %broadcast_in_dim3A_870 = vector.broadcast %jit3A_869 : f32 to vector<16xf32>
        %select_n3A_871 = arith.select %or3A, %get3A_862, %broadcast_in_dim3A_870 : vector<16xi1>, vector<16xf32>
        %lt3A_872 = arith.cmpf olt, %select_n3A_871, %scan3A_855 : vector<16xf32>
        %select_n3A_873 = arith.select %lt3A_872, %select_n3A_871, %scan3A_855 : vector<16xi1>, vector<16xf32>
        %broadcast_in_dim3A_874 = vector.broadcast %scan3A_854 : i32 to vector<16xi32>
        %select_n3A_875 = arith.select %lt3A_872, %broadcast_in_dim3A_874, %scan3A_856 : vector<16xi1>, vector<16xi32>
        scf.yield %select_n3A_873, %select_n3A_875 : vector<16xf32>, vector<16xi32>
      }
      %scan3A_164 = arith.constant 64 : i32
      %xor3A_165 = arith.constant 8 : i32
      %xor3A_166 = vector.broadcast %xor3A_165 : i32 to vector<16xi32>
      %xor3A_167 = arith.xori %iota3A, %xor3A_166 : vector<16xi32>
      %lt3A_168 = arith.constant 0 : i32
      %lt3A_169 = vector.broadcast %lt3A_168 : i32 to vector<16xi32>
      %lt3A_170 = arith.cmpi slt, %xor3A_167, %lt3A_169 : vector<16xi32>
      %add3A_171 = arith.constant 16 : i32
      %add3A_172 = vector.broadcast %add3A_171 : i32 to vector<16xi32>
      %add3A_173 = arith.addi %xor3A_167, %add3A_172 : vector<16xi32>
      %select_n3A_174 = arith.select %lt3A_170, %add3A_173, %xor3A_167 : vector<16xi1>, vector<16xi32>
      %broadcast_in_dim3A_175 = vector.shape_cast %select_n3A_174 : vector<16xi32> to vector<16x1xi32>
      %gather3A_176 = vector.shape_cast %broadcast_in_dim3A_175 : vector<16x1xi32> to vector<16xi32>
      %gather3A_177 = tpu.dynamic_gather %scan3A_163#0[%gather3A_176] in [0] : vector<16xf32>, vector<16xi32> -> vector<16xf32>
      %min3A_178 = arith.minimumf %scan3A_163#0, %gather3A_177 : vector<16xf32>
      %xor3A_179 = arith.constant 4 : i32
      %xor3A_180 = vector.broadcast %xor3A_179 : i32 to vector<16xi32>
      %xor3A_181 = arith.xori %iota3A, %xor3A_180 : vector<16xi32>
      %lt3A_182 = arith.constant 0 : i32
      %lt3A_183 = vector.broadcast %lt3A_182 : i32 to vector<16xi32>
      %lt3A_184 = arith.cmpi slt, %xor3A_181, %lt3A_183 : vector<16xi32>
      %add3A_185 = arith.constant 16 : i32
      %add3A_186 = vector.broadcast %add3A_185 : i32 to vector<16xi32>
      %add3A_187 = arith.addi %xor3A_181, %add3A_186 : vector<16xi32>
      %select_n3A_188 = arith.select %lt3A_184, %add3A_187, %xor3A_181 : vector<16xi1>, vector<16xi32>
      %broadcast_in_dim3A_189 = vector.shape_cast %select_n3A_188 : vector<16xi32> to vector<16x1xi32>
      %gather3A_190 = vector.shape_cast %broadcast_in_dim3A_189 : vector<16x1xi32> to vector<16xi32>
      %gather3A_191 = tpu.dynamic_gather %min3A_178[%gather3A_190] in [0] : vector<16xf32>, vector<16xi32> -> vector<16xf32>
      %min3A_192 = arith.minimumf %min3A_178, %gather3A_191 : vector<16xf32>
      %xor3A_193 = arith.constant 2 : i32
      %xor3A_194 = vector.broadcast %xor3A_193 : i32 to vector<16xi32>
      %xor3A_195 = arith.xori %iota3A, %xor3A_194 : vector<16xi32>
      %lt3A_196 = arith.constant 0 : i32
      %lt3A_197 = vector.broadcast %lt3A_196 : i32 to vector<16xi32>
      %lt3A_198 = arith.cmpi slt, %xor3A_195, %lt3A_197 : vector<16xi32>
      %add3A_199 = arith.constant 16 : i32
      %add3A_200 = vector.broadcast %add3A_199 : i32 to vector<16xi32>
      %add3A_201 = arith.addi %xor3A_195, %add3A_200 : vector<16xi32>
      %select_n3A_202 = arith.select %lt3A_198, %add3A_201, %xor3A_195 : vector<16xi1>, vector<16xi32>
      %broadcast_in_dim3A_203 = vector.shape_cast %select_n3A_202 : vector<16xi32> to vector<16x1xi32>
      %gather3A_204 = vector.shape_cast %broadcast_in_dim3A_203 : vector<16x1xi32> to vector<16xi32>
      %gather3A_205 = tpu.dynamic_gather %min3A_192[%gather3A_204] in [0] : vector<16xf32>, vector<16xi32> -> vector<16xf32>
      %min3A_206 = arith.minimumf %min3A_192, %gather3A_205 : vector<16xf32>
      %xor3A_207 = arith.constant 1 : i32
      %xor3A_208 = vector.broadcast %xor3A_207 : i32 to vector<16xi32>
      %xor3A_209 = arith.xori %iota3A, %xor3A_208 : vector<16xi32>
      %lt3A_210 = arith.constant 0 : i32
      %lt3A_211 = vector.broadcast %lt3A_210 : i32 to vector<16xi32>
      %lt3A_212 = arith.cmpi slt, %xor3A_209, %lt3A_211 : vector<16xi32>
      %add3A_213 = arith.constant 16 : i32
      %add3A_214 = vector.broadcast %add3A_213 : i32 to vector<16xi32>
      %add3A_215 = arith.addi %xor3A_209, %add3A_214 : vector<16xi32>
      %select_n3A_216 = arith.select %lt3A_212, %add3A_215, %xor3A_209 : vector<16xi1>, vector<16xi32>
      %broadcast_in_dim3A_217 = vector.shape_cast %select_n3A_216 : vector<16xi32> to vector<16x1xi32>
      %gather3A_218 = vector.shape_cast %broadcast_in_dim3A_217 : vector<16x1xi32> to vector<16xi32>
      %gather3A_219 = tpu.dynamic_gather %min3A_206[%gather3A_218] in [0] : vector<16xf32>, vector<16xi32> -> vector<16xf32>
      %min3A_220 = arith.minimumf %min3A_206, %gather3A_219 : vector<16xf32>
      %eq3A_221 = arith.cmpf oeq, %scan3A_163#0, %min3A_220 : vector<16xf32>
      %mul3A_222 = arith.constant 16 : i32
      %mul3A_223 = vector.broadcast %mul3A_222 : i32 to vector<16xi32>
      %mul3A_224 = arith.muli %scan3A_163#1, %mul3A_223 : vector<16xi32>
      %add3A_225 = arith.addi %mul3A_224, %iota3A : vector<16xi32>
      %jit3A_226 = arith.constant 1073741824 : i32
      %broadcast_in_dim3A_227 = vector.broadcast %jit3A_226 : i32 to vector<16xi32>
      %select_n3A_228 = arith.select %eq3A_221, %add3A_225, %broadcast_in_dim3A_227 : vector<16xi1>, vector<16xi32>
      %xor3A_229 = arith.constant 8 : i32
      %xor3A_230 = vector.broadcast %xor3A_229 : i32 to vector<16xi32>
      %xor3A_231 = arith.xori %iota3A, %xor3A_230 : vector<16xi32>
      %lt3A_232 = arith.constant 0 : i32
      %lt3A_233 = vector.broadcast %lt3A_232 : i32 to vector<16xi32>
      %lt3A_234 = arith.cmpi slt, %xor3A_231, %lt3A_233 : vector<16xi32>
      %add3A_235 = arith.constant 16 : i32
      %add3A_236 = vector.broadcast %add3A_235 : i32 to vector<16xi32>
      %add3A_237 = arith.addi %xor3A_231, %add3A_236 : vector<16xi32>
      %select_n3A_238 = arith.select %lt3A_234, %add3A_237, %xor3A_231 : vector<16xi1>, vector<16xi32>
      %broadcast_in_dim3A_239 = vector.shape_cast %select_n3A_238 : vector<16xi32> to vector<16x1xi32>
      %gather3A_240 = vector.shape_cast %broadcast_in_dim3A_239 : vector<16x1xi32> to vector<16xi32>
      %gather3A_241 = tpu.dynamic_gather %select_n3A_228[%gather3A_240] in [0] : vector<16xi32>, vector<16xi32> -> vector<16xi32>
      %min3A_242 = arith.minsi %select_n3A_228, %gather3A_241 : vector<16xi32>
      %xor3A_243 = arith.constant 4 : i32
      %xor3A_244 = vector.broadcast %xor3A_243 : i32 to vector<16xi32>
      %xor3A_245 = arith.xori %iota3A, %xor3A_244 : vector<16xi32>
      %lt3A_246 = arith.constant 0 : i32
      %lt3A_247 = vector.broadcast %lt3A_246 : i32 to vector<16xi32>
      %lt3A_248 = arith.cmpi slt, %xor3A_245, %lt3A_247 : vector<16xi32>
      %add3A_249 = arith.constant 16 : i32
      %add3A_250 = vector.broadcast %add3A_249 : i32 to vector<16xi32>
      %add3A_251 = arith.addi %xor3A_245, %add3A_250 : vector<16xi32>
      %select_n3A_252 = arith.select %lt3A_248, %add3A_251, %xor3A_245 : vector<16xi1>, vector<16xi32>
      %broadcast_in_dim3A_253 = vector.shape_cast %select_n3A_252 : vector<16xi32> to vector<16x1xi32>
      %gather3A_254 = vector.shape_cast %broadcast_in_dim3A_253 : vector<16x1xi32> to vector<16xi32>
      %gather3A_255 = tpu.dynamic_gather %min3A_242[%gather3A_254] in [0] : vector<16xi32>, vector<16xi32> -> vector<16xi32>
      %min3A_256 = arith.minsi %min3A_242, %gather3A_255 : vector<16xi32>
      %xor3A_257 = arith.constant 2 : i32
      %xor3A_258 = vector.broadcast %xor3A_257 : i32 to vector<16xi32>
      %xor3A_259 = arith.xori %iota3A, %xor3A_258 : vector<16xi32>
      %lt3A_260 = arith.constant 0 : i32
      %lt3A_261 = vector.broadcast %lt3A_260 : i32 to vector<16xi32>
      %lt3A_262 = arith.cmpi slt, %xor3A_259, %lt3A_261 : vector<16xi32>
      %add3A_263 = arith.constant 16 : i32
      %add3A_264 = vector.broadcast %add3A_263 : i32 to vector<16xi32>
      %add3A_265 = arith.addi %xor3A_259, %add3A_264 : vector<16xi32>
      %select_n3A_266 = arith.select %lt3A_262, %add3A_265, %xor3A_259 : vector<16xi1>, vector<16xi32>
      %broadcast_in_dim3A_267 = vector.shape_cast %select_n3A_266 : vector<16xi32> to vector<16x1xi32>
      %gather3A_268 = vector.shape_cast %broadcast_in_dim3A_267 : vector<16x1xi32> to vector<16xi32>
      %gather3A_269 = tpu.dynamic_gather %min3A_256[%gather3A_268] in [0] : vector<16xi32>, vector<16xi32> -> vector<16xi32>
      %min3A_270 = arith.minsi %min3A_256, %gather3A_269 : vector<16xi32>
      %xor3A_271 = arith.constant 1 : i32
      %xor3A_272 = vector.broadcast %xor3A_271 : i32 to vector<16xi32>
      %xor3A_273 = arith.xori %iota3A, %xor3A_272 : vector<16xi32>
      %lt3A_274 = arith.constant 0 : i32
      %lt3A_275 = vector.broadcast %lt3A_274 : i32 to vector<16xi32>
      %lt3A_276 = arith.cmpi slt, %xor3A_273, %lt3A_275 : vector<16xi32>
      %add3A_277 = arith.constant 16 : i32
      %add3A_278 = vector.broadcast %add3A_277 : i32 to vector<16xi32>
      %add3A_279 = arith.addi %xor3A_273, %add3A_278 : vector<16xi32>
      %select_n3A_280 = arith.select %lt3A_276, %add3A_279, %xor3A_273 : vector<16xi1>, vector<16xi32>
      %broadcast_in_dim3A_281 = vector.shape_cast %select_n3A_280 : vector<16xi32> to vector<16x1xi32>
      %gather3A_282 = vector.shape_cast %broadcast_in_dim3A_281 : vector<16x1xi32> to vector<16xi32>
      %gather3A_283 = tpu.dynamic_gather %min3A_270[%gather3A_282] in [0] : vector<16xi32>, vector<16xi32> -> vector<16xi32>
      %min3A_284 = arith.minsi %min3A_270, %gather3A_283 : vector<16xi32>
      %eq3A_285 = arith.constant 1 : i32
      %eq3A_286 = vector.broadcast %eq3A_285 : i32 to vector<16xi32>
      %eq3A_287 = arith.cmpi eq, %iota3A, %eq3A_286 : vector<16xi32>
      %select_n3A_288 = arith.select %eq3A_287, %min3A_220, %select_n3A_150 : vector<16xi1>, vector<16xf32>
      %eq3A_289 = arith.constant 1 : i32
      %eq3A_290 = vector.broadcast %eq3A_289 : i32 to vector<16xi32>
      %eq3A_291 = arith.cmpi eq, %iota3A, %eq3A_290 : vector<16xi32>
      %select_n3A_292 = arith.select %eq3A_291, %min3A_284, %select_n3A_154 : vector<16xi1>, vector<16xi32>
      %broadcast_in_dim3A_293 = arith.constant 3.000000e+38 : f32
      %broadcast_in_dim3A_294 = vector.broadcast %broadcast_in_dim3A_293 : f32 to vector<16xf32>
      %broadcast_in_dim3A_295 = arith.constant 0 : i32
      %broadcast_in_dim3A_296 = vector.broadcast %broadcast_in_dim3A_295 : i32 to vector<16xi32>
      %scan3A_297 = arith.constant 0 : i32
      %scan3A_298 = arith.constant 64 : i32
      %scan3A_299 = arith.addi %scan3A_297, %scan3A_298 : i32
      %scan3A_300 = arith.constant 1 : i32
      %scan3A_301:2 = scf.for %scan3A_854 = %scan3A_297 to %scan3A_299 step %scan3A_300 iter_args(%scan3A_855 = %broadcast_in_dim3A_294, %scan3A_856 = %broadcast_in_dim3A_296) -> (vector<16xf32>, vector<16xi32>)  : i32 {
        %mul3A_857 = arith.constant 16 : i32
        %mul3A_858 = arith.muli %scan3A_854, %mul3A_857 : i32
        %add3A_859 = arith.addi %mul3A_16, %mul3A_858 : i32
        %multiple_of3A_860 = tpu.assume_multiple %add3A_859, 16 : i32
        %get3A = arith.index_cast %multiple_of3A_860 : i32 to index
        %get3A_861 = tpu.vector_load %arg5[%get3A] {strides = array<i32>} : memref<32768xf32, #tpu.memory_space<vmem>>, vector<16xf32>,
        %get3A_862 = vector.shape_cast %get3A_861 : vector<16xf32> to vector<16xf32>
        %mul3A_863 = arith.constant 16 : i32
        %mul3A_864 = arith.muli %scan3A_854, %mul3A_863 : i32
        %add3A_865 = vector.broadcast %mul3A_864 : i32 to vector<16xi32>
        %add3A_866 = arith.addi %add3A_865, %iota3A : vector<16xi32>
        %gt3A = arith.cmpf ogt, %get3A_862, %min3A_220 : vector<16xf32>
        %eq3A_867 = arith.cmpf oeq, %get3A_862, %min3A_220 : vector<16xf32>
        %gt3A_868 = arith.cmpi sgt, %add3A_866, %min3A_284 : vector<16xi32>
        %and3A = arith.andi %eq3A_867, %gt3A_868 : vector<16xi1>
        %or3A = arith.ori %gt3A, %and3A : vector<16xi1>
        %jit3A_869 = arith.constant 3.000000e+38 : f32
        %broadcast_in_dim3A_870 = vector.broadcast %jit3A_869 : f32 to vector<16xf32>
        %select_n3A_871 = arith.select %or3A, %get3A_862, %broadcast_in_dim3A_870 : vector<16xi1>, vector<16xf32>
        %lt3A_872 = arith.cmpf olt, %select_n3A_871, %scan3A_855 : vector<16xf32>
        %select_n3A_873 = arith.select %lt3A_872, %select_n3A_871, %scan3A_855 : vector<16xi1>, vector<16xf32>
        %broadcast_in_dim3A_874 = vector.broadcast %scan3A_854 : i32 to vector<16xi32>
        %select_n3A_875 = arith.select %lt3A_872, %broadcast_in_dim3A_874, %scan3A_856 : vector<16xi1>, vector<16xi32>
        scf.yield %select_n3A_873, %select_n3A_875 : vector<16xf32>, vector<16xi32>
      }
      %scan3A_302 = arith.constant 64 : i32
      %xor3A_303 = arith.constant 8 : i32
      %xor3A_304 = vector.broadcast %xor3A_303 : i32 to vector<16xi32>
      %xor3A_305 = arith.xori %iota3A, %xor3A_304 : vector<16xi32>
      %lt3A_306 = arith.constant 0 : i32
      %lt3A_307 = vector.broadcast %lt3A_306 : i32 to vector<16xi32>
      %lt3A_308 = arith.cmpi slt, %xor3A_305, %lt3A_307 : vector<16xi32>
      %add3A_309 = arith.constant 16 : i32
      %add3A_310 = vector.broadcast %add3A_309 : i32 to vector<16xi32>
      %add3A_311 = arith.addi %xor3A_305, %add3A_310 : vector<16xi32>
      %select_n3A_312 = arith.select %lt3A_308, %add3A_311, %xor3A_305 : vector<16xi1>, vector<16xi32>
      %broadcast_in_dim3A_313 = vector.shape_cast %select_n3A_312 : vector<16xi32> to vector<16x1xi32>
      %gather3A_314 = vector.shape_cast %broadcast_in_dim3A_313 : vector<16x1xi32> to vector<16xi32>
      %gather3A_315 = tpu.dynamic_gather %scan3A_301#0[%gather3A_314] in [0] : vector<16xf32>, vector<16xi32> -> vector<16xf32>
      %min3A_316 = arith.minimumf %scan3A_301#0, %gather3A_315 : vector<16xf32>
      %xor3A_317 = arith.constant 4 : i32
      %xor3A_318 = vector.broadcast %xor3A_317 : i32 to vector<16xi32>
      %xor3A_319 = arith.xori %iota3A, %xor3A_318 : vector<16xi32>
      %lt3A_320 = arith.constant 0 : i32
      %lt3A_321 = vector.broadcast %lt3A_320 : i32 to vector<16xi32>
      %lt3A_322 = arith.cmpi slt, %xor3A_319, %lt3A_321 : vector<16xi32>
      %add3A_323 = arith.constant 16 : i32
      %add3A_324 = vector.broadcast %add3A_323 : i32 to vector<16xi32>
      %add3A_325 = arith.addi %xor3A_319, %add3A_324 : vector<16xi32>
      %select_n3A_326 = arith.select %lt3A_322, %add3A_325, %xor3A_319 : vector<16xi1>, vector<16xi32>
      %broadcast_in_dim3A_327 = vector.shape_cast %select_n3A_326 : vector<16xi32> to vector<16x1xi32>
      %gather3A_328 = vector.shape_cast %broadcast_in_dim3A_327 : vector<16x1xi32> to vector<16xi32>
      %gather3A_329 = tpu.dynamic_gather %min3A_316[%gather3A_328] in [0] : vector<16xf32>, vector<16xi32> -> vector<16xf32>
      %min3A_330 = arith.minimumf %min3A_316, %gather3A_329 : vector<16xf32>
      %xor3A_331 = arith.constant 2 : i32
      %xor3A_332 = vector.broadcast %xor3A_331 : i32 to vector<16xi32>
      %xor3A_333 = arith.xori %iota3A, %xor3A_332 : vector<16xi32>
      %lt3A_334 = arith.constant 0 : i32
      %lt3A_335 = vector.broadcast %lt3A_334 : i32 to vector<16xi32>
      %lt3A_336 = arith.cmpi slt, %xor3A_333, %lt3A_335 : vector<16xi32>
      %add3A_337 = arith.constant 16 : i32
      %add3A_338 = vector.broadcast %add3A_337 : i32 to vector<16xi32>
      %add3A_339 = arith.addi %xor3A_333, %add3A_338 : vector<16xi32>
      %select_n3A_340 = arith.select %lt3A_336, %add3A_339, %xor3A_333 : vector<16xi1>, vector<16xi32>
      %broadcast_in_dim3A_341 = vector.shape_cast %select_n3A_340 : vector<16xi32> to vector<16x1xi32>
      %gather3A_342 = vector.shape_cast %broadcast_in_dim3A_341 : vector<16x1xi32> to vector<16xi32>
      %gather3A_343 = tpu.dynamic_gather %min3A_330[%gather3A_342] in [0] : vector<16xf32>, vector<16xi32> -> vector<16xf32>
      %min3A_344 = arith.minimumf %min3A_330, %gather3A_343 : vector<16xf32>
      %xor3A_345 = arith.constant 1 : i32
      %xor3A_346 = vector.broadcast %xor3A_345 : i32 to vector<16xi32>
      %xor3A_347 = arith.xori %iota3A, %xor3A_346 : vector<16xi32>
      %lt3A_348 = arith.constant 0 : i32
      %lt3A_349 = vector.broadcast %lt3A_348 : i32 to vector<16xi32>
      %lt3A_350 = arith.cmpi slt, %xor3A_347, %lt3A_349 : vector<16xi32>
      %add3A_351 = arith.constant 16 : i32
      %add3A_352 = vector.broadcast %add3A_351 : i32 to vector<16xi32>
      %add3A_353 = arith.addi %xor3A_347, %add3A_352 : vector<16xi32>
      %select_n3A_354 = arith.select %lt3A_350, %add3A_353, %xor3A_347 : vector<16xi1>, vector<16xi32>
      %broadcast_in_dim3A_355 = vector.shape_cast %select_n3A_354 : vector<16xi32> to vector<16x1xi32>
      %gather3A_356 = vector.shape_cast %broadcast_in_dim3A_355 : vector<16x1xi32> to vector<16xi32>
      %gather3A_357 = tpu.dynamic_gather %min3A_344[%gather3A_356] in [0] : vector<16xf32>, vector<16xi32> -> vector<16xf32>
      %min3A_358 = arith.minimumf %min3A_344, %gather3A_357 : vector<16xf32>
      %eq3A_359 = arith.cmpf oeq, %scan3A_301#0, %min3A_358 : vector<16xf32>
      %mul3A_360 = arith.constant 16 : i32
      %mul3A_361 = vector.broadcast %mul3A_360 : i32 to vector<16xi32>
      %mul3A_362 = arith.muli %scan3A_301#1, %mul3A_361 : vector<16xi32>
      %add3A_363 = arith.addi %mul3A_362, %iota3A : vector<16xi32>
      %jit3A_364 = arith.constant 1073741824 : i32
      %broadcast_in_dim3A_365 = vector.broadcast %jit3A_364 : i32 to vector<16xi32>
      %select_n3A_366 = arith.select %eq3A_359, %add3A_363, %broadcast_in_dim3A_365 : vector<16xi1>, vector<16xi32>
      %xor3A_367 = arith.constant 8 : i32
      %xor3A_368 = vector.broadcast %xor3A_367 : i32 to vector<16xi32>
      %xor3A_369 = arith.xori %iota3A, %xor3A_368 : vector<16xi32>
      %lt3A_370 = arith.constant 0 : i32
      %lt3A_371 = vector.broadcast %lt3A_370 : i32 to vector<16xi32>
      %lt3A_372 = arith.cmpi slt, %xor3A_369, %lt3A_371 : vector<16xi32>
      %add3A_373 = arith.constant 16 : i32
      %add3A_374 = vector.broadcast %add3A_373 : i32 to vector<16xi32>
      %add3A_375 = arith.addi %xor3A_369, %add3A_374 : vector<16xi32>
      %select_n3A_376 = arith.select %lt3A_372, %add3A_375, %xor3A_369 : vector<16xi1>, vector<16xi32>
      %broadcast_in_dim3A_377 = vector.shape_cast %select_n3A_376 : vector<16xi32> to vector<16x1xi32>
      %gather3A_378 = vector.shape_cast %broadcast_in_dim3A_377 : vector<16x1xi32> to vector<16xi32>
      %gather3A_379 = tpu.dynamic_gather %select_n3A_366[%gather3A_378] in [0] : vector<16xi32>, vector<16xi32> -> vector<16xi32>
      %min3A_380 = arith.minsi %select_n3A_366, %gather3A_379 : vector<16xi32>
      %xor3A_381 = arith.constant 4 : i32
      %xor3A_382 = vector.broadcast %xor3A_381 : i32 to vector<16xi32>
      %xor3A_383 = arith.xori %iota3A, %xor3A_382 : vector<16xi32>
      %lt3A_384 = arith.constant 0 : i32
      %lt3A_385 = vector.broadcast %lt3A_384 : i32 to vector<16xi32>
      %lt3A_386 = arith.cmpi slt, %xor3A_383, %lt3A_385 : vector<16xi32>
      %add3A_387 = arith.constant 16 : i32
      %add3A_388 = vector.broadcast %add3A_387 : i32 to vector<16xi32>
      %add3A_389 = arith.addi %xor3A_383, %add3A_388 : vector<16xi32>
      %select_n3A_390 = arith.select %lt3A_386, %add3A_389, %xor3A_383 : vector<16xi1>, vector<16xi32>
      %broadcast_in_dim3A_391 = vector.shape_cast %select_n3A_390 : vector<16xi32> to vector<16x1xi32>
      %gather3A_392 = vector.shape_cast %broadcast_in_dim3A_391 : vector<16x1xi32> to vector<16xi32>
      %gather3A_393 = tpu.dynamic_gather %min3A_380[%gather3A_392] in [0] : vector<16xi32>, vector<16xi32> -> vector<16xi32>
      %min3A_394 = arith.minsi %min3A_380, %gather3A_393 : vector<16xi32>
      %xor3A_395 = arith.constant 2 : i32
      %xor3A_396 = vector.broadcast %xor3A_395 : i32 to vector<16xi32>
      %xor3A_397 = arith.xori %iota3A, %xor3A_396 : vector<16xi32>
      %lt3A_398 = arith.constant 0 : i32
      %lt3A_399 = vector.broadcast %lt3A_398 : i32 to vector<16xi32>
      %lt3A_400 = arith.cmpi slt, %xor3A_397, %lt3A_399 : vector<16xi32>
      %add3A_401 = arith.constant 16 : i32
      %add3A_402 = vector.broadcast %add3A_401 : i32 to vector<16xi32>
      %add3A_403 = arith.addi %xor3A_397, %add3A_402 : vector<16xi32>
      %select_n3A_404 = arith.select %lt3A_400, %add3A_403, %xor3A_397 : vector<16xi1>, vector<16xi32>
      %broadcast_in_dim3A_405 = vector.shape_cast %select_n3A_404 : vector<16xi32> to vector<16x1xi32>
      %gather3A_406 = vector.shape_cast %broadcast_in_dim3A_405 : vector<16x1xi32> to vector<16xi32>
      %gather3A_407 = tpu.dynamic_gather %min3A_394[%gather3A_406] in [0] : vector<16xi32>, vector<16xi32> -> vector<16xi32>
      %min3A_408 = arith.minsi %min3A_394, %gather3A_407 : vector<16xi32>
      %xor3A_409 = arith.constant 1 : i32
      %xor3A_410 = vector.broadcast %xor3A_409 : i32 to vector<16xi32>
      %xor3A_411 = arith.xori %iota3A, %xor3A_410 : vector<16xi32>
      %lt3A_412 = arith.constant 0 : i32
      %lt3A_413 = vector.broadcast %lt3A_412 : i32 to vector<16xi32>
      %lt3A_414 = arith.cmpi slt, %xor3A_411, %lt3A_413 : vector<16xi32>
      %add3A_415 = arith.constant 16 : i32
      %add3A_416 = vector.broadcast %add3A_415 : i32 to vector<16xi32>
      %add3A_417 = arith.addi %xor3A_411, %add3A_416 : vector<16xi32>
      %select_n3A_418 = arith.select %lt3A_414, %add3A_417, %xor3A_411 : vector<16xi1>, vector<16xi32>
      %broadcast_in_dim3A_419 = vector.shape_cast %select_n3A_418 : vector<16xi32> to vector<16x1xi32>
      %gather3A_420 = vector.shape_cast %broadcast_in_dim3A_419 : vector<16x1xi32> to vector<16xi32>
      %gather3A_421 = tpu.dynamic_gather %min3A_408[%gather3A_420] in [0] : vector<16xi32>, vector<16xi32> -> vector<16xi32>
      %min3A_422 = arith.minsi %min3A_408, %gather3A_421 : vector<16xi32>
      %eq3A_423 = arith.constant 2 : i32
      %eq3A_424 = vector.broadcast %eq3A_423 : i32 to vector<16xi32>
      %eq3A_425 = arith.cmpi eq, %iota3A, %eq3A_424 : vector<16xi32>
      %select_n3A_426 = arith.select %eq3A_425, %min3A_358, %select_n3A_288 : vector<16xi1>, vector<16xf32>
      %eq3A_427 = arith.constant 2 : i32
      %eq3A_428 = vector.broadcast %eq3A_427 : i32 to vector<16xi32>
      %eq3A_429 = arith.cmpi eq, %iota3A, %eq3A_428 : vector<16xi32>
      %select_n3A_430 = arith.select %eq3A_429, %min3A_422, %select_n3A_292 : vector<16xi1>, vector<16xi32>
      %broadcast_in_dim3A_431 = arith.constant 3.000000e+38 : f32
      %broadcast_in_dim3A_432 = vector.broadcast %broadcast_in_dim3A_431 : f32 to vector<16xf32>
      %broadcast_in_dim3A_433 = arith.constant 0 : i32
      %broadcast_in_dim3A_434 = vector.broadcast %broadcast_in_dim3A_433 : i32 to vector<16xi32>
      %scan3A_435 = arith.constant 0 : i32
      %scan3A_436 = arith.constant 64 : i32
      %scan3A_437 = arith.addi %scan3A_435, %scan3A_436 : i32
      %scan3A_438 = arith.constant 1 : i32
      %scan3A_439:2 = scf.for %scan3A_854 = %scan3A_435 to %scan3A_437 step %scan3A_438 iter_args(%scan3A_855 = %broadcast_in_dim3A_432, %scan3A_856 = %broadcast_in_dim3A_434) -> (vector<16xf32>, vector<16xi32>)  : i32 {
        %mul3A_857 = arith.constant 16 : i32
        %mul3A_858 = arith.muli %scan3A_854, %mul3A_857 : i32
        %add3A_859 = arith.addi %mul3A_16, %mul3A_858 : i32
        %multiple_of3A_860 = tpu.assume_multiple %add3A_859, 16 : i32
        %get3A = arith.index_cast %multiple_of3A_860 : i32 to index
        %get3A_861 = tpu.vector_load %arg5[%get3A] {strides = array<i32>} : memref<32768xf32, #tpu.memory_space<vmem>>, vector<16xf32>,
        %get3A_862 = vector.shape_cast %get3A_861 : vector<16xf32> to vector<16xf32>
        %mul3A_863 = arith.constant 16 : i32
        %mul3A_864 = arith.muli %scan3A_854, %mul3A_863 : i32
        %add3A_865 = vector.broadcast %mul3A_864 : i32 to vector<16xi32>
        %add3A_866 = arith.addi %add3A_865, %iota3A : vector<16xi32>
        %gt3A = arith.cmpf ogt, %get3A_862, %min3A_358 : vector<16xf32>
        %eq3A_867 = arith.cmpf oeq, %get3A_862, %min3A_358 : vector<16xf32>
        %gt3A_868 = arith.cmpi sgt, %add3A_866, %min3A_422 : vector<16xi32>
        %and3A = arith.andi %eq3A_867, %gt3A_868 : vector<16xi1>
        %or3A = arith.ori %gt3A, %and3A : vector<16xi1>
        %jit3A_869 = arith.constant 3.000000e+38 : f32
        %broadcast_in_dim3A_870 = vector.broadcast %jit3A_869 : f32 to vector<16xf32>
        %select_n3A_871 = arith.select %or3A, %get3A_862, %broadcast_in_dim3A_870 : vector<16xi1>, vector<16xf32>
        %lt3A_872 = arith.cmpf olt, %select_n3A_871, %scan3A_855 : vector<16xf32>
        %select_n3A_873 = arith.select %lt3A_872, %select_n3A_871, %scan3A_855 : vector<16xi1>, vector<16xf32>
        %broadcast_in_dim3A_874 = vector.broadcast %scan3A_854 : i32 to vector<16xi32>
        %select_n3A_875 = arith.select %lt3A_872, %broadcast_in_dim3A_874, %scan3A_856 : vector<16xi1>, vector<16xi32>
        scf.yield %select_n3A_873, %select_n3A_875 : vector<16xf32>, vector<16xi32>
      }
      %scan3A_440 = arith.constant 64 : i32
      %xor3A_441 = arith.constant 8 : i32
      %xor3A_442 = vector.broadcast %xor3A_441 : i32 to vector<16xi32>
      %xor3A_443 = arith.xori %iota3A, %xor3A_442 : vector<16xi32>
      %lt3A_444 = arith.constant 0 : i32
      %lt3A_445 = vector.broadcast %lt3A_444 : i32 to vector<16xi32>
      %lt3A_446 = arith.cmpi slt, %xor3A_443, %lt3A_445 : vector<16xi32>
      %add3A_447 = arith.constant 16 : i32
      %add3A_448 = vector.broadcast %add3A_447 : i32 to vector<16xi32>
      %add3A_449 = arith.addi %xor3A_443, %add3A_448 : vector<16xi32>
      %select_n3A_450 = arith.select %lt3A_446, %add3A_449, %xor3A_443 : vector<16xi1>, vector<16xi32>
      %broadcast_in_dim3A_451 = vector.shape_cast %select_n3A_450 : vector<16xi32> to vector<16x1xi32>
      %gather3A_452 = vector.shape_cast %broadcast_in_dim3A_451 : vector<16x1xi32> to vector<16xi32>
      %gather3A_453 = tpu.dynamic_gather %scan3A_439#0[%gather3A_452] in [0] : vector<16xf32>, vector<16xi32> -> vector<16xf32>
      %min3A_454 = arith.minimumf %scan3A_439#0, %gather3A_453 : vector<16xf32>
      %xor3A_455 = arith.constant 4 : i32
      %xor3A_456 = vector.broadcast %xor3A_455 : i32 to vector<16xi32>
      %xor3A_457 = arith.xori %iota3A, %xor3A_456 : vector<16xi32>
      %lt3A_458 = arith.constant 0 : i32
      %lt3A_459 = vector.broadcast %lt3A_458 : i32 to vector<16xi32>
      %lt3A_460 = arith.cmpi slt, %xor3A_457, %lt3A_459 : vector<16xi32>
      %add3A_461 = arith.constant 16 : i32
      %add3A_462 = vector.broadcast %add3A_461 : i32 to vector<16xi32>
      %add3A_463 = arith.addi %xor3A_457, %add3A_462 : vector<16xi32>
      %select_n3A_464 = arith.select %lt3A_460, %add3A_463, %xor3A_457 : vector<16xi1>, vector<16xi32>
      %broadcast_in_dim3A_465 = vector.shape_cast %select_n3A_464 : vector<16xi32> to vector<16x1xi32>
      %gather3A_466 = vector.shape_cast %broadcast_in_dim3A_465 : vector<16x1xi32> to vector<16xi32>
      %gather3A_467 = tpu.dynamic_gather %min3A_454[%gather3A_466] in [0] : vector<16xf32>, vector<16xi32> -> vector<16xf32>
      %min3A_468 = arith.minimumf %min3A_454, %gather3A_467 : vector<16xf32>
      %xor3A_469 = arith.constant 2 : i32
      %xor3A_470 = vector.broadcast %xor3A_469 : i32 to vector<16xi32>
      %xor3A_471 = arith.xori %iota3A, %xor3A_470 : vector<16xi32>
      %lt3A_472 = arith.constant 0 : i32
      %lt3A_473 = vector.broadcast %lt3A_472 : i32 to vector<16xi32>
      %lt3A_474 = arith.cmpi slt, %xor3A_471, %lt3A_473 : vector<16xi32>
      %add3A_475 = arith.constant 16 : i32
      %add3A_476 = vector.broadcast %add3A_475 : i32 to vector<16xi32>
      %add3A_477 = arith.addi %xor3A_471, %add3A_476 : vector<16xi32>
      %select_n3A_478 = arith.select %lt3A_474, %add3A_477, %xor3A_471 : vector<16xi1>, vector<16xi32>
      %broadcast_in_dim3A_479 = vector.shape_cast %select_n3A_478 : vector<16xi32> to vector<16x1xi32>
      %gather3A_480 = vector.shape_cast %broadcast_in_dim3A_479 : vector<16x1xi32> to vector<16xi32>
      %gather3A_481 = tpu.dynamic_gather %min3A_468[%gather3A_480] in [0] : vector<16xf32>, vector<16xi32> -> vector<16xf32>
      %min3A_482 = arith.minimumf %min3A_468, %gather3A_481 : vector<16xf32>
      %xor3A_483 = arith.constant 1 : i32
      %xor3A_484 = vector.broadcast %xor3A_483 : i32 to vector<16xi32>
      %xor3A_485 = arith.xori %iota3A, %xor3A_484 : vector<16xi32>
      %lt3A_486 = arith.constant 0 : i32
      %lt3A_487 = vector.broadcast %lt3A_486 : i32 to vector<16xi32>
      %lt3A_488 = arith.cmpi slt, %xor3A_485, %lt3A_487 : vector<16xi32>
      %add3A_489 = arith.constant 16 : i32
      %add3A_490 = vector.broadcast %add3A_489 : i32 to vector<16xi32>
      %add3A_491 = arith.addi %xor3A_485, %add3A_490 : vector<16xi32>
      %select_n3A_492 = arith.select %lt3A_488, %add3A_491, %xor3A_485 : vector<16xi1>, vector<16xi32>
      %broadcast_in_dim3A_493 = vector.shape_cast %select_n3A_492 : vector<16xi32> to vector<16x1xi32>
      %gather3A_494 = vector.shape_cast %broadcast_in_dim3A_493 : vector<16x1xi32> to vector<16xi32>
      %gather3A_495 = tpu.dynamic_gather %min3A_482[%gather3A_494] in [0] : vector<16xf32>, vector<16xi32> -> vector<16xf32>
      %min3A_496 = arith.minimumf %min3A_482, %gather3A_495 : vector<16xf32>
      %eq3A_497 = arith.cmpf oeq, %scan3A_439#0, %min3A_496 : vector<16xf32>
      %mul3A_498 = arith.constant 16 : i32
      %mul3A_499 = vector.broadcast %mul3A_498 : i32 to vector<16xi32>
      %mul3A_500 = arith.muli %scan3A_439#1, %mul3A_499 : vector<16xi32>
      %add3A_501 = arith.addi %mul3A_500, %iota3A : vector<16xi32>
      %jit3A_502 = arith.constant 1073741824 : i32
      %broadcast_in_dim3A_503 = vector.broadcast %jit3A_502 : i32 to vector<16xi32>
      %select_n3A_504 = arith.select %eq3A_497, %add3A_501, %broadcast_in_dim3A_503 : vector<16xi1>, vector<16xi32>
      %xor3A_505 = arith.constant 8 : i32
      %xor3A_506 = vector.broadcast %xor3A_505 : i32 to vector<16xi32>
      %xor3A_507 = arith.xori %iota3A, %xor3A_506 : vector<16xi32>
      %lt3A_508 = arith.constant 0 : i32
      %lt3A_509 = vector.broadcast %lt3A_508 : i32 to vector<16xi32>
      %lt3A_510 = arith.cmpi slt, %xor3A_507, %lt3A_509 : vector<16xi32>
      %add3A_511 = arith.constant 16 : i32
      %add3A_512 = vector.broadcast %add3A_511 : i32 to vector<16xi32>
      %add3A_513 = arith.addi %xor3A_507, %add3A_512 : vector<16xi32>
      %select_n3A_514 = arith.select %lt3A_510, %add3A_513, %xor3A_507 : vector<16xi1>, vector<16xi32>
      %broadcast_in_dim3A_515 = vector.shape_cast %select_n3A_514 : vector<16xi32> to vector<16x1xi32>
      %gather3A_516 = vector.shape_cast %broadcast_in_dim3A_515 : vector<16x1xi32> to vector<16xi32>
      %gather3A_517 = tpu.dynamic_gather %select_n3A_504[%gather3A_516] in [0] : vector<16xi32>, vector<16xi32> -> vector<16xi32>
      %min3A_518 = arith.minsi %select_n3A_504, %gather3A_517 : vector<16xi32>
      %xor3A_519 = arith.constant 4 : i32
      %xor3A_520 = vector.broadcast %xor3A_519 : i32 to vector<16xi32>
      %xor3A_521 = arith.xori %iota3A, %xor3A_520 : vector<16xi32>
      %lt3A_522 = arith.constant 0 : i32
      %lt3A_523 = vector.broadcast %lt3A_522 : i32 to vector<16xi32>
      %lt3A_524 = arith.cmpi slt, %xor3A_521, %lt3A_523 : vector<16xi32>
      %add3A_525 = arith.constant 16 : i32
      %add3A_526 = vector.broadcast %add3A_525 : i32 to vector<16xi32>
      %add3A_527 = arith.addi %xor3A_521, %add3A_526 : vector<16xi32>
      %select_n3A_528 = arith.select %lt3A_524, %add3A_527, %xor3A_521 : vector<16xi1>, vector<16xi32>
      %broadcast_in_dim3A_529 = vector.shape_cast %select_n3A_528 : vector<16xi32> to vector<16x1xi32>
      %gather3A_530 = vector.shape_cast %broadcast_in_dim3A_529 : vector<16x1xi32> to vector<16xi32>
      %gather3A_531 = tpu.dynamic_gather %min3A_518[%gather3A_530] in [0] : vector<16xi32>, vector<16xi32> -> vector<16xi32>
      %min3A_532 = arith.minsi %min3A_518, %gather3A_531 : vector<16xi32>
      %xor3A_533 = arith.constant 2 : i32
      %xor3A_534 = vector.broadcast %xor3A_533 : i32 to vector<16xi32>
      %xor3A_535 = arith.xori %iota3A, %xor3A_534 : vector<16xi32>
      %lt3A_536 = arith.constant 0 : i32
      %lt3A_537 = vector.broadcast %lt3A_536 : i32 to vector<16xi32>
      %lt3A_538 = arith.cmpi slt, %xor3A_535, %lt3A_537 : vector<16xi32>
      %add3A_539 = arith.constant 16 : i32
      %add3A_540 = vector.broadcast %add3A_539 : i32 to vector<16xi32>
      %add3A_541 = arith.addi %xor3A_535, %add3A_540 : vector<16xi32>
      %select_n3A_542 = arith.select %lt3A_538, %add3A_541, %xor3A_535 : vector<16xi1>, vector<16xi32>
      %broadcast_in_dim3A_543 = vector.shape_cast %select_n3A_542 : vector<16xi32> to vector<16x1xi32>
      %gather3A_544 = vector.shape_cast %broadcast_in_dim3A_543 : vector<16x1xi32> to vector<16xi32>
      %gather3A_545 = tpu.dynamic_gather %min3A_532[%gather3A_544] in [0] : vector<16xi32>, vector<16xi32> -> vector<16xi32>
      %min3A_546 = arith.minsi %min3A_532, %gather3A_545 : vector<16xi32>
      %xor3A_547 = arith.constant 1 : i32
      %xor3A_548 = vector.broadcast %xor3A_547 : i32 to vector<16xi32>
      %xor3A_549 = arith.xori %iota3A, %xor3A_548 : vector<16xi32>
      %lt3A_550 = arith.constant 0 : i32
      %lt3A_551 = vector.broadcast %lt3A_550 : i32 to vector<16xi32>
      %lt3A_552 = arith.cmpi slt, %xor3A_549, %lt3A_551 : vector<16xi32>
      %add3A_553 = arith.constant 16 : i32
      %add3A_554 = vector.broadcast %add3A_553 : i32 to vector<16xi32>
      %add3A_555 = arith.addi %xor3A_549, %add3A_554 : vector<16xi32>
      %select_n3A_556 = arith.select %lt3A_552, %add3A_555, %xor3A_549 : vector<16xi1>, vector<16xi32>
      %broadcast_in_dim3A_557 = vector.shape_cast %select_n3A_556 : vector<16xi32> to vector<16x1xi32>
      %gather3A_558 = vector.shape_cast %broadcast_in_dim3A_557 : vector<16x1xi32> to vector<16xi32>
      %gather3A_559 = tpu.dynamic_gather %min3A_546[%gather3A_558] in [0] : vector<16xi32>, vector<16xi32> -> vector<16xi32>
      %min3A_560 = arith.minsi %min3A_546, %gather3A_559 : vector<16xi32>
      %eq3A_561 = arith.constant 3 : i32
      %eq3A_562 = vector.broadcast %eq3A_561 : i32 to vector<16xi32>
      %eq3A_563 = arith.cmpi eq, %iota3A, %eq3A_562 : vector<16xi32>
      %select_n3A_564 = arith.select %eq3A_563, %min3A_496, %select_n3A_426 : vector<16xi1>, vector<16xf32>
      %eq3A_565 = arith.constant 3 : i32
      %eq3A_566 = vector.broadcast %eq3A_565 : i32 to vector<16xi32>
      %eq3A_567 = arith.cmpi eq, %iota3A, %eq3A_566 : vector<16xi32>
      %select_n3A_568 = arith.select %eq3A_567, %min3A_560, %select_n3A_430 : vector<16xi1>, vector<16xi32>
      %broadcast_in_dim3A_569 = arith.constant 3.000000e+38 : f32
      %broadcast_in_dim3A_570 = vector.broadcast %broadcast_in_dim3A_569 : f32 to vector<16xf32>
      %broadcast_in_dim3A_571 = arith.constant 0 : i32
      %broadcast_in_dim3A_572 = vector.broadcast %broadcast_in_dim3A_571 : i32 to vector<16xi32>
      %scan3A_573 = arith.constant 0 : i32
      %scan3A_574 = arith.constant 64 : i32
      %scan3A_575 = arith.addi %scan3A_573, %scan3A_574 : i32
      %scan3A_576 = arith.constant 1 : i32
      %scan3A_577:2 = scf.for %scan3A_854 = %scan3A_573 to %scan3A_575 step %scan3A_576 iter_args(%scan3A_855 = %broadcast_in_dim3A_570, %scan3A_856 = %broadcast_in_dim3A_572) -> (vector<16xf32>, vector<16xi32>)  : i32 {
        %mul3A_857 = arith.constant 16 : i32
        %mul3A_858 = arith.muli %scan3A_854, %mul3A_857 : i32
        %add3A_859 = arith.addi %mul3A_16, %mul3A_858 : i32
        %multiple_of3A_860 = tpu.assume_multiple %add3A_859, 16 : i32
        %get3A = arith.index_cast %multiple_of3A_860 : i32 to index
        %get3A_861 = tpu.vector_load %arg5[%get3A] {strides = array<i32>} : memref<32768xf32, #tpu.memory_space<vmem>>, vector<16xf32>,
        %get3A_862 = vector.shape_cast %get3A_861 : vector<16xf32> to vector<16xf32>
        %mul3A_863 = arith.constant 16 : i32
        %mul3A_864 = arith.muli %scan3A_854, %mul3A_863 : i32
        %add3A_865 = vector.broadcast %mul3A_864 : i32 to vector<16xi32>
        %add3A_866 = arith.addi %add3A_865, %iota3A : vector<16xi32>
        %gt3A = arith.cmpf ogt, %get3A_862, %min3A_496 : vector<16xf32>
        %eq3A_867 = arith.cmpf oeq, %get3A_862, %min3A_496 : vector<16xf32>
        %gt3A_868 = arith.cmpi sgt, %add3A_866, %min3A_560 : vector<16xi32>
        %and3A = arith.andi %eq3A_867, %gt3A_868 : vector<16xi1>
        %or3A = arith.ori %gt3A, %and3A : vector<16xi1>
        %jit3A_869 = arith.constant 3.000000e+38 : f32
        %broadcast_in_dim3A_870 = vector.broadcast %jit3A_869 : f32 to vector<16xf32>
        %select_n3A_871 = arith.select %or3A, %get3A_862, %broadcast_in_dim3A_870 : vector<16xi1>, vector<16xf32>
        %lt3A_872 = arith.cmpf olt, %select_n3A_871, %scan3A_855 : vector<16xf32>
        %select_n3A_873 = arith.select %lt3A_872, %select_n3A_871, %scan3A_855 : vector<16xi1>, vector<16xf32>
        %broadcast_in_dim3A_874 = vector.broadcast %scan3A_854 : i32 to vector<16xi32>
        %select_n3A_875 = arith.select %lt3A_872, %broadcast_in_dim3A_874, %scan3A_856 : vector<16xi1>, vector<16xi32>
        scf.yield %select_n3A_873, %select_n3A_875 : vector<16xf32>, vector<16xi32>
      }
      %scan3A_578 = arith.constant 64 : i32
      %xor3A_579 = arith.constant 8 : i32
      %xor3A_580 = vector.broadcast %xor3A_579 : i32 to vector<16xi32>
      %xor3A_581 = arith.xori %iota3A, %xor3A_580 : vector<16xi32>
      %lt3A_582 = arith.constant 0 : i32
      %lt3A_583 = vector.broadcast %lt3A_582 : i32 to vector<16xi32>
      %lt3A_584 = arith.cmpi slt, %xor3A_581, %lt3A_583 : vector<16xi32>
      %add3A_585 = arith.constant 16 : i32
      %add3A_586 = vector.broadcast %add3A_585 : i32 to vector<16xi32>
      %add3A_587 = arith.addi %xor3A_581, %add3A_586 : vector<16xi32>
      %select_n3A_588 = arith.select %lt3A_584, %add3A_587, %xor3A_581 : vector<16xi1>, vector<16xi32>
      %broadcast_in_dim3A_589 = vector.shape_cast %select_n3A_588 : vector<16xi32> to vector<16x1xi32>
      %gather3A_590 = vector.shape_cast %broadcast_in_dim3A_589 : vector<16x1xi32> to vector<16xi32>
      %gather3A_591 = tpu.dynamic_gather %scan3A_577#0[%gather3A_590] in [0] : vector<16xf32>, vector<16xi32> -> vector<16xf32>
      %min3A_592 = arith.minimumf %scan3A_577#0, %gather3A_591 : vector<16xf32>
      %xor3A_593 = arith.constant 4 : i32
      %xor3A_594 = vector.broadcast %xor3A_593 : i32 to vector<16xi32>
      %xor3A_595 = arith.xori %iota3A, %xor3A_594 : vector<16xi32>
      %lt3A_596 = arith.constant 0 : i32
      %lt3A_597 = vector.broadcast %lt3A_596 : i32 to vector<16xi32>
      %lt3A_598 = arith.cmpi slt, %xor3A_595, %lt3A_597 : vector<16xi32>
      %add3A_599 = arith.constant 16 : i32
      %add3A_600 = vector.broadcast %add3A_599 : i32 to vector<16xi32>
      %add3A_601 = arith.addi %xor3A_595, %add3A_600 : vector<16xi32>
      %select_n3A_602 = arith.select %lt3A_598, %add3A_601, %xor3A_595 : vector<16xi1>, vector<16xi32>
      %broadcast_in_dim3A_603 = vector.shape_cast %select_n3A_602 : vector<16xi32> to vector<16x1xi32>
      %gather3A_604 = vector.shape_cast %broadcast_in_dim3A_603 : vector<16x1xi32> to vector<16xi32>
      %gather3A_605 = tpu.dynamic_gather %min3A_592[%gather3A_604] in [0] : vector<16xf32>, vector<16xi32> -> vector<16xf32>
      %min3A_606 = arith.minimumf %min3A_592, %gather3A_605 : vector<16xf32>
      %xor3A_607 = arith.constant 2 : i32
      %xor3A_608 = vector.broadcast %xor3A_607 : i32 to vector<16xi32>
      %xor3A_609 = arith.xori %iota3A, %xor3A_608 : vector<16xi32>
      %lt3A_610 = arith.constant 0 : i32
      %lt3A_611 = vector.broadcast %lt3A_610 : i32 to vector<16xi32>
      %lt3A_612 = arith.cmpi slt, %xor3A_609, %lt3A_611 : vector<16xi32>
      %add3A_613 = arith.constant 16 : i32
      %add3A_614 = vector.broadcast %add3A_613 : i32 to vector<16xi32>
      %add3A_615 = arith.addi %xor3A_609, %add3A_614 : vector<16xi32>
      %select_n3A_616 = arith.select %lt3A_612, %add3A_615, %xor3A_609 : vector<16xi1>, vector<16xi32>
      %broadcast_in_dim3A_617 = vector.shape_cast %select_n3A_616 : vector<16xi32> to vector<16x1xi32>
      %gather3A_618 = vector.shape_cast %broadcast_in_dim3A_617 : vector<16x1xi32> to vector<16xi32>
      %gather3A_619 = tpu.dynamic_gather %min3A_606[%gather3A_618] in [0] : vector<16xf32>, vector<16xi32> -> vector<16xf32>
      %min3A_620 = arith.minimumf %min3A_606, %gather3A_619 : vector<16xf32>
      %xor3A_621 = arith.constant 1 : i32
      %xor3A_622 = vector.broadcast %xor3A_621 : i32 to vector<16xi32>
      %xor3A_623 = arith.xori %iota3A, %xor3A_622 : vector<16xi32>
      %lt3A_624 = arith.constant 0 : i32
      %lt3A_625 = vector.broadcast %lt3A_624 : i32 to vector<16xi32>
      %lt3A_626 = arith.cmpi slt, %xor3A_623, %lt3A_625 : vector<16xi32>
      %add3A_627 = arith.constant 16 : i32
      %add3A_628 = vector.broadcast %add3A_627 : i32 to vector<16xi32>
      %add3A_629 = arith.addi %xor3A_623, %add3A_628 : vector<16xi32>
      %select_n3A_630 = arith.select %lt3A_626, %add3A_629, %xor3A_623 : vector<16xi1>, vector<16xi32>
      %broadcast_in_dim3A_631 = vector.shape_cast %select_n3A_630 : vector<16xi32> to vector<16x1xi32>
      %gather3A_632 = vector.shape_cast %broadcast_in_dim3A_631 : vector<16x1xi32> to vector<16xi32>
      %gather3A_633 = tpu.dynamic_gather %min3A_620[%gather3A_632] in [0] : vector<16xf32>, vector<16xi32> -> vector<16xf32>
      %min3A_634 = arith.minimumf %min3A_620, %gather3A_633 : vector<16xf32>
      %eq3A_635 = arith.cmpf oeq, %scan3A_577#0, %min3A_634 : vector<16xf32>
      %mul3A_636 = arith.constant 16 : i32
      %mul3A_637 = vector.broadcast %mul3A_636 : i32 to vector<16xi32>
      %mul3A_638 = arith.muli %scan3A_577#1, %mul3A_637 : vector<16xi32>
      %add3A_639 = arith.addi %mul3A_638, %iota3A : vector<16xi32>
      %jit3A_640 = arith.constant 1073741824 : i32
      %broadcast_in_dim3A_641 = vector.broadcast %jit3A_640 : i32 to vector<16xi32>
      %select_n3A_642 = arith.select %eq3A_635, %add3A_639, %broadcast_in_dim3A_641 : vector<16xi1>, vector<16xi32>
      %xor3A_643 = arith.constant 8 : i32
      %xor3A_644 = vector.broadcast %xor3A_643 : i32 to vector<16xi32>
      %xor3A_645 = arith.xori %iota3A, %xor3A_644 : vector<16xi32>
      %lt3A_646 = arith.constant 0 : i32
      %lt3A_647 = vector.broadcast %lt3A_646 : i32 to vector<16xi32>
      %lt3A_648 = arith.cmpi slt, %xor3A_645, %lt3A_647 : vector<16xi32>
      %add3A_649 = arith.constant 16 : i32
      %add3A_650 = vector.broadcast %add3A_649 : i32 to vector<16xi32>
      %add3A_651 = arith.addi %xor3A_645, %add3A_650 : vector<16xi32>
      %select_n3A_652 = arith.select %lt3A_648, %add3A_651, %xor3A_645 : vector<16xi1>, vector<16xi32>
      %broadcast_in_dim3A_653 = vector.shape_cast %select_n3A_652 : vector<16xi32> to vector<16x1xi32>
      %gather3A_654 = vector.shape_cast %broadcast_in_dim3A_653 : vector<16x1xi32> to vector<16xi32>
      %gather3A_655 = tpu.dynamic_gather %select_n3A_642[%gather3A_654] in [0] : vector<16xi32>, vector<16xi32> -> vector<16xi32>
      %min3A_656 = arith.minsi %select_n3A_642, %gather3A_655 : vector<16xi32>
      %xor3A_657 = arith.constant 4 : i32
      %xor3A_658 = vector.broadcast %xor3A_657 : i32 to vector<16xi32>
      %xor3A_659 = arith.xori %iota3A, %xor3A_658 : vector<16xi32>
      %lt3A_660 = arith.constant 0 : i32
      %lt3A_661 = vector.broadcast %lt3A_660 : i32 to vector<16xi32>
      %lt3A_662 = arith.cmpi slt, %xor3A_659, %lt3A_661 : vector<16xi32>
      %add3A_663 = arith.constant 16 : i32
      %add3A_664 = vector.broadcast %add3A_663 : i32 to vector<16xi32>
      %add3A_665 = arith.addi %xor3A_659, %add3A_664 : vector<16xi32>
      %select_n3A_666 = arith.select %lt3A_662, %add3A_665, %xor3A_659 : vector<16xi1>, vector<16xi32>
      %broadcast_in_dim3A_667 = vector.shape_cast %select_n3A_666 : vector<16xi32> to vector<16x1xi32>
      %gather3A_668 = vector.shape_cast %broadcast_in_dim3A_667 : vector<16x1xi32> to vector<16xi32>
      %gather3A_669 = tpu.dynamic_gather %min3A_656[%gather3A_668] in [0] : vector<16xi32>, vector<16xi32> -> vector<16xi32>
      %min3A_670 = arith.minsi %min3A_656, %gather3A_669 : vector<16xi32>
      %xor3A_671 = arith.constant 2 : i32
      %xor3A_672 = vector.broadcast %xor3A_671 : i32 to vector<16xi32>
      %xor3A_673 = arith.xori %iota3A, %xor3A_672 : vector<16xi32>
      %lt3A_674 = arith.constant 0 : i32
      %lt3A_675 = vector.broadcast %lt3A_674 : i32 to vector<16xi32>
      %lt3A_676 = arith.cmpi slt, %xor3A_673, %lt3A_675 : vector<16xi32>
      %add3A_677 = arith.constant 16 : i32
      %add3A_678 = vector.broadcast %add3A_677 : i32 to vector<16xi32>
      %add3A_679 = arith.addi %xor3A_673, %add3A_678 : vector<16xi32>
      %select_n3A_680 = arith.select %lt3A_676, %add3A_679, %xor3A_673 : vector<16xi1>, vector<16xi32>
      %broadcast_in_dim3A_681 = vector.shape_cast %select_n3A_680 : vector<16xi32> to vector<16x1xi32>
      %gather3A_682 = vector.shape_cast %broadcast_in_dim3A_681 : vector<16x1xi32> to vector<16xi32>
      %gather3A_683 = tpu.dynamic_gather %min3A_670[%gather3A_682] in [0] : vector<16xi32>, vector<16xi32> -> vector<16xi32>
      %min3A_684 = arith.minsi %min3A_670, %gather3A_683 : vector<16xi32>
      %xor3A_685 = arith.constant 1 : i32
      %xor3A_686 = vector.broadcast %xor3A_685 : i32 to vector<16xi32>
      %xor3A_687 = arith.xori %iota3A, %xor3A_686 : vector<16xi32>
      %lt3A_688 = arith.constant 0 : i32
      %lt3A_689 = vector.broadcast %lt3A_688 : i32 to vector<16xi32>
      %lt3A_690 = arith.cmpi slt, %xor3A_687, %lt3A_689 : vector<16xi32>
      %add3A_691 = arith.constant 16 : i32
      %add3A_692 = vector.broadcast %add3A_691 : i32 to vector<16xi32>
      %add3A_693 = arith.addi %xor3A_687, %add3A_692 : vector<16xi32>
      %select_n3A_694 = arith.select %lt3A_690, %add3A_693, %xor3A_687 : vector<16xi1>, vector<16xi32>
      %broadcast_in_dim3A_695 = vector.shape_cast %select_n3A_694 : vector<16xi32> to vector<16x1xi32>
      %gather3A_696 = vector.shape_cast %broadcast_in_dim3A_695 : vector<16x1xi32> to vector<16xi32>
      %gather3A_697 = tpu.dynamic_gather %min3A_684[%gather3A_696] in [0] : vector<16xi32>, vector<16xi32> -> vector<16xi32>
      %min3A_698 = arith.minsi %min3A_684, %gather3A_697 : vector<16xi32>
      %eq3A_699 = arith.constant 4 : i32
      %eq3A_700 = vector.broadcast %eq3A_699 : i32 to vector<16xi32>
      %eq3A_701 = arith.cmpi eq, %iota3A, %eq3A_700 : vector<16xi32>
      %select_n3A_702 = arith.select %eq3A_701, %min3A_634, %select_n3A_564 : vector<16xi1>, vector<16xf32>
      %eq3A_703 = arith.constant 4 : i32
      %eq3A_704 = vector.broadcast %eq3A_703 : i32 to vector<16xi32>
      %eq3A_705 = arith.cmpi eq, %iota3A, %eq3A_704 : vector<16xi32>
      %select_n3A_706 = arith.select %eq3A_705, %min3A_698, %select_n3A_568 : vector<16xi1>, vector<16xi32>
      %broadcast_in_dim3A_707 = arith.constant 3.000000e+38 : f32
      %broadcast_in_dim3A_708 = vector.broadcast %broadcast_in_dim3A_707 : f32 to vector<16xf32>
      %broadcast_in_dim3A_709 = arith.constant 0 : i32
      %broadcast_in_dim3A_710 = vector.broadcast %broadcast_in_dim3A_709 : i32 to vector<16xi32>
      %scan3A_711 = arith.constant 0 : i32
      %scan3A_712 = arith.constant 64 : i32
      %scan3A_713 = arith.addi %scan3A_711, %scan3A_712 : i32
      %scan3A_714 = arith.constant 1 : i32
      %scan3A_715:2 = scf.for %scan3A_854 = %scan3A_711 to %scan3A_713 step %scan3A_714 iter_args(%scan3A_855 = %broadcast_in_dim3A_708, %scan3A_856 = %broadcast_in_dim3A_710) -> (vector<16xf32>, vector<16xi32>)  : i32 {
        %mul3A_857 = arith.constant 16 : i32
        %mul3A_858 = arith.muli %scan3A_854, %mul3A_857 : i32
        %add3A_859 = arith.addi %mul3A_16, %mul3A_858 : i32
        %multiple_of3A_860 = tpu.assume_multiple %add3A_859, 16 : i32
        %get3A = arith.index_cast %multiple_of3A_860 : i32 to index
        %get3A_861 = tpu.vector_load %arg5[%get3A] {strides = array<i32>} : memref<32768xf32, #tpu.memory_space<vmem>>, vector<16xf32>,
        %get3A_862 = vector.shape_cast %get3A_861 : vector<16xf32> to vector<16xf32>
        %mul3A_863 = arith.constant 16 : i32
        %mul3A_864 = arith.muli %scan3A_854, %mul3A_863 : i32
        %add3A_865 = vector.broadcast %mul3A_864 : i32 to vector<16xi32>
        %add3A_866 = arith.addi %add3A_865, %iota3A : vector<16xi32>
        %gt3A = arith.cmpf ogt, %get3A_862, %min3A_634 : vector<16xf32>
        %eq3A_867 = arith.cmpf oeq, %get3A_862, %min3A_634 : vector<16xf32>
        %gt3A_868 = arith.cmpi sgt, %add3A_866, %min3A_698 : vector<16xi32>
        %and3A = arith.andi %eq3A_867, %gt3A_868 : vector<16xi1>
        %or3A = arith.ori %gt3A, %and3A : vector<16xi1>
        %jit3A_869 = arith.constant 3.000000e+38 : f32
        %broadcast_in_dim3A_870 = vector.broadcast %jit3A_869 : f32 to vector<16xf32>
        %select_n3A_871 = arith.select %or3A, %get3A_862, %broadcast_in_dim3A_870 : vector<16xi1>, vector<16xf32>
        %lt3A_872 = arith.cmpf olt, %select_n3A_871, %scan3A_855 : vector<16xf32>
        %select_n3A_873 = arith.select %lt3A_872, %select_n3A_871, %scan3A_855 : vector<16xi1>, vector<16xf32>
        %broadcast_in_dim3A_874 = vector.broadcast %scan3A_854 : i32 to vector<16xi32>
        %select_n3A_875 = arith.select %lt3A_872, %broadcast_in_dim3A_874, %scan3A_856 : vector<16xi1>, vector<16xi32>
        scf.yield %select_n3A_873, %select_n3A_875 : vector<16xf32>, vector<16xi32>
      }
      %scan3A_716 = arith.constant 64 : i32
      %xor3A_717 = arith.constant 8 : i32
      %xor3A_718 = vector.broadcast %xor3A_717 : i32 to vector<16xi32>
      %xor3A_719 = arith.xori %iota3A, %xor3A_718 : vector<16xi32>
      %lt3A_720 = arith.constant 0 : i32
      %lt3A_721 = vector.broadcast %lt3A_720 : i32 to vector<16xi32>
      %lt3A_722 = arith.cmpi slt, %xor3A_719, %lt3A_721 : vector<16xi32>
      %add3A_723 = arith.constant 16 : i32
      %add3A_724 = vector.broadcast %add3A_723 : i32 to vector<16xi32>
      %add3A_725 = arith.addi %xor3A_719, %add3A_724 : vector<16xi32>
      %select_n3A_726 = arith.select %lt3A_722, %add3A_725, %xor3A_719 : vector<16xi1>, vector<16xi32>
      %broadcast_in_dim3A_727 = vector.shape_cast %select_n3A_726 : vector<16xi32> to vector<16x1xi32>
      %gather3A_728 = vector.shape_cast %broadcast_in_dim3A_727 : vector<16x1xi32> to vector<16xi32>
      %gather3A_729 = tpu.dynamic_gather %scan3A_715#0[%gather3A_728] in [0] : vector<16xf32>, vector<16xi32> -> vector<16xf32>
      %min3A_730 = arith.minimumf %scan3A_715#0, %gather3A_729 : vector<16xf32>
      %xor3A_731 = arith.constant 4 : i32
      %xor3A_732 = vector.broadcast %xor3A_731 : i32 to vector<16xi32>
      %xor3A_733 = arith.xori %iota3A, %xor3A_732 : vector<16xi32>
      %lt3A_734 = arith.constant 0 : i32
      %lt3A_735 = vector.broadcast %lt3A_734 : i32 to vector<16xi32>
      %lt3A_736 = arith.cmpi slt, %xor3A_733, %lt3A_735 : vector<16xi32>
      %add3A_737 = arith.constant 16 : i32
      %add3A_738 = vector.broadcast %add3A_737 : i32 to vector<16xi32>
      %add3A_739 = arith.addi %xor3A_733, %add3A_738 : vector<16xi32>
      %select_n3A_740 = arith.select %lt3A_736, %add3A_739, %xor3A_733 : vector<16xi1>, vector<16xi32>
      %broadcast_in_dim3A_741 = vector.shape_cast %select_n3A_740 : vector<16xi32> to vector<16x1xi32>
      %gather3A_742 = vector.shape_cast %broadcast_in_dim3A_741 : vector<16x1xi32> to vector<16xi32>
      %gather3A_743 = tpu.dynamic_gather %min3A_730[%gather3A_742] in [0] : vector<16xf32>, vector<16xi32> -> vector<16xf32>
      %min3A_744 = arith.minimumf %min3A_730, %gather3A_743 : vector<16xf32>
      %xor3A_745 = arith.constant 2 : i32
      %xor3A_746 = vector.broadcast %xor3A_745 : i32 to vector<16xi32>
      %xor3A_747 = arith.xori %iota3A, %xor3A_746 : vector<16xi32>
      %lt3A_748 = arith.constant 0 : i32
      %lt3A_749 = vector.broadcast %lt3A_748 : i32 to vector<16xi32>
      %lt3A_750 = arith.cmpi slt, %xor3A_747, %lt3A_749 : vector<16xi32>
      %add3A_751 = arith.constant 16 : i32
      %add3A_752 = vector.broadcast %add3A_751 : i32 to vector<16xi32>
      %add3A_753 = arith.addi %xor3A_747, %add3A_752 : vector<16xi32>
      %select_n3A_754 = arith.select %lt3A_750, %add3A_753, %xor3A_747 : vector<16xi1>, vector<16xi32>
      %broadcast_in_dim3A_755 = vector.shape_cast %select_n3A_754 : vector<16xi32> to vector<16x1xi32>
      %gather3A_756 = vector.shape_cast %broadcast_in_dim3A_755 : vector<16x1xi32> to vector<16xi32>
      %gather3A_757 = tpu.dynamic_gather %min3A_744[%gather3A_756] in [0] : vector<16xf32>, vector<16xi32> -> vector<16xf32>
      %min3A_758 = arith.minimumf %min3A_744, %gather3A_757 : vector<16xf32>
      %xor3A_759 = arith.constant 1 : i32
      %xor3A_760 = vector.broadcast %xor3A_759 : i32 to vector<16xi32>
      %xor3A_761 = arith.xori %iota3A, %xor3A_760 : vector<16xi32>
      %lt3A_762 = arith.constant 0 : i32
      %lt3A_763 = vector.broadcast %lt3A_762 : i32 to vector<16xi32>
      %lt3A_764 = arith.cmpi slt, %xor3A_761, %lt3A_763 : vector<16xi32>
      %add3A_765 = arith.constant 16 : i32
      %add3A_766 = vector.broadcast %add3A_765 : i32 to vector<16xi32>
      %add3A_767 = arith.addi %xor3A_761, %add3A_766 : vector<16xi32>
      %select_n3A_768 = arith.select %lt3A_764, %add3A_767, %xor3A_761 : vector<16xi1>, vector<16xi32>
      %broadcast_in_dim3A_769 = vector.shape_cast %select_n3A_768 : vector<16xi32> to vector<16x1xi32>
      %gather3A_770 = vector.shape_cast %broadcast_in_dim3A_769 : vector<16x1xi32> to vector<16xi32>
      %gather3A_771 = tpu.dynamic_gather %min3A_758[%gather3A_770] in [0] : vector<16xf32>, vector<16xi32> -> vector<16xf32>
      %min3A_772 = arith.minimumf %min3A_758, %gather3A_771 : vector<16xf32>
      %eq3A_773 = arith.cmpf oeq, %scan3A_715#0, %min3A_772 : vector<16xf32>
      %mul3A_774 = arith.constant 16 : i32
      %mul3A_775 = vector.broadcast %mul3A_774 : i32 to vector<16xi32>
      %mul3A_776 = arith.muli %scan3A_715#1, %mul3A_775 : vector<16xi32>
      %add3A_777 = arith.addi %mul3A_776, %iota3A : vector<16xi32>
      %jit3A_778 = arith.constant 1073741824 : i32
      %broadcast_in_dim3A_779 = vector.broadcast %jit3A_778 : i32 to vector<16xi32>
      %select_n3A_780 = arith.select %eq3A_773, %add3A_777, %broadcast_in_dim3A_779 : vector<16xi1>, vector<16xi32>
      %xor3A_781 = arith.constant 8 : i32
      %xor3A_782 = vector.broadcast %xor3A_781 : i32 to vector<16xi32>
      %xor3A_783 = arith.xori %iota3A, %xor3A_782 : vector<16xi32>
      %lt3A_784 = arith.constant 0 : i32
      %lt3A_785 = vector.broadcast %lt3A_784 : i32 to vector<16xi32>
      %lt3A_786 = arith.cmpi slt, %xor3A_783, %lt3A_785 : vector<16xi32>
      %add3A_787 = arith.constant 16 : i32
      %add3A_788 = vector.broadcast %add3A_787 : i32 to vector<16xi32>
      %add3A_789 = arith.addi %xor3A_783, %add3A_788 : vector<16xi32>
      %select_n3A_790 = arith.select %lt3A_786, %add3A_789, %xor3A_783 : vector<16xi1>, vector<16xi32>
      %broadcast_in_dim3A_791 = vector.shape_cast %select_n3A_790 : vector<16xi32> to vector<16x1xi32>
      %gather3A_792 = vector.shape_cast %broadcast_in_dim3A_791 : vector<16x1xi32> to vector<16xi32>
      %gather3A_793 = tpu.dynamic_gather %select_n3A_780[%gather3A_792] in [0] : vector<16xi32>, vector<16xi32> -> vector<16xi32>
      %min3A_794 = arith.minsi %select_n3A_780, %gather3A_793 : vector<16xi32>
      %xor3A_795 = arith.constant 4 : i32
      %xor3A_796 = vector.broadcast %xor3A_795 : i32 to vector<16xi32>
      %xor3A_797 = arith.xori %iota3A, %xor3A_796 : vector<16xi32>
      %lt3A_798 = arith.constant 0 : i32
      %lt3A_799 = vector.broadcast %lt3A_798 : i32 to vector<16xi32>
      %lt3A_800 = arith.cmpi slt, %xor3A_797, %lt3A_799 : vector<16xi32>
      %add3A_801 = arith.constant 16 : i32
      %add3A_802 = vector.broadcast %add3A_801 : i32 to vector<16xi32>
      %add3A_803 = arith.addi %xor3A_797, %add3A_802 : vector<16xi32>
      %select_n3A_804 = arith.select %lt3A_800, %add3A_803, %xor3A_797 : vector<16xi1>, vector<16xi32>
      %broadcast_in_dim3A_805 = vector.shape_cast %select_n3A_804 : vector<16xi32> to vector<16x1xi32>
      %gather3A_806 = vector.shape_cast %broadcast_in_dim3A_805 : vector<16x1xi32> to vector<16xi32>
      %gather3A_807 = tpu.dynamic_gather %min3A_794[%gather3A_806] in [0] : vector<16xi32>, vector<16xi32> -> vector<16xi32>
      %min3A_808 = arith.minsi %min3A_794, %gather3A_807 : vector<16xi32>
      %xor3A_809 = arith.constant 2 : i32
      %xor3A_810 = vector.broadcast %xor3A_809 : i32 to vector<16xi32>
      %xor3A_811 = arith.xori %iota3A, %xor3A_810 : vector<16xi32>
      %lt3A_812 = arith.constant 0 : i32
      %lt3A_813 = vector.broadcast %lt3A_812 : i32 to vector<16xi32>
      %lt3A_814 = arith.cmpi slt, %xor3A_811, %lt3A_813 : vector<16xi32>
      %add3A_815 = arith.constant 16 : i32
      %add3A_816 = vector.broadcast %add3A_815 : i32 to vector<16xi32>
      %add3A_817 = arith.addi %xor3A_811, %add3A_816 : vector<16xi32>
      %select_n3A_818 = arith.select %lt3A_814, %add3A_817, %xor3A_811 : vector<16xi1>, vector<16xi32>
      %broadcast_in_dim3A_819 = vector.shape_cast %select_n3A_818 : vector<16xi32> to vector<16x1xi32>
      %gather3A_820 = vector.shape_cast %broadcast_in_dim3A_819 : vector<16x1xi32> to vector<16xi32>
      %gather3A_821 = tpu.dynamic_gather %min3A_808[%gather3A_820] in [0] : vector<16xi32>, vector<16xi32> -> vector<16xi32>
      %min3A_822 = arith.minsi %min3A_808, %gather3A_821 : vector<16xi32>
      %xor3A_823 = arith.constant 1 : i32
      %xor3A_824 = vector.broadcast %xor3A_823 : i32 to vector<16xi32>
      %xor3A_825 = arith.xori %iota3A, %xor3A_824 : vector<16xi32>
      %lt3A_826 = arith.constant 0 : i32
      %lt3A_827 = vector.broadcast %lt3A_826 : i32 to vector<16xi32>
      %lt3A_828 = arith.cmpi slt, %xor3A_825, %lt3A_827 : vector<16xi32>
      %add3A_829 = arith.constant 16 : i32
      %add3A_830 = vector.broadcast %add3A_829 : i32 to vector<16xi32>
      %add3A_831 = arith.addi %xor3A_825, %add3A_830 : vector<16xi32>
      %select_n3A_832 = arith.select %lt3A_828, %add3A_831, %xor3A_825 : vector<16xi1>, vector<16xi32>
      %broadcast_in_dim3A_833 = vector.shape_cast %select_n3A_832 : vector<16xi32> to vector<16x1xi32>
      %gather3A_834 = vector.shape_cast %broadcast_in_dim3A_833 : vector<16x1xi32> to vector<16xi32>
      %gather3A_835 = tpu.dynamic_gather %min3A_822[%gather3A_834] in [0] : vector<16xi32>, vector<16xi32> -> vector<16xi32>
      %min3A_836 = arith.minsi %min3A_822, %gather3A_835 : vector<16xi32>
      %eq3A_837 = arith.constant 5 : i32
      %eq3A_838 = vector.broadcast %eq3A_837 : i32 to vector<16xi32>
      %eq3A_839 = arith.cmpi eq, %iota3A, %eq3A_838 : vector<16xi32>
      %select_n3A_840 = arith.select %eq3A_839, %min3A_772, %select_n3A_702 : vector<16xi1>, vector<16xf32>
      %eq3A_841 = arith.constant 5 : i32
      %eq3A_842 = vector.broadcast %eq3A_841 : i32 to vector<16xi32>
      %eq3A_843 = arith.cmpi eq, %iota3A, %eq3A_842 : vector<16xi32>
      %select_n3A_844 = arith.select %eq3A_843, %min3A_836, %select_n3A_706 : vector<16xi1>, vector<16xi32>
      %mul3A_845 = arith.constant 16 : i32
      %mul3A_846 = arith.muli %scan3A_14, %mul3A_845 : i32
      %multiple_of3A = tpu.assume_multiple %mul3A_846, 16 : i32
      %swap3A = arith.index_cast %multiple_of3A : i32 to index
      %swap3A_847 = tpu.vector_load %arg6[%swap3A] {strides = array<i32>} : memref<512xf32, #tpu.memory_space<vmem>>, vector<16xf32>,
      %swap3A_848 = vector.shape_cast %swap3A_847 : vector<16xf32> to vector<16xf32>
      %swap3A_849 = vector.shape_cast %select_n3A_840 : vector<16xf32> to vector<16xf32>
      tpu.vector_store %arg6[%swap3A], %swap3A_849 {strides = array<i32>} : memref<512xf32, #tpu.memory_space<vmem>>, vector<16xf32>,
      %swap3A_850 = arith.index_cast %multiple_of3A : i32 to index
      %swap3A_851 = tpu.vector_load %arg7[%swap3A_850] {strides = array<i32>} : memref<512xi32, #tpu.memory_space<vmem>>, vector<16xi32>,
      %swap3A_852 = vector.shape_cast %swap3A_851 : vector<16xi32> to vector<16xi32>
      %swap3A_853 = vector.shape_cast %select_n3A_844 : vector<16xi32> to vector<16xi32>
      tpu.vector_store %arg7[%swap3A_850], %swap3A_853 {strides = array<i32>} : memref<512xi32, #tpu.memory_space<vmem>>, vector<16xi32>,
    }
    %scan3A_9 = arith.constant 32 : i32
    %mul3A_10 = arith.constant 16 : i32
    %mul3A_11 = arith.muli %mul3A_2, %mul3A_10 : i32
    "tpu.region"() ({
      %run_scoped3A = tpu.sem_alloc : memref<!tpu.dma_semaphore, #tpu.memory_space<semaphore_mem>>
      %dma_start3A = tpu.memref_slice %arg3[%mul3A_11] : memref<16384xf32, #tpu.memory_space<hbm>> -> memref<512xf32, #tpu.memory_space<hbm>>
      %dma_start3A_14 = tpu.memref_slice %arg3[%mul3A_11] : memref<16384xf32, #tpu.memory_space<hbm>> -> memref<512xf32, #tpu.memory_space<hbm>>
      tpu.enqueue_dma source(%arg6 : memref<512xf32, #tpu.memory_space<vmem>>) target(%dma_start3A_14 : memref<512xf32, #tpu.memory_space<hbm>>) target_semaphore(%run_scoped3A : memref<!tpu.dma_semaphore, #tpu.memory_space<semaphore_mem>>)
      %dma_wait3A = tpu.memref_slice %arg3[%mul3A_11] : memref<16384xf32, #tpu.memory_space<hbm>> -> memref<512xf32, #tpu.memory_space<hbm>>
      %dma_wait3A_15 = tpu.memref_slice %arg3[%mul3A_11] : memref<16384xf32, #tpu.memory_space<hbm>> -> memref<512xf32, #tpu.memory_space<hbm>>
      tpu.wait_dma2 semaphore(%run_scoped3A : memref<!tpu.dma_semaphore, #tpu.memory_space<semaphore_mem>>) src(%arg6 : memref<512xf32, #tpu.memory_space<vmem>>) dst(%dma_wait3A_15 : memref<512xf32, #tpu.memory_space<hbm>>)
      tpu.yield
    }) : () -> ()
    %mul3A_12 = arith.constant 16 : i32
    %mul3A_13 = arith.muli %mul3A_2, %mul3A_12 : i32
    "tpu.region"() ({
      %run_scoped3A = tpu.sem_alloc : memref<!tpu.dma_semaphore, #tpu.memory_space<semaphore_mem>>
      %dma_start3A = tpu.memref_slice %arg4[%mul3A_13] : memref<16384xi32, #tpu.memory_space<hbm>> -> memref<512xi32, #tpu.memory_space<hbm>>
      %dma_start3A_14 = tpu.memref_slice %arg4[%mul3A_13] : memref<16384xi32, #tpu.memory_space<hbm>> -> memref<512xi32, #tpu.memory_space<hbm>>
      tpu.enqueue_dma source(%arg7 : memref<512xi32, #tpu.memory_space<vmem>>) target(%dma_start3A_14 : memref<512xi32, #tpu.memory_space<hbm>>) target_semaphore(%run_scoped3A : memref<!tpu.dma_semaphore, #tpu.memory_space<semaphore_mem>>)
      %dma_wait3A = tpu.memref_slice %arg4[%mul3A_13] : memref<16384xi32, #tpu.memory_space<hbm>> -> memref<512xi32, #tpu.memory_space<hbm>>
      %dma_wait3A_15 = tpu.memref_slice %arg4[%mul3A_13] : memref<16384xi32, #tpu.memory_space<hbm>> -> memref<512xi32, #tpu.memory_space<hbm>>
      tpu.wait_dma2 semaphore(%run_scoped3A : memref<!tpu.dma_semaphore, #tpu.memory_space<semaphore_mem>>) src(%arg7 : memref<512xi32, #tpu.memory_space<vmem>>) dst(%dma_wait3A_15 : memref<512xi32, #tpu.memory_space<hbm>>)
      tpu.yield
    }) : () -> ()
    return
  }
}

module attributes {stable_mosaic.version = 14 : i64} {
  func.func @_graph_kernel(%arg0: memref<1024x16xi32, #tpu.memory_space<vmem>>, %arg1: memref<1024x16xf32, #tpu.memory_space<vmem>>, %arg2: memref<1024x1024xf32, #tpu.memory_space<vmem>>) attributes {dimension_semantics = [], scalar_prefetch = 0 : i64, scratch_operands = 0 : i64, tpu.core_type = #tpu.core_type<tc>} {
    %iota3A = tpu.iota {dimensions = array<i32: 1>} : vector<1024x1024xi32>
    %broadcast_in_dim3A = arith.constant 1.000000e+10 : f32
    %broadcast_in_dim3A_0 = vector.broadcast %broadcast_in_dim3A : f32 to vector<1024x1024xf32>
    %get3A = arith.constant 0 : index
    %get3A_1 = arith.constant 1 : index
    %get3A_2 = vector.load %arg0[%get3A, %get3A_1] : memref<1024x16xi32, #tpu.memory_space<vmem>>, vector<1024x1xi32>
    %eq3A = vector.broadcast %get3A_2 : vector<1024x1xi32> to vector<1024x1024xi32>
    %eq3A_3 = arith.cmpi eq, %iota3A, %eq3A : vector<1024x1024xi32>
    %get3A_4 = arith.constant 0 : index
    %get3A_5 = arith.constant 1 : index
    %get3A_6 = vector.load %arg1[%get3A_4, %get3A_5] : memref<1024x16xf32, #tpu.memory_space<vmem>>, vector<1024x1xf32>
    %broadcast_in_dim3A_7 = vector.shape_cast %get3A_6 : vector<1024x1xf32> to vector<1024x1xf32>
    %broadcast_in_dim3A_8 = vector.broadcast %broadcast_in_dim3A_7 : vector<1024x1xf32> to vector<1024x1024xf32>
    %select_n3A = arith.select %eq3A_3, %broadcast_in_dim3A_8, %broadcast_in_dim3A_0 : vector<1024x1024xi1>, vector<1024x1024xf32>
    %get3A_9 = arith.constant 0 : index
    %get3A_10 = arith.constant 2 : index
    %get3A_11 = vector.load %arg0[%get3A_9, %get3A_10] : memref<1024x16xi32, #tpu.memory_space<vmem>>, vector<1024x1xi32>
    %eq3A_12 = vector.broadcast %get3A_11 : vector<1024x1xi32> to vector<1024x1024xi32>
    %eq3A_13 = arith.cmpi eq, %iota3A, %eq3A_12 : vector<1024x1024xi32>
    %get3A_14 = arith.constant 0 : index
    %get3A_15 = arith.constant 2 : index
    %get3A_16 = vector.load %arg1[%get3A_14, %get3A_15] : memref<1024x16xf32, #tpu.memory_space<vmem>>, vector<1024x1xf32>
    %broadcast_in_dim3A_17 = vector.shape_cast %get3A_16 : vector<1024x1xf32> to vector<1024x1xf32>
    %broadcast_in_dim3A_18 = vector.broadcast %broadcast_in_dim3A_17 : vector<1024x1xf32> to vector<1024x1024xf32>
    %select_n3A_19 = arith.select %eq3A_13, %broadcast_in_dim3A_18, %select_n3A : vector<1024x1024xi1>, vector<1024x1024xf32>
    %get3A_20 = arith.constant 0 : index
    %get3A_21 = arith.constant 3 : index
    %get3A_22 = vector.load %arg0[%get3A_20, %get3A_21] : memref<1024x16xi32, #tpu.memory_space<vmem>>, vector<1024x1xi32>
    %eq3A_23 = vector.broadcast %get3A_22 : vector<1024x1xi32> to vector<1024x1024xi32>
    %eq3A_24 = arith.cmpi eq, %iota3A, %eq3A_23 : vector<1024x1024xi32>
    %get3A_25 = arith.constant 0 : index
    %get3A_26 = arith.constant 3 : index
    %get3A_27 = vector.load %arg1[%get3A_25, %get3A_26] : memref<1024x16xf32, #tpu.memory_space<vmem>>, vector<1024x1xf32>
    %broadcast_in_dim3A_28 = vector.shape_cast %get3A_27 : vector<1024x1xf32> to vector<1024x1xf32>
    %broadcast_in_dim3A_29 = vector.broadcast %broadcast_in_dim3A_28 : vector<1024x1xf32> to vector<1024x1024xf32>
    %select_n3A_30 = arith.select %eq3A_24, %broadcast_in_dim3A_29, %select_n3A_19 : vector<1024x1024xi1>, vector<1024x1024xf32>
    %get3A_31 = arith.constant 0 : index
    %get3A_32 = arith.constant 4 : index
    %get3A_33 = vector.load %arg0[%get3A_31, %get3A_32] : memref<1024x16xi32, #tpu.memory_space<vmem>>, vector<1024x1xi32>
    %eq3A_34 = vector.broadcast %get3A_33 : vector<1024x1xi32> to vector<1024x1024xi32>
    %eq3A_35 = arith.cmpi eq, %iota3A, %eq3A_34 : vector<1024x1024xi32>
    %get3A_36 = arith.constant 0 : index
    %get3A_37 = arith.constant 4 : index
    %get3A_38 = vector.load %arg1[%get3A_36, %get3A_37] : memref<1024x16xf32, #tpu.memory_space<vmem>>, vector<1024x1xf32>
    %broadcast_in_dim3A_39 = vector.shape_cast %get3A_38 : vector<1024x1xf32> to vector<1024x1xf32>
    %broadcast_in_dim3A_40 = vector.broadcast %broadcast_in_dim3A_39 : vector<1024x1xf32> to vector<1024x1024xf32>
    %select_n3A_41 = arith.select %eq3A_35, %broadcast_in_dim3A_40, %select_n3A_30 : vector<1024x1024xi1>, vector<1024x1024xf32>
    %get3A_42 = arith.constant 0 : index
    %get3A_43 = arith.constant 5 : index
    %get3A_44 = vector.load %arg0[%get3A_42, %get3A_43] : memref<1024x16xi32, #tpu.memory_space<vmem>>, vector<1024x1xi32>
    %eq3A_45 = vector.broadcast %get3A_44 : vector<1024x1xi32> to vector<1024x1024xi32>
    %eq3A_46 = arith.cmpi eq, %iota3A, %eq3A_45 : vector<1024x1024xi32>
    %get3A_47 = arith.constant 0 : index
    %get3A_48 = arith.constant 5 : index
    %get3A_49 = vector.load %arg1[%get3A_47, %get3A_48] : memref<1024x16xf32, #tpu.memory_space<vmem>>, vector<1024x1xf32>
    %broadcast_in_dim3A_50 = vector.shape_cast %get3A_49 : vector<1024x1xf32> to vector<1024x1xf32>
    %broadcast_in_dim3A_51 = vector.broadcast %broadcast_in_dim3A_50 : vector<1024x1xf32> to vector<1024x1024xf32>
    %select_n3A_52 = arith.select %eq3A_46, %broadcast_in_dim3A_51, %select_n3A_41 : vector<1024x1024xi1>, vector<1024x1024xf32>
    %transpose3A = tpu.transpose %select_n3A_52, [1, 0] : vector<1024x1024xf32> -> vector<1024x1024xf32>
    %min3A = arith.minimumf %select_n3A_52, %transpose3A : vector<1024x1024xf32>
    %iota3A_53 = tpu.iota {dimensions = array<i32: 0>} : vector<1024x1024xi32>
    %eq3A_54 = arith.cmpi eq, %iota3A_53, %iota3A : vector<1024x1024xi32>
    %jit3A = arith.constant 0.000000e+00 : f32
    %broadcast_in_dim3A_55 = vector.broadcast %jit3A : f32 to vector<1024x1024xf32>
    %select_n3A_56 = arith.select %eq3A_54, %broadcast_in_dim3A_55, %min3A : vector<1024x1024xi1>, vector<1024x1024xf32>
    %swap3A = arith.constant 0 : index
    %swap3A_57 = arith.constant 0 : index
    %swap3A_58 = vector.load %arg2[%swap3A, %swap3A_57] : memref<1024x1024xf32, #tpu.memory_space<vmem>>, vector<1024x1024xf32>
    tpu.vector_store %arg2[%swap3A, %swap3A_57], %select_n3A_56 {strides = array<i32>} : memref<1024x1024xf32, #tpu.memory_space<vmem>>, vector<1024x1024xf32>,
    return
  }
}

module attributes {stable_mosaic.version = 14 : i64} {
  func.func @_minplus_kernel(%arg0: i32, %arg1: memref<128x1024xf32, #tpu.memory_space<vmem>>, %arg2: memref<1024x1024xf32, #tpu.memory_space<vmem>>, %arg3: memref<128x1024xf32, #tpu.memory_space<vmem>>, %arg4: memref<1x1xf32, #tpu.memory_space<smem>>) attributes {dimension_semantics = [#tpu.dimension_semantics<arbitrary>], iteration_bounds = array<i64: 8>, scalar_prefetch = 0 : i64, scratch_operands = 0 : i64, tpu.core_type = #tpu.core_type<tc>, window_params = [{transform_indices = @transform_0, window_bounds = array<i64: 128, 1024>}, {pipeline_mode = #tpu.pipeline_mode<synchronous>, transform_indices = @transform_1, window_bounds = array<i64: 1024, 1024>}, {transform_indices = @transform_2, window_bounds = array<i64: 128, 1024>}, {transform_indices = @transform_3, window_bounds = array<i64: 1, 1>}]} {
    %get3A = arith.constant 0 : index
    %get3A_0 = arith.constant 0 : index
    %get3A_1 = vector.load %arg1[%get3A, %get3A_0] : memref<128x1024xf32, #tpu.memory_space<vmem>>, vector<128x1024xf32>
    %broadcast_in_dim3A = arith.constant 0x7F800000 : f32
    %broadcast_in_dim3A_2 = vector.broadcast %broadcast_in_dim3A : f32 to vector<128x1024xf32>
    %scan3A = arith.constant 0 : i32
    %scan3A_3 = arith.constant 8 : i32
    %scan3A_4 = arith.addi %scan3A, %scan3A_3 : i32
    %scan3A_5 = arith.constant 1 : i32
    %scan3A_6 = scf.for %scan3A_25 = %scan3A to %scan3A_4 step %scan3A_5 iter_args(%scan3A_26 = %broadcast_in_dim3A_2) -> (vector<128x1024xf32>)  : i32 {
      %mul3A = arith.constant 128 : i32
      %mul3A_27 = arith.muli %scan3A_25, %mul3A : i32
      %get3A_28 = arith.constant 0 : index
      %get3A_29 = arith.index_cast %mul3A_27 : i32 to index
      %get3A_30 = vector.load %arg1[%get3A_28, %get3A_29] : memref<128x1024xf32, #tpu.memory_space<vmem>>, vector<128x128xf32>
      %get3A_31 = arith.index_cast %mul3A_27 : i32 to index
      %get3A_32 = arith.constant 0 : index
      %get3A_33 = vector.load %arg2[%get3A_31, %get3A_32] : memref<1024x1024xf32, #tpu.memory_space<vmem>>, vector<128x1024xf32>
      %slice3A = vector.extract_strided_slice %get3A_30 {offsets = [0, 0], sizes = [128, 1], strides = [1, 1]} : vector<128x128xf32> to vector<128x1xf32>
      %slice3A_34 = vector.extract_strided_slice %get3A_33 {offsets = [0, 0], sizes = [1, 1024], strides = [1, 1]} : vector<128x1024xf32> to vector<1x1024xf32>
      %add3A = vector.broadcast %slice3A : vector<128x1xf32> to vector<128x1024xf32>
      %add3A_35 = vector.broadcast %slice3A_34 : vector<1x1024xf32> to vector<128x1024xf32>
      %add3A_36 = arith.addf %add3A, %add3A_35 : vector<128x1024xf32>
      %slice3A_37 = vector.extract_strided_slice %get3A_30 {offsets = [0, 1], sizes = [128, 1], strides = [1, 1]} : vector<128x128xf32> to vector<128x1xf32>
      %slice3A_38 = vector.extract_strided_slice %get3A_33 {offsets = [1, 0], sizes = [1, 1024], strides = [1, 1]} : vector<128x1024xf32> to vector<1x1024xf32>
      %add3A_39 = vector.broadcast %slice3A_37 : vector<128x1xf32> to vector<128x1024xf32>
      %add3A_40 = vector.broadcast %slice3A_38 : vector<1x1024xf32> to vector<128x1024xf32>
      %add3A_41 = arith.addf %add3A_39, %add3A_40 : vector<128x1024xf32>
      %slice3A_42 = vector.extract_strided_slice %get3A_30 {offsets = [0, 2], sizes = [128, 1], strides = [1, 1]} : vector<128x128xf32> to vector<128x1xf32>
      %slice3A_43 = vector.extract_strided_slice %get3A_33 {offsets = [2, 0], sizes = [1, 1024], strides = [1, 1]} : vector<128x1024xf32> to vector<1x1024xf32>
      %add3A_44 = vector.broadcast %slice3A_42 : vector<128x1xf32> to vector<128x1024xf32>
      %add3A_45 = vector.broadcast %slice3A_43 : vector<1x1024xf32> to vector<128x1024xf32>
      %add3A_46 = arith.addf %add3A_44, %add3A_45 : vector<128x1024xf32>
      %slice3A_47 = vector.extract_strided_slice %get3A_30 {offsets = [0, 3], sizes = [128, 1], strides = [1, 1]} : vector<128x128xf32> to vector<128x1xf32>
      %slice3A_48 = vector.extract_strided_slice %get3A_33 {offsets = [3, 0], sizes = [1, 1024], strides = [1, 1]} : vector<128x1024xf32> to vector<1x1024xf32>
      %add3A_49 = vector.broadcast %slice3A_47 : vector<128x1xf32> to vector<128x1024xf32>
      %add3A_50 = vector.broadcast %slice3A_48 : vector<1x1024xf32> to vector<128x1024xf32>
      %add3A_51 = arith.addf %add3A_49, %add3A_50 : vector<128x1024xf32>
      %slice3A_52 = vector.extract_strided_slice %get3A_30 {offsets = [0, 4], sizes = [128, 1], strides = [1, 1]} : vector<128x128xf32> to vector<128x1xf32>
      %slice3A_53 = vector.extract_strided_slice %get3A_33 {offsets = [4, 0], sizes = [1, 1024], strides = [1, 1]} : vector<128x1024xf32> to vector<1x1024xf32>
      %add3A_54 = vector.broadcast %slice3A_52 : vector<128x1xf32> to vector<128x1024xf32>
      %add3A_55 = vector.broadcast %slice3A_53 : vector<1x1024xf32> to vector<128x1024xf32>
      %add3A_56 = arith.addf %add3A_54, %add3A_55 : vector<128x1024xf32>
      %slice3A_57 = vector.extract_strided_slice %get3A_30 {offsets = [0, 5], sizes = [128, 1], strides = [1, 1]} : vector<128x128xf32> to vector<128x1xf32>
      %slice3A_58 = vector.extract_strided_slice %get3A_33 {offsets = [5, 0], sizes = [1, 1024], strides = [1, 1]} : vector<128x1024xf32> to vector<1x1024xf32>
      %add3A_59 = vector.broadcast %slice3A_57 : vector<128x1xf32> to vector<128x1024xf32>
      %add3A_60 = vector.broadcast %slice3A_58 : vector<1x1024xf32> to vector<128x1024xf32>
      %add3A_61 = arith.addf %add3A_59, %add3A_60 : vector<128x1024xf32>
      %slice3A_62 = vector.extract_strided_slice %get3A_30 {offsets = [0, 6], sizes = [128, 1], strides = [1, 1]} : vector<128x128xf32> to vector<128x1xf32>
      %slice3A_63 = vector.extract_strided_slice %get3A_33 {offsets = [6, 0], sizes = [1, 1024], strides = [1, 1]} : vector<128x1024xf32> to vector<1x1024xf32>
      %add3A_64 = vector.broadcast %slice3A_62 : vector<128x1xf32> to vector<128x1024xf32>
      %add3A_65 = vector.broadcast %slice3A_63 : vector<1x1024xf32> to vector<128x1024xf32>
      %add3A_66 = arith.addf %add3A_64, %add3A_65 : vector<128x1024xf32>
      %slice3A_67 = vector.extract_strided_slice %get3A_30 {offsets = [0, 7], sizes = [128, 1], strides = [1, 1]} : vector<128x128xf32> to vector<128x1xf32>
      %slice3A_68 = vector.extract_strided_slice %get3A_33 {offsets = [7, 0], sizes = [1, 1024], strides = [1, 1]} : vector<128x1024xf32> to vector<1x1024xf32>
      %add3A_69 = vector.broadcast %slice3A_67 : vector<128x1xf32> to vector<128x1024xf32>
      %add3A_70 = vector.broadcast %slice3A_68 : vector<1x1024xf32> to vector<128x1024xf32>
      %add3A_71 = arith.addf %add3A_69, %add3A_70 : vector<128x1024xf32>
      %slice3A_72 = vector.extract_strided_slice %get3A_30 {offsets = [0, 8], sizes = [128, 1], strides = [1, 1]} : vector<128x128xf32> to vector<128x1xf32>
      %slice3A_73 = vector.extract_strided_slice %get3A_33 {offsets = [8, 0], sizes = [1, 1024], strides = [1, 1]} : vector<128x1024xf32> to vector<1x1024xf32>
      %add3A_74 = vector.broadcast %slice3A_72 : vector<128x1xf32> to vector<128x1024xf32>
      %add3A_75 = vector.broadcast %slice3A_73 : vector<1x1024xf32> to vector<128x1024xf32>
      %add3A_76 = arith.addf %add3A_74, %add3A_75 : vector<128x1024xf32>
      %slice3A_77 = vector.extract_strided_slice %get3A_30 {offsets = [0, 9], sizes = [128, 1], strides = [1, 1]} : vector<128x128xf32> to vector<128x1xf32>
      %slice3A_78 = vector.extract_strided_slice %get3A_33 {offsets = [9, 0], sizes = [1, 1024], strides = [1, 1]} : vector<128x1024xf32> to vector<1x1024xf32>
      %add3A_79 = vector.broadcast %slice3A_77 : vector<128x1xf32> to vector<128x1024xf32>
      %add3A_80 = vector.broadcast %slice3A_78 : vector<1x1024xf32> to vector<128x1024xf32>
      %add3A_81 = arith.addf %add3A_79, %add3A_80 : vector<128x1024xf32>
      %slice3A_82 = vector.extract_strided_slice %get3A_30 {offsets = [0, 10], sizes = [128, 1], strides = [1, 1]} : vector<128x128xf32> to vector<128x1xf32>
      %slice3A_83 = vector.extract_strided_slice %get3A_33 {offsets = [10, 0], sizes = [1, 1024], strides = [1, 1]} : vector<128x1024xf32> to vector<1x1024xf32>
      %add3A_84 = vector.broadcast %slice3A_82 : vector<128x1xf32> to vector<128x1024xf32>
      %add3A_85 = vector.broadcast %slice3A_83 : vector<1x1024xf32> to vector<128x1024xf32>
      %add3A_86 = arith.addf %add3A_84, %add3A_85 : vector<128x1024xf32>
      %slice3A_87 = vector.extract_strided_slice %get3A_30 {offsets = [0, 11], sizes = [128, 1], strides = [1, 1]} : vector<128x128xf32> to vector<128x1xf32>
      %slice3A_88 = vector.extract_strided_slice %get3A_33 {offsets = [11, 0], sizes = [1, 1024], strides = [1, 1]} : vector<128x1024xf32> to vector<1x1024xf32>
      %add3A_89 = vector.broadcast %slice3A_87 : vector<128x1xf32> to vector<128x1024xf32>
      %add3A_90 = vector.broadcast %slice3A_88 : vector<1x1024xf32> to vector<128x1024xf32>
      %add3A_91 = arith.addf %add3A_89, %add3A_90 : vector<128x1024xf32>
      %slice3A_92 = vector.extract_strided_slice %get3A_30 {offsets = [0, 12], sizes = [128, 1], strides = [1, 1]} : vector<128x128xf32> to vector<128x1xf32>
      %slice3A_93 = vector.extract_strided_slice %get3A_33 {offsets = [12, 0], sizes = [1, 1024], strides = [1, 1]} : vector<128x1024xf32> to vector<1x1024xf32>
      %add3A_94 = vector.broadcast %slice3A_92 : vector<128x1xf32> to vector<128x1024xf32>
      %add3A_95 = vector.broadcast %slice3A_93 : vector<1x1024xf32> to vector<128x1024xf32>
      %add3A_96 = arith.addf %add3A_94, %add3A_95 : vector<128x1024xf32>
      %slice3A_97 = vector.extract_strided_slice %get3A_30 {offsets = [0, 13], sizes = [128, 1], strides = [1, 1]} : vector<128x128xf32> to vector<128x1xf32>
      %slice3A_98 = vector.extract_strided_slice %get3A_33 {offsets = [13, 0], sizes = [1, 1024], strides = [1, 1]} : vector<128x1024xf32> to vector<1x1024xf32>
      %add3A_99 = vector.broadcast %slice3A_97 : vector<128x1xf32> to vector<128x1024xf32>
      %add3A_100 = vector.broadcast %slice3A_98 : vector<1x1024xf32> to vector<128x1024xf32>
      %add3A_101 = arith.addf %add3A_99, %add3A_100 : vector<128x1024xf32>
      %slice3A_102 = vector.extract_strided_slice %get3A_30 {offsets = [0, 14], sizes = [128, 1], strides = [1, 1]} : vector<128x128xf32> to vector<128x1xf32>
      %slice3A_103 = vector.extract_strided_slice %get3A_33 {offsets = [14, 0], sizes = [1, 1024], strides = [1, 1]} : vector<128x1024xf32> to vector<1x1024xf32>
      %add3A_104 = vector.broadcast %slice3A_102 : vector<128x1xf32> to vector<128x1024xf32>
      %add3A_105 = vector.broadcast %slice3A_103 : vector<1x1024xf32> to vector<128x1024xf32>
      %add3A_106 = arith.addf %add3A_104, %add3A_105 : vector<128x1024xf32>
      %slice3A_107 = vector.extract_strided_slice %get3A_30 {offsets = [0, 15], sizes = [128, 1], strides = [1, 1]} : vector<128x128xf32> to vector<128x1xf32>
      %slice3A_108 = vector.extract_strided_slice %get3A_33 {offsets = [15, 0], sizes = [1, 1024], strides = [1, 1]} : vector<128x1024xf32> to vector<1x1024xf32>
      %add3A_109 = vector.broadcast %slice3A_107 : vector<128x1xf32> to vector<128x1024xf32>
      %add3A_110 = vector.broadcast %slice3A_108 : vector<1x1024xf32> to vector<128x1024xf32>
      %add3A_111 = arith.addf %add3A_109, %add3A_110 : vector<128x1024xf32>
      %slice3A_112 = vector.extract_strided_slice %get3A_30 {offsets = [0, 16], sizes = [128, 1], strides = [1, 1]} : vector<128x128xf32> to vector<128x1xf32>
      %slice3A_113 = vector.extract_strided_slice %get3A_33 {offsets = [16, 0], sizes = [1, 1024], strides = [1, 1]} : vector<128x1024xf32> to vector<1x1024xf32>
      %add3A_114 = vector.broadcast %slice3A_112 : vector<128x1xf32> to vector<128x1024xf32>
      %add3A_115 = vector.broadcast %slice3A_113 : vector<1x1024xf32> to vector<128x1024xf32>
      %add3A_116 = arith.addf %add3A_114, %add3A_115 : vector<128x1024xf32>
      %slice3A_117 = vector.extract_strided_slice %get3A_30 {offsets = [0, 17], sizes = [128, 1], strides = [1, 1]} : vector<128x128xf32> to vector<128x1xf32>
      %slice3A_118 = vector.extract_strided_slice %get3A_33 {offsets = [17, 0], sizes = [1, 1024], strides = [1, 1]} : vector<128x1024xf32> to vector<1x1024xf32>
      %add3A_119 = vector.broadcast %slice3A_117 : vector<128x1xf32> to vector<128x1024xf32>
      %add3A_120 = vector.broadcast %slice3A_118 : vector<1x1024xf32> to vector<128x1024xf32>
      %add3A_121 = arith.addf %add3A_119, %add3A_120 : vector<128x1024xf32>
      %slice3A_122 = vector.extract_strided_slice %get3A_30 {offsets = [0, 18], sizes = [128, 1], strides = [1, 1]} : vector<128x128xf32> to vector<128x1xf32>
      %slice3A_123 = vector.extract_strided_slice %get3A_33 {offsets = [18, 0], sizes = [1, 1024], strides = [1, 1]} : vector<128x1024xf32> to vector<1x1024xf32>
      %add3A_124 = vector.broadcast %slice3A_122 : vector<128x1xf32> to vector<128x1024xf32>
      %add3A_125 = vector.broadcast %slice3A_123 : vector<1x1024xf32> to vector<128x1024xf32>
      %add3A_126 = arith.addf %add3A_124, %add3A_125 : vector<128x1024xf32>
      %slice3A_127 = vector.extract_strided_slice %get3A_30 {offsets = [0, 19], sizes = [128, 1], strides = [1, 1]} : vector<128x128xf32> to vector<128x1xf32>
      %slice3A_128 = vector.extract_strided_slice %get3A_33 {offsets = [19, 0], sizes = [1, 1024], strides = [1, 1]} : vector<128x1024xf32> to vector<1x1024xf32>
      %add3A_129 = vector.broadcast %slice3A_127 : vector<128x1xf32> to vector<128x1024xf32>
      %add3A_130 = vector.broadcast %slice3A_128 : vector<1x1024xf32> to vector<128x1024xf32>
      %add3A_131 = arith.addf %add3A_129, %add3A_130 : vector<128x1024xf32>
      %slice3A_132 = vector.extract_strided_slice %get3A_30 {offsets = [0, 20], sizes = [128, 1], strides = [1, 1]} : vector<128x128xf32> to vector<128x1xf32>
      %slice3A_133 = vector.extract_strided_slice %get3A_33 {offsets = [20, 0], sizes = [1, 1024], strides = [1, 1]} : vector<128x1024xf32> to vector<1x1024xf32>
      %add3A_134 = vector.broadcast %slice3A_132 : vector<128x1xf32> to vector<128x1024xf32>
      %add3A_135 = vector.broadcast %slice3A_133 : vector<1x1024xf32> to vector<128x1024xf32>
      %add3A_136 = arith.addf %add3A_134, %add3A_135 : vector<128x1024xf32>
      %slice3A_137 = vector.extract_strided_slice %get3A_30 {offsets = [0, 21], sizes = [128, 1], strides = [1, 1]} : vector<128x128xf32> to vector<128x1xf32>
      %slice3A_138 = vector.extract_strided_slice %get3A_33 {offsets = [21, 0], sizes = [1, 1024], strides = [1, 1]} : vector<128x1024xf32> to vector<1x1024xf32>
      %add3A_139 = vector.broadcast %slice3A_137 : vector<128x1xf32> to vector<128x1024xf32>
      %add3A_140 = vector.broadcast %slice3A_138 : vector<1x1024xf32> to vector<128x1024xf32>
      %add3A_141 = arith.addf %add3A_139, %add3A_140 : vector<128x1024xf32>
      %slice3A_142 = vector.extract_strided_slice %get3A_30 {offsets = [0, 22], sizes = [128, 1], strides = [1, 1]} : vector<128x128xf32> to vector<128x1xf32>
      %slice3A_143 = vector.extract_strided_slice %get3A_33 {offsets = [22, 0], sizes = [1, 1024], strides = [1, 1]} : vector<128x1024xf32> to vector<1x1024xf32>
      %add3A_144 = vector.broadcast %slice3A_142 : vector<128x1xf32> to vector<128x1024xf32>
      %add3A_145 = vector.broadcast %slice3A_143 : vector<1x1024xf32> to vector<128x1024xf32>
      %add3A_146 = arith.addf %add3A_144, %add3A_145 : vector<128x1024xf32>
      %slice3A_147 = vector.extract_strided_slice %get3A_30 {offsets = [0, 23], sizes = [128, 1], strides = [1, 1]} : vector<128x128xf32> to vector<128x1xf32>
      %slice3A_148 = vector.extract_strided_slice %get3A_33 {offsets = [23, 0], sizes = [1, 1024], strides = [1, 1]} : vector<128x1024xf32> to vector<1x1024xf32>
      %add3A_149 = vector.broadcast %slice3A_147 : vector<128x1xf32> to vector<128x1024xf32>
      %add3A_150 = vector.broadcast %slice3A_148 : vector<1x1024xf32> to vector<128x1024xf32>
      %add3A_151 = arith.addf %add3A_149, %add3A_150 : vector<128x1024xf32>
      %slice3A_152 = vector.extract_strided_slice %get3A_30 {offsets = [0, 24], sizes = [128, 1], strides = [1, 1]} : vector<128x128xf32> to vector<128x1xf32>
      %slice3A_153 = vector.extract_strided_slice %get3A_33 {offsets = [24, 0], sizes = [1, 1024], strides = [1, 1]} : vector<128x1024xf32> to vector<1x1024xf32>
      %add3A_154 = vector.broadcast %slice3A_152 : vector<128x1xf32> to vector<128x1024xf32>
      %add3A_155 = vector.broadcast %slice3A_153 : vector<1x1024xf32> to vector<128x1024xf32>
      %add3A_156 = arith.addf %add3A_154, %add3A_155 : vector<128x1024xf32>
      %slice3A_157 = vector.extract_strided_slice %get3A_30 {offsets = [0, 25], sizes = [128, 1], strides = [1, 1]} : vector<128x128xf32> to vector<128x1xf32>
      %slice3A_158 = vector.extract_strided_slice %get3A_33 {offsets = [25, 0], sizes = [1, 1024], strides = [1, 1]} : vector<128x1024xf32> to vector<1x1024xf32>
      %add3A_159 = vector.broadcast %slice3A_157 : vector<128x1xf32> to vector<128x1024xf32>
      %add3A_160 = vector.broadcast %slice3A_158 : vector<1x1024xf32> to vector<128x1024xf32>
      %add3A_161 = arith.addf %add3A_159, %add3A_160 : vector<128x1024xf32>
      %slice3A_162 = vector.extract_strided_slice %get3A_30 {offsets = [0, 26], sizes = [128, 1], strides = [1, 1]} : vector<128x128xf32> to vector<128x1xf32>
      %slice3A_163 = vector.extract_strided_slice %get3A_33 {offsets = [26, 0], sizes = [1, 1024], strides = [1, 1]} : vector<128x1024xf32> to vector<1x1024xf32>
      %add3A_164 = vector.broadcast %slice3A_162 : vector<128x1xf32> to vector<128x1024xf32>
      %add3A_165 = vector.broadcast %slice3A_163 : vector<1x1024xf32> to vector<128x1024xf32>
      %add3A_166 = arith.addf %add3A_164, %add3A_165 : vector<128x1024xf32>
      %slice3A_167 = vector.extract_strided_slice %get3A_30 {offsets = [0, 27], sizes = [128, 1], strides = [1, 1]} : vector<128x128xf32> to vector<128x1xf32>
      %slice3A_168 = vector.extract_strided_slice %get3A_33 {offsets = [27, 0], sizes = [1, 1024], strides = [1, 1]} : vector<128x1024xf32> to vector<1x1024xf32>
      %add3A_169 = vector.broadcast %slice3A_167 : vector<128x1xf32> to vector<128x1024xf32>
      %add3A_170 = vector.broadcast %slice3A_168 : vector<1x1024xf32> to vector<128x1024xf32>
      %add3A_171 = arith.addf %add3A_169, %add3A_170 : vector<128x1024xf32>
      %slice3A_172 = vector.extract_strided_slice %get3A_30 {offsets = [0, 28], sizes = [128, 1], strides = [1, 1]} : vector<128x128xf32> to vector<128x1xf32>
      %slice3A_173 = vector.extract_strided_slice %get3A_33 {offsets = [28, 0], sizes = [1, 1024], strides = [1, 1]} : vector<128x1024xf32> to vector<1x1024xf32>
      %add3A_174 = vector.broadcast %slice3A_172 : vector<128x1xf32> to vector<128x1024xf32>
      %add3A_175 = vector.broadcast %slice3A_173 : vector<1x1024xf32> to vector<128x1024xf32>
      %add3A_176 = arith.addf %add3A_174, %add3A_175 : vector<128x1024xf32>
      %slice3A_177 = vector.extract_strided_slice %get3A_30 {offsets = [0, 29], sizes = [128, 1], strides = [1, 1]} : vector<128x128xf32> to vector<128x1xf32>
      %slice3A_178 = vector.extract_strided_slice %get3A_33 {offsets = [29, 0], sizes = [1, 1024], strides = [1, 1]} : vector<128x1024xf32> to vector<1x1024xf32>
      %add3A_179 = vector.broadcast %slice3A_177 : vector<128x1xf32> to vector<128x1024xf32>
      %add3A_180 = vector.broadcast %slice3A_178 : vector<1x1024xf32> to vector<128x1024xf32>
      %add3A_181 = arith.addf %add3A_179, %add3A_180 : vector<128x1024xf32>
      %slice3A_182 = vector.extract_strided_slice %get3A_30 {offsets = [0, 30], sizes = [128, 1], strides = [1, 1]} : vector<128x128xf32> to vector<128x1xf32>
      %slice3A_183 = vector.extract_strided_slice %get3A_33 {offsets = [30, 0], sizes = [1, 1024], strides = [1, 1]} : vector<128x1024xf32> to vector<1x1024xf32>
      %add3A_184 = vector.broadcast %slice3A_182 : vector<128x1xf32> to vector<128x1024xf32>
      %add3A_185 = vector.broadcast %slice3A_183 : vector<1x1024xf32> to vector<128x1024xf32>
      %add3A_186 = arith.addf %add3A_184, %add3A_185 : vector<128x1024xf32>
      %slice3A_187 = vector.extract_strided_slice %get3A_30 {offsets = [0, 31], sizes = [128, 1], strides = [1, 1]} : vector<128x128xf32> to vector<128x1xf32>
      %slice3A_188 = vector.extract_strided_slice %get3A_33 {offsets = [31, 0], sizes = [1, 1024], strides = [1, 1]} : vector<128x1024xf32> to vector<1x1024xf32>
      %add3A_189 = vector.broadcast %slice3A_187 : vector<128x1xf32> to vector<128x1024xf32>
      %add3A_190 = vector.broadcast %slice3A_188 : vector<1x1024xf32> to vector<128x1024xf32>
      %add3A_191 = arith.addf %add3A_189, %add3A_190 : vector<128x1024xf32>
      %slice3A_192 = vector.extract_strided_slice %get3A_30 {offsets = [0, 32], sizes = [128, 1], strides = [1, 1]} : vector<128x128xf32> to vector<128x1xf32>
      %slice3A_193 = vector.extract_strided_slice %get3A_33 {offsets = [32, 0], sizes = [1, 1024], strides = [1, 1]} : vector<128x1024xf32> to vector<1x1024xf32>
      %add3A_194 = vector.broadcast %slice3A_192 : vector<128x1xf32> to vector<128x1024xf32>
      %add3A_195 = vector.broadcast %slice3A_193 : vector<1x1024xf32> to vector<128x1024xf32>
      %add3A_196 = arith.addf %add3A_194, %add3A_195 : vector<128x1024xf32>
      %slice3A_197 = vector.extract_strided_slice %get3A_30 {offsets = [0, 33], sizes = [128, 1], strides = [1, 1]} : vector<128x128xf32> to vector<128x1xf32>
      %slice3A_198 = vector.extract_strided_slice %get3A_33 {offsets = [33, 0], sizes = [1, 1024], strides = [1, 1]} : vector<128x1024xf32> to vector<1x1024xf32>
      %add3A_199 = vector.broadcast %slice3A_197 : vector<128x1xf32> to vector<128x1024xf32>
      %add3A_200 = vector.broadcast %slice3A_198 : vector<1x1024xf32> to vector<128x1024xf32>
      %add3A_201 = arith.addf %add3A_199, %add3A_200 : vector<128x1024xf32>
      %slice3A_202 = vector.extract_strided_slice %get3A_30 {offsets = [0, 34], sizes = [128, 1], strides = [1, 1]} : vector<128x128xf32> to vector<128x1xf32>
      %slice3A_203 = vector.extract_strided_slice %get3A_33 {offsets = [34, 0], sizes = [1, 1024], strides = [1, 1]} : vector<128x1024xf32> to vector<1x1024xf32>
      %add3A_204 = vector.broadcast %slice3A_202 : vector<128x1xf32> to vector<128x1024xf32>
      %add3A_205 = vector.broadcast %slice3A_203 : vector<1x1024xf32> to vector<128x1024xf32>
      %add3A_206 = arith.addf %add3A_204, %add3A_205 : vector<128x1024xf32>
      %slice3A_207 = vector.extract_strided_slice %get3A_30 {offsets = [0, 35], sizes = [128, 1], strides = [1, 1]} : vector<128x128xf32> to vector<128x1xf32>
      %slice3A_208 = vector.extract_strided_slice %get3A_33 {offsets = [35, 0], sizes = [1, 1024], strides = [1, 1]} : vector<128x1024xf32> to vector<1x1024xf32>
      %add3A_209 = vector.broadcast %slice3A_207 : vector<128x1xf32> to vector<128x1024xf32>
      %add3A_210 = vector.broadcast %slice3A_208 : vector<1x1024xf32> to vector<128x1024xf32>
      %add3A_211 = arith.addf %add3A_209, %add3A_210 : vector<128x1024xf32>
      %slice3A_212 = vector.extract_strided_slice %get3A_30 {offsets = [0, 36], sizes = [128, 1], strides = [1, 1]} : vector<128x128xf32> to vector<128x1xf32>
      %slice3A_213 = vector.extract_strided_slice %get3A_33 {offsets = [36, 0], sizes = [1, 1024], strides = [1, 1]} : vector<128x1024xf32> to vector<1x1024xf32>
      %add3A_214 = vector.broadcast %slice3A_212 : vector<128x1xf32> to vector<128x1024xf32>
      %add3A_215 = vector.broadcast %slice3A_213 : vector<1x1024xf32> to vector<128x1024xf32>
      %add3A_216 = arith.addf %add3A_214, %add3A_215 : vector<128x1024xf32>
      %slice3A_217 = vector.extract_strided_slice %get3A_30 {offsets = [0, 37], sizes = [128, 1], strides = [1, 1]} : vector<128x128xf32> to vector<128x1xf32>
      %slice3A_218 = vector.extract_strided_slice %get3A_33 {offsets = [37, 0], sizes = [1, 1024], strides = [1, 1]} : vector<128x1024xf32> to vector<1x1024xf32>
      %add3A_219 = vector.broadcast %slice3A_217 : vector<128x1xf32> to vector<128x1024xf32>
      %add3A_220 = vector.broadcast %slice3A_218 : vector<1x1024xf32> to vector<128x1024xf32>
      %add3A_221 = arith.addf %add3A_219, %add3A_220 : vector<128x1024xf32>
      %slice3A_222 = vector.extract_strided_slice %get3A_30 {offsets = [0, 38], sizes = [128, 1], strides = [1, 1]} : vector<128x128xf32> to vector<128x1xf32>
      %slice3A_223 = vector.extract_strided_slice %get3A_33 {offsets = [38, 0], sizes = [1, 1024], strides = [1, 1]} : vector<128x1024xf32> to vector<1x1024xf32>
      %add3A_224 = vector.broadcast %slice3A_222 : vector<128x1xf32> to vector<128x1024xf32>
      %add3A_225 = vector.broadcast %slice3A_223 : vector<1x1024xf32> to vector<128x1024xf32>
      %add3A_226 = arith.addf %add3A_224, %add3A_225 : vector<128x1024xf32>
      %slice3A_227 = vector.extract_strided_slice %get3A_30 {offsets = [0, 39], sizes = [128, 1], strides = [1, 1]} : vector<128x128xf32> to vector<128x1xf32>
      %slice3A_228 = vector.extract_strided_slice %get3A_33 {offsets = [39, 0], sizes = [1, 1024], strides = [1, 1]} : vector<128x1024xf32> to vector<1x1024xf32>
      %add3A_229 = vector.broadcast %slice3A_227 : vector<128x1xf32> to vector<128x1024xf32>
      %add3A_230 = vector.broadcast %slice3A_228 : vector<1x1024xf32> to vector<128x1024xf32>
      %add3A_231 = arith.addf %add3A_229, %add3A_230 : vector<128x1024xf32>
      %slice3A_232 = vector.extract_strided_slice %get3A_30 {offsets = [0, 40], sizes = [128, 1], strides = [1, 1]} : vector<128x128xf32> to vector<128x1xf32>
      %slice3A_233 = vector.extract_strided_slice %get3A_33 {offsets = [40, 0], sizes = [1, 1024], strides = [1, 1]} : vector<128x1024xf32> to vector<1x1024xf32>
      %add3A_234 = vector.broadcast %slice3A_232 : vector<128x1xf32> to vector<128x1024xf32>
      %add3A_235 = vector.broadcast %slice3A_233 : vector<1x1024xf32> to vector<128x1024xf32>
      %add3A_236 = arith.addf %add3A_234, %add3A_235 : vector<128x1024xf32>
      %slice3A_237 = vector.extract_strided_slice %get3A_30 {offsets = [0, 41], sizes = [128, 1], strides = [1, 1]} : vector<128x128xf32> to vector<128x1xf32>
      %slice3A_238 = vector.extract_strided_slice %get3A_33 {offsets = [41, 0], sizes = [1, 1024], strides = [1, 1]} : vector<128x1024xf32> to vector<1x1024xf32>
      %add3A_239 = vector.broadcast %slice3A_237 : vector<128x1xf32> to vector<128x1024xf32>
      %add3A_240 = vector.broadcast %slice3A_238 : vector<1x1024xf32> to vector<128x1024xf32>
      %add3A_241 = arith.addf %add3A_239, %add3A_240 : vector<128x1024xf32>
      %slice3A_242 = vector.extract_strided_slice %get3A_30 {offsets = [0, 42], sizes = [128, 1], strides = [1, 1]} : vector<128x128xf32> to vector<128x1xf32>
      %slice3A_243 = vector.extract_strided_slice %get3A_33 {offsets = [42, 0], sizes = [1, 1024], strides = [1, 1]} : vector<128x1024xf32> to vector<1x1024xf32>
      %add3A_244 = vector.broadcast %slice3A_242 : vector<128x1xf32> to vector<128x1024xf32>
      %add3A_245 = vector.broadcast %slice3A_243 : vector<1x1024xf32> to vector<128x1024xf32>
      %add3A_246 = arith.addf %add3A_244, %add3A_245 : vector<128x1024xf32>
      %slice3A_247 = vector.extract_strided_slice %get3A_30 {offsets = [0, 43], sizes = [128, 1], strides = [1, 1]} : vector<128x128xf32> to vector<128x1xf32>
      %slice3A_248 = vector.extract_strided_slice %get3A_33 {offsets = [43, 0], sizes = [1, 1024], strides = [1, 1]} : vector<128x1024xf32> to vector<1x1024xf32>
      %add3A_249 = vector.broadcast %slice3A_247 : vector<128x1xf32> to vector<128x1024xf32>
      %add3A_250 = vector.broadcast %slice3A_248 : vector<1x1024xf32> to vector<128x1024xf32>
      %add3A_251 = arith.addf %add3A_249, %add3A_250 : vector<128x1024xf32>
      %slice3A_252 = vector.extract_strided_slice %get3A_30 {offsets = [0, 44], sizes = [128, 1], strides = [1, 1]} : vector<128x128xf32> to vector<128x1xf32>
      %slice3A_253 = vector.extract_strided_slice %get3A_33 {offsets = [44, 0], sizes = [1, 1024], strides = [1, 1]} : vector<128x1024xf32> to vector<1x1024xf32>
      %add3A_254 = vector.broadcast %slice3A_252 : vector<128x1xf32> to vector<128x1024xf32>
      %add3A_255 = vector.broadcast %slice3A_253 : vector<1x1024xf32> to vector<128x1024xf32>
      %add3A_256 = arith.addf %add3A_254, %add3A_255 : vector<128x1024xf32>
      %slice3A_257 = vector.extract_strided_slice %get3A_30 {offsets = [0, 45], sizes = [128, 1], strides = [1, 1]} : vector<128x128xf32> to vector<128x1xf32>
      %slice3A_258 = vector.extract_strided_slice %get3A_33 {offsets = [45, 0], sizes = [1, 1024], strides = [1, 1]} : vector<128x1024xf32> to vector<1x1024xf32>
      %add3A_259 = vector.broadcast %slice3A_257 : vector<128x1xf32> to vector<128x1024xf32>
      %add3A_260 = vector.broadcast %slice3A_258 : vector<1x1024xf32> to vector<128x1024xf32>
      %add3A_261 = arith.addf %add3A_259, %add3A_260 : vector<128x1024xf32>
      %slice3A_262 = vector.extract_strided_slice %get3A_30 {offsets = [0, 46], sizes = [128, 1], strides = [1, 1]} : vector<128x128xf32> to vector<128x1xf32>
      %slice3A_263 = vector.extract_strided_slice %get3A_33 {offsets = [46, 0], sizes = [1, 1024], strides = [1, 1]} : vector<128x1024xf32> to vector<1x1024xf32>
      %add3A_264 = vector.broadcast %slice3A_262 : vector<128x1xf32> to vector<128x1024xf32>
      %add3A_265 = vector.broadcast %slice3A_263 : vector<1x1024xf32> to vector<128x1024xf32>
      %add3A_266 = arith.addf %add3A_264, %add3A_265 : vector<128x1024xf32>
      %slice3A_267 = vector.extract_strided_slice %get3A_30 {offsets = [0, 47], sizes = [128, 1], strides = [1, 1]} : vector<128x128xf32> to vector<128x1xf32>
      %slice3A_268 = vector.extract_strided_slice %get3A_33 {offsets = [47, 0], sizes = [1, 1024], strides = [1, 1]} : vector<128x1024xf32> to vector<1x1024xf32>
      %add3A_269 = vector.broadcast %slice3A_267 : vector<128x1xf32> to vector<128x1024xf32>
      %add3A_270 = vector.broadcast %slice3A_268 : vector<1x1024xf32> to vector<128x1024xf32>
      %add3A_271 = arith.addf %add3A_269, %add3A_270 : vector<128x1024xf32>
      %slice3A_272 = vector.extract_strided_slice %get3A_30 {offsets = [0, 48], sizes = [128, 1], strides = [1, 1]} : vector<128x128xf32> to vector<128x1xf32>
      %slice3A_273 = vector.extract_strided_slice %get3A_33 {offsets = [48, 0], sizes = [1, 1024], strides = [1, 1]} : vector<128x1024xf32> to vector<1x1024xf32>
      %add3A_274 = vector.broadcast %slice3A_272 : vector<128x1xf32> to vector<128x1024xf32>
      %add3A_275 = vector.broadcast %slice3A_273 : vector<1x1024xf32> to vector<128x1024xf32>
      %add3A_276 = arith.addf %add3A_274, %add3A_275 : vector<128x1024xf32>
      %slice3A_277 = vector.extract_strided_slice %get3A_30 {offsets = [0, 49], sizes = [128, 1], strides = [1, 1]} : vector<128x128xf32> to vector<128x1xf32>
      %slice3A_278 = vector.extract_strided_slice %get3A_33 {offsets = [49, 0], sizes = [1, 1024], strides = [1, 1]} : vector<128x1024xf32> to vector<1x1024xf32>
      %add3A_279 = vector.broadcast %slice3A_277 : vector<128x1xf32> to vector<128x1024xf32>
      %add3A_280 = vector.broadcast %slice3A_278 : vector<1x1024xf32> to vector<128x1024xf32>
      %add3A_281 = arith.addf %add3A_279, %add3A_280 : vector<128x1024xf32>
      %slice3A_282 = vector.extract_strided_slice %get3A_30 {offsets = [0, 50], sizes = [128, 1], strides = [1, 1]} : vector<128x128xf32> to vector<128x1xf32>
      %slice3A_283 = vector.extract_strided_slice %get3A_33 {offsets = [50, 0], sizes = [1, 1024], strides = [1, 1]} : vector<128x1024xf32> to vector<1x1024xf32>
      %add3A_284 = vector.broadcast %slice3A_282 : vector<128x1xf32> to vector<128x1024xf32>
      %add3A_285 = vector.broadcast %slice3A_283 : vector<1x1024xf32> to vector<128x1024xf32>
      %add3A_286 = arith.addf %add3A_284, %add3A_285 : vector<128x1024xf32>
      %slice3A_287 = vector.extract_strided_slice %get3A_30 {offsets = [0, 51], sizes = [128, 1], strides = [1, 1]} : vector<128x128xf32> to vector<128x1xf32>
      %slice3A_288 = vector.extract_strided_slice %get3A_33 {offsets = [51, 0], sizes = [1, 1024], strides = [1, 1]} : vector<128x1024xf32> to vector<1x1024xf32>
      %add3A_289 = vector.broadcast %slice3A_287 : vector<128x1xf32> to vector<128x1024xf32>
      %add3A_290 = vector.broadcast %slice3A_288 : vector<1x1024xf32> to vector<128x1024xf32>
      %add3A_291 = arith.addf %add3A_289, %add3A_290 : vector<128x1024xf32>
      %slice3A_292 = vector.extract_strided_slice %get3A_30 {offsets = [0, 52], sizes = [128, 1], strides = [1, 1]} : vector<128x128xf32> to vector<128x1xf32>
      %slice3A_293 = vector.extract_strided_slice %get3A_33 {offsets = [52, 0], sizes = [1, 1024], strides = [1, 1]} : vector<128x1024xf32> to vector<1x1024xf32>
      %add3A_294 = vector.broadcast %slice3A_292 : vector<128x1xf32> to vector<128x1024xf32>
      %add3A_295 = vector.broadcast %slice3A_293 : vector<1x1024xf32> to vector<128x1024xf32>
      %add3A_296 = arith.addf %add3A_294, %add3A_295 : vector<128x1024xf32>
      %slice3A_297 = vector.extract_strided_slice %get3A_30 {offsets = [0, 53], sizes = [128, 1], strides = [1, 1]} : vector<128x128xf32> to vector<128x1xf32>
      %slice3A_298 = vector.extract_strided_slice %get3A_33 {offsets = [53, 0], sizes = [1, 1024], strides = [1, 1]} : vector<128x1024xf32> to vector<1x1024xf32>
      %add3A_299 = vector.broadcast %slice3A_297 : vector<128x1xf32> to vector<128x1024xf32>
      %add3A_300 = vector.broadcast %slice3A_298 : vector<1x1024xf32> to vector<128x1024xf32>
      %add3A_301 = arith.addf %add3A_299, %add3A_300 : vector<128x1024xf32>
      %slice3A_302 = vector.extract_strided_slice %get3A_30 {offsets = [0, 54], sizes = [128, 1], strides = [1, 1]} : vector<128x128xf32> to vector<128x1xf32>
      %slice3A_303 = vector.extract_strided_slice %get3A_33 {offsets = [54, 0], sizes = [1, 1024], strides = [1, 1]} : vector<128x1024xf32> to vector<1x1024xf32>
      %add3A_304 = vector.broadcast %slice3A_302 : vector<128x1xf32> to vector<128x1024xf32>
      %add3A_305 = vector.broadcast %slice3A_303 : vector<1x1024xf32> to vector<128x1024xf32>
      %add3A_306 = arith.addf %add3A_304, %add3A_305 : vector<128x1024xf32>
      %slice3A_307 = vector.extract_strided_slice %get3A_30 {offsets = [0, 55], sizes = [128, 1], strides = [1, 1]} : vector<128x128xf32> to vector<128x1xf32>
      %slice3A_308 = vector.extract_strided_slice %get3A_33 {offsets = [55, 0], sizes = [1, 1024], strides = [1, 1]} : vector<128x1024xf32> to vector<1x1024xf32>
      %add3A_309 = vector.broadcast %slice3A_307 : vector<128x1xf32> to vector<128x1024xf32>
      %add3A_310 = vector.broadcast %slice3A_308 : vector<1x1024xf32> to vector<128x1024xf32>
      %add3A_311 = arith.addf %add3A_309, %add3A_310 : vector<128x1024xf32>
      %slice3A_312 = vector.extract_strided_slice %get3A_30 {offsets = [0, 56], sizes = [128, 1], strides = [1, 1]} : vector<128x128xf32> to vector<128x1xf32>
      %slice3A_313 = vector.extract_strided_slice %get3A_33 {offsets = [56, 0], sizes = [1, 1024], strides = [1, 1]} : vector<128x1024xf32> to vector<1x1024xf32>
      %add3A_314 = vector.broadcast %slice3A_312 : vector<128x1xf32> to vector<128x1024xf32>
      %add3A_315 = vector.broadcast %slice3A_313 : vector<1x1024xf32> to vector<128x1024xf32>
      %add3A_316 = arith.addf %add3A_314, %add3A_315 : vector<128x1024xf32>
      %slice3A_317 = vector.extract_strided_slice %get3A_30 {offsets = [0, 57], sizes = [128, 1], strides = [1, 1]} : vector<128x128xf32> to vector<128x1xf32>
      %slice3A_318 = vector.extract_strided_slice %get3A_33 {offsets = [57, 0], sizes = [1, 1024], strides = [1, 1]} : vector<128x1024xf32> to vector<1x1024xf32>
      %add3A_319 = vector.broadcast %slice3A_317 : vector<128x1xf32> to vector<128x1024xf32>
      %add3A_320 = vector.broadcast %slice3A_318 : vector<1x1024xf32> to vector<128x1024xf32>
      %add3A_321 = arith.addf %add3A_319, %add3A_320 : vector<128x1024xf32>
      %slice3A_322 = vector.extract_strided_slice %get3A_30 {offsets = [0, 58], sizes = [128, 1], strides = [1, 1]} : vector<128x128xf32> to vector<128x1xf32>
      %slice3A_323 = vector.extract_strided_slice %get3A_33 {offsets = [58, 0], sizes = [1, 1024], strides = [1, 1]} : vector<128x1024xf32> to vector<1x1024xf32>
      %add3A_324 = vector.broadcast %slice3A_322 : vector<128x1xf32> to vector<128x1024xf32>
      %add3A_325 = vector.broadcast %slice3A_323 : vector<1x1024xf32> to vector<128x1024xf32>
      %add3A_326 = arith.addf %add3A_324, %add3A_325 : vector<128x1024xf32>
      %slice3A_327 = vector.extract_strided_slice %get3A_30 {offsets = [0, 59], sizes = [128, 1], strides = [1, 1]} : vector<128x128xf32> to vector<128x1xf32>
      %slice3A_328 = vector.extract_strided_slice %get3A_33 {offsets = [59, 0], sizes = [1, 1024], strides = [1, 1]} : vector<128x1024xf32> to vector<1x1024xf32>
      %add3A_329 = vector.broadcast %slice3A_327 : vector<128x1xf32> to vector<128x1024xf32>
      %add3A_330 = vector.broadcast %slice3A_328 : vector<1x1024xf32> to vector<128x1024xf32>
      %add3A_331 = arith.addf %add3A_329, %add3A_330 : vector<128x1024xf32>
      %slice3A_332 = vector.extract_strided_slice %get3A_30 {offsets = [0, 60], sizes = [128, 1], strides = [1, 1]} : vector<128x128xf32> to vector<128x1xf32>
      %slice3A_333 = vector.extract_strided_slice %get3A_33 {offsets = [60, 0], sizes = [1, 1024], strides = [1, 1]} : vector<128x1024xf32> to vector<1x1024xf32>
      %add3A_334 = vector.broadcast %slice3A_332 : vector<128x1xf32> to vector<128x1024xf32>
      %add3A_335 = vector.broadcast %slice3A_333 : vector<1x1024xf32> to vector<128x1024xf32>
      %add3A_336 = arith.addf %add3A_334, %add3A_335 : vector<128x1024xf32>
      %slice3A_337 = vector.extract_strided_slice %get3A_30 {offsets = [0, 61], sizes = [128, 1], strides = [1, 1]} : vector<128x128xf32> to vector<128x1xf32>
      %slice3A_338 = vector.extract_strided_slice %get3A_33 {offsets = [61, 0], sizes = [1, 1024], strides = [1, 1]} : vector<128x1024xf32> to vector<1x1024xf32>
      %add3A_339 = vector.broadcast %slice3A_337 : vector<128x1xf32> to vector<128x1024xf32>
      %add3A_340 = vector.broadcast %slice3A_338 : vector<1x1024xf32> to vector<128x1024xf32>
      %add3A_341 = arith.addf %add3A_339, %add3A_340 : vector<128x1024xf32>
      %slice3A_342 = vector.extract_strided_slice %get3A_30 {offsets = [0, 62], sizes = [128, 1], strides = [1, 1]} : vector<128x128xf32> to vector<128x1xf32>
      %slice3A_343 = vector.extract_strided_slice %get3A_33 {offsets = [62, 0], sizes = [1, 1024], strides = [1, 1]} : vector<128x1024xf32> to vector<1x1024xf32>
      %add3A_344 = vector.broadcast %slice3A_342 : vector<128x1xf32> to vector<128x1024xf32>
      %add3A_345 = vector.broadcast %slice3A_343 : vector<1x1024xf32> to vector<128x1024xf32>
      %add3A_346 = arith.addf %add3A_344, %add3A_345 : vector<128x1024xf32>
      %slice3A_347 = vector.extract_strided_slice %get3A_30 {offsets = [0, 63], sizes = [128, 1], strides = [1, 1]} : vector<128x128xf32> to vector<128x1xf32>
      %slice3A_348 = vector.extract_strided_slice %get3A_33 {offsets = [63, 0], sizes = [1, 1024], strides = [1, 1]} : vector<128x1024xf32> to vector<1x1024xf32>
      %add3A_349 = vector.broadcast %slice3A_347 : vector<128x1xf32> to vector<128x1024xf32>
      %add3A_350 = vector.broadcast %slice3A_348 : vector<1x1024xf32> to vector<128x1024xf32>
      %add3A_351 = arith.addf %add3A_349, %add3A_350 : vector<128x1024xf32>
      %slice3A_352 = vector.extract_strided_slice %get3A_30 {offsets = [0, 64], sizes = [128, 1], strides = [1, 1]} : vector<128x128xf32> to vector<128x1xf32>
      %slice3A_353 = vector.extract_strided_slice %get3A_33 {offsets = [64, 0], sizes = [1, 1024], strides = [1, 1]} : vector<128x1024xf32> to vector<1x1024xf32>
      %add3A_354 = vector.broadcast %slice3A_352 : vector<128x1xf32> to vector<128x1024xf32>
      %add3A_355 = vector.broadcast %slice3A_353 : vector<1x1024xf32> to vector<128x1024xf32>
      %add3A_356 = arith.addf %add3A_354, %add3A_355 : vector<128x1024xf32>
      %slice3A_357 = vector.extract_strided_slice %get3A_30 {offsets = [0, 65], sizes = [128, 1], strides = [1, 1]} : vector<128x128xf32> to vector<128x1xf32>
      %slice3A_358 = vector.extract_strided_slice %get3A_33 {offsets = [65, 0], sizes = [1, 1024], strides = [1, 1]} : vector<128x1024xf32> to vector<1x1024xf32>
      %add3A_359 = vector.broadcast %slice3A_357 : vector<128x1xf32> to vector<128x1024xf32>
      %add3A_360 = vector.broadcast %slice3A_358 : vector<1x1024xf32> to vector<128x1024xf32>
      %add3A_361 = arith.addf %add3A_359, %add3A_360 : vector<128x1024xf32>
      %slice3A_362 = vector.extract_strided_slice %get3A_30 {offsets = [0, 66], sizes = [128, 1], strides = [1, 1]} : vector<128x128xf32> to vector<128x1xf32>
      %slice3A_363 = vector.extract_strided_slice %get3A_33 {offsets = [66, 0], sizes = [1, 1024], strides = [1, 1]} : vector<128x1024xf32> to vector<1x1024xf32>
      %add3A_364 = vector.broadcast %slice3A_362 : vector<128x1xf32> to vector<128x1024xf32>
      %add3A_365 = vector.broadcast %slice3A_363 : vector<1x1024xf32> to vector<128x1024xf32>
      %add3A_366 = arith.addf %add3A_364, %add3A_365 : vector<128x1024xf32>
      %slice3A_367 = vector.extract_strided_slice %get3A_30 {offsets = [0, 67], sizes = [128, 1], strides = [1, 1]} : vector<128x128xf32> to vector<128x1xf32>
      %slice3A_368 = vector.extract_strided_slice %get3A_33 {offsets = [67, 0], sizes = [1, 1024], strides = [1, 1]} : vector<128x1024xf32> to vector<1x1024xf32>
      %add3A_369 = vector.broadcast %slice3A_367 : vector<128x1xf32> to vector<128x1024xf32>
      %add3A_370 = vector.broadcast %slice3A_368 : vector<1x1024xf32> to vector<128x1024xf32>
      %add3A_371 = arith.addf %add3A_369, %add3A_370 : vector<128x1024xf32>
      %slice3A_372 = vector.extract_strided_slice %get3A_30 {offsets = [0, 68], sizes = [128, 1], strides = [1, 1]} : vector<128x128xf32> to vector<128x1xf32>
      %slice3A_373 = vector.extract_strided_slice %get3A_33 {offsets = [68, 0], sizes = [1, 1024], strides = [1, 1]} : vector<128x1024xf32> to vector<1x1024xf32>
      %add3A_374 = vector.broadcast %slice3A_372 : vector<128x1xf32> to vector<128x1024xf32>
      %add3A_375 = vector.broadcast %slice3A_373 : vector<1x1024xf32> to vector<128x1024xf32>
      %add3A_376 = arith.addf %add3A_374, %add3A_375 : vector<128x1024xf32>
      %slice3A_377 = vector.extract_strided_slice %get3A_30 {offsets = [0, 69], sizes = [128, 1], strides = [1, 1]} : vector<128x128xf32> to vector<128x1xf32>
      %slice3A_378 = vector.extract_strided_slice %get3A_33 {offsets = [69, 0], sizes = [1, 1024], strides = [1, 1]} : vector<128x1024xf32> to vector<1x1024xf32>
      %add3A_379 = vector.broadcast %slice3A_377 : vector<128x1xf32> to vector<128x1024xf32>
      %add3A_380 = vector.broadcast %slice3A_378 : vector<1x1024xf32> to vector<128x1024xf32>
      %add3A_381 = arith.addf %add3A_379, %add3A_380 : vector<128x1024xf32>
      %slice3A_382 = vector.extract_strided_slice %get3A_30 {offsets = [0, 70], sizes = [128, 1], strides = [1, 1]} : vector<128x128xf32> to vector<128x1xf32>
      %slice3A_383 = vector.extract_strided_slice %get3A_33 {offsets = [70, 0], sizes = [1, 1024], strides = [1, 1]} : vector<128x1024xf32> to vector<1x1024xf32>
      %add3A_384 = vector.broadcast %slice3A_382 : vector<128x1xf32> to vector<128x1024xf32>
      %add3A_385 = vector.broadcast %slice3A_383 : vector<1x1024xf32> to vector<128x1024xf32>
      %add3A_386 = arith.addf %add3A_384, %add3A_385 : vector<128x1024xf32>
      %slice3A_387 = vector.extract_strided_slice %get3A_30 {offsets = [0, 71], sizes = [128, 1], strides = [1, 1]} : vector<128x128xf32> to vector<128x1xf32>
      %slice3A_388 = vector.extract_strided_slice %get3A_33 {offsets = [71, 0], sizes = [1, 1024], strides = [1, 1]} : vector<128x1024xf32> to vector<1x1024xf32>
      %add3A_389 = vector.broadcast %slice3A_387 : vector<128x1xf32> to vector<128x1024xf32>
      %add3A_390 = vector.broadcast %slice3A_388 : vector<1x1024xf32> to vector<128x1024xf32>
      %add3A_391 = arith.addf %add3A_389, %add3A_390 : vector<128x1024xf32>
      %slice3A_392 = vector.extract_strided_slice %get3A_30 {offsets = [0, 72], sizes = [128, 1], strides = [1, 1]} : vector<128x128xf32> to vector<128x1xf32>
      %slice3A_393 = vector.extract_strided_slice %get3A_33 {offsets = [72, 0], sizes = [1, 1024], strides = [1, 1]} : vector<128x1024xf32> to vector<1x1024xf32>
      %add3A_394 = vector.broadcast %slice3A_392 : vector<128x1xf32> to vector<128x1024xf32>
      %add3A_395 = vector.broadcast %slice3A_393 : vector<1x1024xf32> to vector<128x1024xf32>
      %add3A_396 = arith.addf %add3A_394, %add3A_395 : vector<128x1024xf32>
      %slice3A_397 = vector.extract_strided_slice %get3A_30 {offsets = [0, 73], sizes = [128, 1], strides = [1, 1]} : vector<128x128xf32> to vector<128x1xf32>
      %slice3A_398 = vector.extract_strided_slice %get3A_33 {offsets = [73, 0], sizes = [1, 1024], strides = [1, 1]} : vector<128x1024xf32> to vector<1x1024xf32>
      %add3A_399 = vector.broadcast %slice3A_397 : vector<128x1xf32> to vector<128x1024xf32>
      %add3A_400 = vector.broadcast %slice3A_398 : vector<1x1024xf32> to vector<128x1024xf32>
      %add3A_401 = arith.addf %add3A_399, %add3A_400 : vector<128x1024xf32>
      %slice3A_402 = vector.extract_strided_slice %get3A_30 {offsets = [0, 74], sizes = [128, 1], strides = [1, 1]} : vector<128x128xf32> to vector<128x1xf32>
      %slice3A_403 = vector.extract_strided_slice %get3A_33 {offsets = [74, 0], sizes = [1, 1024], strides = [1, 1]} : vector<128x1024xf32> to vector<1x1024xf32>
      %add3A_404 = vector.broadcast %slice3A_402 : vector<128x1xf32> to vector<128x1024xf32>
      %add3A_405 = vector.broadcast %slice3A_403 : vector<1x1024xf32> to vector<128x1024xf32>
      %add3A_406 = arith.addf %add3A_404, %add3A_405 : vector<128x1024xf32>
      %slice3A_407 = vector.extract_strided_slice %get3A_30 {offsets = [0, 75], sizes = [128, 1], strides = [1, 1]} : vector<128x128xf32> to vector<128x1xf32>
      %slice3A_408 = vector.extract_strided_slice %get3A_33 {offsets = [75, 0], sizes = [1, 1024], strides = [1, 1]} : vector<128x1024xf32> to vector<1x1024xf32>
      %add3A_409 = vector.broadcast %slice3A_407 : vector<128x1xf32> to vector<128x1024xf32>
      %add3A_410 = vector.broadcast %slice3A_408 : vector<1x1024xf32> to vector<128x1024xf32>
      %add3A_411 = arith.addf %add3A_409, %add3A_410 : vector<128x1024xf32>
      %slice3A_412 = vector.extract_strided_slice %get3A_30 {offsets = [0, 76], sizes = [128, 1], strides = [1, 1]} : vector<128x128xf32> to vector<128x1xf32>
      %slice3A_413 = vector.extract_strided_slice %get3A_33 {offsets = [76, 0], sizes = [1, 1024], strides = [1, 1]} : vector<128x1024xf32> to vector<1x1024xf32>
      %add3A_414 = vector.broadcast %slice3A_412 : vector<128x1xf32> to vector<128x1024xf32>
      %add3A_415 = vector.broadcast %slice3A_413 : vector<1x1024xf32> to vector<128x1024xf32>
      %add3A_416 = arith.addf %add3A_414, %add3A_415 : vector<128x1024xf32>
      %slice3A_417 = vector.extract_strided_slice %get3A_30 {offsets = [0, 77], sizes = [128, 1], strides = [1, 1]} : vector<128x128xf32> to vector<128x1xf32>
      %slice3A_418 = vector.extract_strided_slice %get3A_33 {offsets = [77, 0], sizes = [1, 1024], strides = [1, 1]} : vector<128x1024xf32> to vector<1x1024xf32>
      %add3A_419 = vector.broadcast %slice3A_417 : vector<128x1xf32> to vector<128x1024xf32>
      %add3A_420 = vector.broadcast %slice3A_418 : vector<1x1024xf32> to vector<128x1024xf32>
      %add3A_421 = arith.addf %add3A_419, %add3A_420 : vector<128x1024xf32>
      %slice3A_422 = vector.extract_strided_slice %get3A_30 {offsets = [0, 78], sizes = [128, 1], strides = [1, 1]} : vector<128x128xf32> to vector<128x1xf32>
      %slice3A_423 = vector.extract_strided_slice %get3A_33 {offsets = [78, 0], sizes = [1, 1024], strides = [1, 1]} : vector<128x1024xf32> to vector<1x1024xf32>
      %add3A_424 = vector.broadcast %slice3A_422 : vector<128x1xf32> to vector<128x1024xf32>
      %add3A_425 = vector.broadcast %slice3A_423 : vector<1x1024xf32> to vector<128x1024xf32>
      %add3A_426 = arith.addf %add3A_424, %add3A_425 : vector<128x1024xf32>
      %slice3A_427 = vector.extract_strided_slice %get3A_30 {offsets = [0, 79], sizes = [128, 1], strides = [1, 1]} : vector<128x128xf32> to vector<128x1xf32>
      %slice3A_428 = vector.extract_strided_slice %get3A_33 {offsets = [79, 0], sizes = [1, 1024], strides = [1, 1]} : vector<128x1024xf32> to vector<1x1024xf32>
      %add3A_429 = vector.broadcast %slice3A_427 : vector<128x1xf32> to vector<128x1024xf32>
      %add3A_430 = vector.broadcast %slice3A_428 : vector<1x1024xf32> to vector<128x1024xf32>
      %add3A_431 = arith.addf %add3A_429, %add3A_430 : vector<128x1024xf32>
      %slice3A_432 = vector.extract_strided_slice %get3A_30 {offsets = [0, 80], sizes = [128, 1], strides = [1, 1]} : vector<128x128xf32> to vector<128x1xf32>
      %slice3A_433 = vector.extract_strided_slice %get3A_33 {offsets = [80, 0], sizes = [1, 1024], strides = [1, 1]} : vector<128x1024xf32> to vector<1x1024xf32>
      %add3A_434 = vector.broadcast %slice3A_432 : vector<128x1xf32> to vector<128x1024xf32>
      %add3A_435 = vector.broadcast %slice3A_433 : vector<1x1024xf32> to vector<128x1024xf32>
      %add3A_436 = arith.addf %add3A_434, %add3A_435 : vector<128x1024xf32>
      %slice3A_437 = vector.extract_strided_slice %get3A_30 {offsets = [0, 81], sizes = [128, 1], strides = [1, 1]} : vector<128x128xf32> to vector<128x1xf32>
      %slice3A_438 = vector.extract_strided_slice %get3A_33 {offsets = [81, 0], sizes = [1, 1024], strides = [1, 1]} : vector<128x1024xf32> to vector<1x1024xf32>
      %add3A_439 = vector.broadcast %slice3A_437 : vector<128x1xf32> to vector<128x1024xf32>
      %add3A_440 = vector.broadcast %slice3A_438 : vector<1x1024xf32> to vector<128x1024xf32>
      %add3A_441 = arith.addf %add3A_439, %add3A_440 : vector<128x1024xf32>
      %slice3A_442 = vector.extract_strided_slice %get3A_30 {offsets = [0, 82], sizes = [128, 1], strides = [1, 1]} : vector<128x128xf32> to vector<128x1xf32>
      %slice3A_443 = vector.extract_strided_slice %get3A_33 {offsets = [82, 0], sizes = [1, 1024], strides = [1, 1]} : vector<128x1024xf32> to vector<1x1024xf32>
      %add3A_444 = vector.broadcast %slice3A_442 : vector<128x1xf32> to vector<128x1024xf32>
      %add3A_445 = vector.broadcast %slice3A_443 : vector<1x1024xf32> to vector<128x1024xf32>
      %add3A_446 = arith.addf %add3A_444, %add3A_445 : vector<128x1024xf32>
      %slice3A_447 = vector.extract_strided_slice %get3A_30 {offsets = [0, 83], sizes = [128, 1], strides = [1, 1]} : vector<128x128xf32> to vector<128x1xf32>
      %slice3A_448 = vector.extract_strided_slice %get3A_33 {offsets = [83, 0], sizes = [1, 1024], strides = [1, 1]} : vector<128x1024xf32> to vector<1x1024xf32>
      %add3A_449 = vector.broadcast %slice3A_447 : vector<128x1xf32> to vector<128x1024xf32>
      %add3A_450 = vector.broadcast %slice3A_448 : vector<1x1024xf32> to vector<128x1024xf32>
      %add3A_451 = arith.addf %add3A_449, %add3A_450 : vector<128x1024xf32>
      %slice3A_452 = vector.extract_strided_slice %get3A_30 {offsets = [0, 84], sizes = [128, 1], strides = [1, 1]} : vector<128x128xf32> to vector<128x1xf32>
      %slice3A_453 = vector.extract_strided_slice %get3A_33 {offsets = [84, 0], sizes = [1, 1024], strides = [1, 1]} : vector<128x1024xf32> to vector<1x1024xf32>
      %add3A_454 = vector.broadcast %slice3A_452 : vector<128x1xf32> to vector<128x1024xf32>
      %add3A_455 = vector.broadcast %slice3A_453 : vector<1x1024xf32> to vector<128x1024xf32>
      %add3A_456 = arith.addf %add3A_454, %add3A_455 : vector<128x1024xf32>
      %slice3A_457 = vector.extract_strided_slice %get3A_30 {offsets = [0, 85], sizes = [128, 1], strides = [1, 1]} : vector<128x128xf32> to vector<128x1xf32>
      %slice3A_458 = vector.extract_strided_slice %get3A_33 {offsets = [85, 0], sizes = [1, 1024], strides = [1, 1]} : vector<128x1024xf32> to vector<1x1024xf32>
      %add3A_459 = vector.broadcast %slice3A_457 : vector<128x1xf32> to vector<128x1024xf32>
      %add3A_460 = vector.broadcast %slice3A_458 : vector<1x1024xf32> to vector<128x1024xf32>
      %add3A_461 = arith.addf %add3A_459, %add3A_460 : vector<128x1024xf32>
      %slice3A_462 = vector.extract_strided_slice %get3A_30 {offsets = [0, 86], sizes = [128, 1], strides = [1, 1]} : vector<128x128xf32> to vector<128x1xf32>
      %slice3A_463 = vector.extract_strided_slice %get3A_33 {offsets = [86, 0], sizes = [1, 1024], strides = [1, 1]} : vector<128x1024xf32> to vector<1x1024xf32>
      %add3A_464 = vector.broadcast %slice3A_462 : vector<128x1xf32> to vector<128x1024xf32>
      %add3A_465 = vector.broadcast %slice3A_463 : vector<1x1024xf32> to vector<128x1024xf32>
      %add3A_466 = arith.addf %add3A_464, %add3A_465 : vector<128x1024xf32>
      %slice3A_467 = vector.extract_strided_slice %get3A_30 {offsets = [0, 87], sizes = [128, 1], strides = [1, 1]} : vector<128x128xf32> to vector<128x1xf32>
      %slice3A_468 = vector.extract_strided_slice %get3A_33 {offsets = [87, 0], sizes = [1, 1024], strides = [1, 1]} : vector<128x1024xf32> to vector<1x1024xf32>
      %add3A_469 = vector.broadcast %slice3A_467 : vector<128x1xf32> to vector<128x1024xf32>
      %add3A_470 = vector.broadcast %slice3A_468 : vector<1x1024xf32> to vector<128x1024xf32>
      %add3A_471 = arith.addf %add3A_469, %add3A_470 : vector<128x1024xf32>
      %slice3A_472 = vector.extract_strided_slice %get3A_30 {offsets = [0, 88], sizes = [128, 1], strides = [1, 1]} : vector<128x128xf32> to vector<128x1xf32>
      %slice3A_473 = vector.extract_strided_slice %get3A_33 {offsets = [88, 0], sizes = [1, 1024], strides = [1, 1]} : vector<128x1024xf32> to vector<1x1024xf32>
      %add3A_474 = vector.broadcast %slice3A_472 : vector<128x1xf32> to vector<128x1024xf32>
      %add3A_475 = vector.broadcast %slice3A_473 : vector<1x1024xf32> to vector<128x1024xf32>
      %add3A_476 = arith.addf %add3A_474, %add3A_475 : vector<128x1024xf32>
      %slice3A_477 = vector.extract_strided_slice %get3A_30 {offsets = [0, 89], sizes = [128, 1], strides = [1, 1]} : vector<128x128xf32> to vector<128x1xf32>
      %slice3A_478 = vector.extract_strided_slice %get3A_33 {offsets = [89, 0], sizes = [1, 1024], strides = [1, 1]} : vector<128x1024xf32> to vector<1x1024xf32>
      %add3A_479 = vector.broadcast %slice3A_477 : vector<128x1xf32> to vector<128x1024xf32>
      %add3A_480 = vector.broadcast %slice3A_478 : vector<1x1024xf32> to vector<128x1024xf32>
      %add3A_481 = arith.addf %add3A_479, %add3A_480 : vector<128x1024xf32>
      %slice3A_482 = vector.extract_strided_slice %get3A_30 {offsets = [0, 90], sizes = [128, 1], strides = [1, 1]} : vector<128x128xf32> to vector<128x1xf32>
      %slice3A_483 = vector.extract_strided_slice %get3A_33 {offsets = [90, 0], sizes = [1, 1024], strides = [1, 1]} : vector<128x1024xf32> to vector<1x1024xf32>
      %add3A_484 = vector.broadcast %slice3A_482 : vector<128x1xf32> to vector<128x1024xf32>
      %add3A_485 = vector.broadcast %slice3A_483 : vector<1x1024xf32> to vector<128x1024xf32>
      %add3A_486 = arith.addf %add3A_484, %add3A_485 : vector<128x1024xf32>
      %slice3A_487 = vector.extract_strided_slice %get3A_30 {offsets = [0, 91], sizes = [128, 1], strides = [1, 1]} : vector<128x128xf32> to vector<128x1xf32>
      %slice3A_488 = vector.extract_strided_slice %get3A_33 {offsets = [91, 0], sizes = [1, 1024], strides = [1, 1]} : vector<128x1024xf32> to vector<1x1024xf32>
      %add3A_489 = vector.broadcast %slice3A_487 : vector<128x1xf32> to vector<128x1024xf32>
      %add3A_490 = vector.broadcast %slice3A_488 : vector<1x1024xf32> to vector<128x1024xf32>
      %add3A_491 = arith.addf %add3A_489, %add3A_490 : vector<128x1024xf32>
      %slice3A_492 = vector.extract_strided_slice %get3A_30 {offsets = [0, 92], sizes = [128, 1], strides = [1, 1]} : vector<128x128xf32> to vector<128x1xf32>
      %slice3A_493 = vector.extract_strided_slice %get3A_33 {offsets = [92, 0], sizes = [1, 1024], strides = [1, 1]} : vector<128x1024xf32> to vector<1x1024xf32>
      %add3A_494 = vector.broadcast %slice3A_492 : vector<128x1xf32> to vector<128x1024xf32>
      %add3A_495 = vector.broadcast %slice3A_493 : vector<1x1024xf32> to vector<128x1024xf32>
      %add3A_496 = arith.addf %add3A_494, %add3A_495 : vector<128x1024xf32>
      %slice3A_497 = vector.extract_strided_slice %get3A_30 {offsets = [0, 93], sizes = [128, 1], strides = [1, 1]} : vector<128x128xf32> to vector<128x1xf32>
      %slice3A_498 = vector.extract_strided_slice %get3A_33 {offsets = [93, 0], sizes = [1, 1024], strides = [1, 1]} : vector<128x1024xf32> to vector<1x1024xf32>
      %add3A_499 = vector.broadcast %slice3A_497 : vector<128x1xf32> to vector<128x1024xf32>
      %add3A_500 = vector.broadcast %slice3A_498 : vector<1x1024xf32> to vector<128x1024xf32>
      %add3A_501 = arith.addf %add3A_499, %add3A_500 : vector<128x1024xf32>
      %slice3A_502 = vector.extract_strided_slice %get3A_30 {offsets = [0, 94], sizes = [128, 1], strides = [1, 1]} : vector<128x128xf32> to vector<128x1xf32>
      %slice3A_503 = vector.extract_strided_slice %get3A_33 {offsets = [94, 0], sizes = [1, 1024], strides = [1, 1]} : vector<128x1024xf32> to vector<1x1024xf32>
      %add3A_504 = vector.broadcast %slice3A_502 : vector<128x1xf32> to vector<128x1024xf32>
      %add3A_505 = vector.broadcast %slice3A_503 : vector<1x1024xf32> to vector<128x1024xf32>
      %add3A_506 = arith.addf %add3A_504, %add3A_505 : vector<128x1024xf32>
      %slice3A_507 = vector.extract_strided_slice %get3A_30 {offsets = [0, 95], sizes = [128, 1], strides = [1, 1]} : vector<128x128xf32> to vector<128x1xf32>
      %slice3A_508 = vector.extract_strided_slice %get3A_33 {offsets = [95, 0], sizes = [1, 1024], strides = [1, 1]} : vector<128x1024xf32> to vector<1x1024xf32>
      %add3A_509 = vector.broadcast %slice3A_507 : vector<128x1xf32> to vector<128x1024xf32>
      %add3A_510 = vector.broadcast %slice3A_508 : vector<1x1024xf32> to vector<128x1024xf32>
      %add3A_511 = arith.addf %add3A_509, %add3A_510 : vector<128x1024xf32>
      %slice3A_512 = vector.extract_strided_slice %get3A_30 {offsets = [0, 96], sizes = [128, 1], strides = [1, 1]} : vector<128x128xf32> to vector<128x1xf32>
      %slice3A_513 = vector.extract_strided_slice %get3A_33 {offsets = [96, 0], sizes = [1, 1024], strides = [1, 1]} : vector<128x1024xf32> to vector<1x1024xf32>
      %add3A_514 = vector.broadcast %slice3A_512 : vector<128x1xf32> to vector<128x1024xf32>
      %add3A_515 = vector.broadcast %slice3A_513 : vector<1x1024xf32> to vector<128x1024xf32>
      %add3A_516 = arith.addf %add3A_514, %add3A_515 : vector<128x1024xf32>
      %slice3A_517 = vector.extract_strided_slice %get3A_30 {offsets = [0, 97], sizes = [128, 1], strides = [1, 1]} : vector<128x128xf32> to vector<128x1xf32>
      %slice3A_518 = vector.extract_strided_slice %get3A_33 {offsets = [97, 0], sizes = [1, 1024], strides = [1, 1]} : vector<128x1024xf32> to vector<1x1024xf32>
      %add3A_519 = vector.broadcast %slice3A_517 : vector<128x1xf32> to vector<128x1024xf32>
      %add3A_520 = vector.broadcast %slice3A_518 : vector<1x1024xf32> to vector<128x1024xf32>
      %add3A_521 = arith.addf %add3A_519, %add3A_520 : vector<128x1024xf32>
      %slice3A_522 = vector.extract_strided_slice %get3A_30 {offsets = [0, 98], sizes = [128, 1], strides = [1, 1]} : vector<128x128xf32> to vector<128x1xf32>
      %slice3A_523 = vector.extract_strided_slice %get3A_33 {offsets = [98, 0], sizes = [1, 1024], strides = [1, 1]} : vector<128x1024xf32> to vector<1x1024xf32>
      %add3A_524 = vector.broadcast %slice3A_522 : vector<128x1xf32> to vector<128x1024xf32>
      %add3A_525 = vector.broadcast %slice3A_523 : vector<1x1024xf32> to vector<128x1024xf32>
      %add3A_526 = arith.addf %add3A_524, %add3A_525 : vector<128x1024xf32>
      %slice3A_527 = vector.extract_strided_slice %get3A_30 {offsets = [0, 99], sizes = [128, 1], strides = [1, 1]} : vector<128x128xf32> to vector<128x1xf32>
      %slice3A_528 = vector.extract_strided_slice %get3A_33 {offsets = [99, 0], sizes = [1, 1024], strides = [1, 1]} : vector<128x1024xf32> to vector<1x1024xf32>
      %add3A_529 = vector.broadcast %slice3A_527 : vector<128x1xf32> to vector<128x1024xf32>
      %add3A_530 = vector.broadcast %slice3A_528 : vector<1x1024xf32> to vector<128x1024xf32>
      %add3A_531 = arith.addf %add3A_529, %add3A_530 : vector<128x1024xf32>
      %slice3A_532 = vector.extract_strided_slice %get3A_30 {offsets = [0, 100], sizes = [128, 1], strides = [1, 1]} : vector<128x128xf32> to vector<128x1xf32>
      %slice3A_533 = vector.extract_strided_slice %get3A_33 {offsets = [100, 0], sizes = [1, 1024], strides = [1, 1]} : vector<128x1024xf32> to vector<1x1024xf32>
      %add3A_534 = vector.broadcast %slice3A_532 : vector<128x1xf32> to vector<128x1024xf32>
      %add3A_535 = vector.broadcast %slice3A_533 : vector<1x1024xf32> to vector<128x1024xf32>
      %add3A_536 = arith.addf %add3A_534, %add3A_535 : vector<128x1024xf32>
      %slice3A_537 = vector.extract_strided_slice %get3A_30 {offsets = [0, 101], sizes = [128, 1], strides = [1, 1]} : vector<128x128xf32> to vector<128x1xf32>
      %slice3A_538 = vector.extract_strided_slice %get3A_33 {offsets = [101, 0], sizes = [1, 1024], strides = [1, 1]} : vector<128x1024xf32> to vector<1x1024xf32>
      %add3A_539 = vector.broadcast %slice3A_537 : vector<128x1xf32> to vector<128x1024xf32>
      %add3A_540 = vector.broadcast %slice3A_538 : vector<1x1024xf32> to vector<128x1024xf32>
      %add3A_541 = arith.addf %add3A_539, %add3A_540 : vector<128x1024xf32>
      %slice3A_542 = vector.extract_strided_slice %get3A_30 {offsets = [0, 102], sizes = [128, 1], strides = [1, 1]} : vector<128x128xf32> to vector<128x1xf32>
      %slice3A_543 = vector.extract_strided_slice %get3A_33 {offsets = [102, 0], sizes = [1, 1024], strides = [1, 1]} : vector<128x1024xf32> to vector<1x1024xf32>
      %add3A_544 = vector.broadcast %slice3A_542 : vector<128x1xf32> to vector<128x1024xf32>
      %add3A_545 = vector.broadcast %slice3A_543 : vector<1x1024xf32> to vector<128x1024xf32>
      %add3A_546 = arith.addf %add3A_544, %add3A_545 : vector<128x1024xf32>
      %slice3A_547 = vector.extract_strided_slice %get3A_30 {offsets = [0, 103], sizes = [128, 1], strides = [1, 1]} : vector<128x128xf32> to vector<128x1xf32>
      %slice3A_548 = vector.extract_strided_slice %get3A_33 {offsets = [103, 0], sizes = [1, 1024], strides = [1, 1]} : vector<128x1024xf32> to vector<1x1024xf32>
      %add3A_549 = vector.broadcast %slice3A_547 : vector<128x1xf32> to vector<128x1024xf32>
      %add3A_550 = vector.broadcast %slice3A_548 : vector<1x1024xf32> to vector<128x1024xf32>
      %add3A_551 = arith.addf %add3A_549, %add3A_550 : vector<128x1024xf32>
      %slice3A_552 = vector.extract_strided_slice %get3A_30 {offsets = [0, 104], sizes = [128, 1], strides = [1, 1]} : vector<128x128xf32> to vector<128x1xf32>
      %slice3A_553 = vector.extract_strided_slice %get3A_33 {offsets = [104, 0], sizes = [1, 1024], strides = [1, 1]} : vector<128x1024xf32> to vector<1x1024xf32>
      %add3A_554 = vector.broadcast %slice3A_552 : vector<128x1xf32> to vector<128x1024xf32>
      %add3A_555 = vector.broadcast %slice3A_553 : vector<1x1024xf32> to vector<128x1024xf32>
      %add3A_556 = arith.addf %add3A_554, %add3A_555 : vector<128x1024xf32>
      %slice3A_557 = vector.extract_strided_slice %get3A_30 {offsets = [0, 105], sizes = [128, 1], strides = [1, 1]} : vector<128x128xf32> to vector<128x1xf32>
      %slice3A_558 = vector.extract_strided_slice %get3A_33 {offsets = [105, 0], sizes = [1, 1024], strides = [1, 1]} : vector<128x1024xf32> to vector<1x1024xf32>
      %add3A_559 = vector.broadcast %slice3A_557 : vector<128x1xf32> to vector<128x1024xf32>
      %add3A_560 = vector.broadcast %slice3A_558 : vector<1x1024xf32> to vector<128x1024xf32>
      %add3A_561 = arith.addf %add3A_559, %add3A_560 : vector<128x1024xf32>
      %slice3A_562 = vector.extract_strided_slice %get3A_30 {offsets = [0, 106], sizes = [128, 1], strides = [1, 1]} : vector<128x128xf32> to vector<128x1xf32>
      %slice3A_563 = vector.extract_strided_slice %get3A_33 {offsets = [106, 0], sizes = [1, 1024], strides = [1, 1]} : vector<128x1024xf32> to vector<1x1024xf32>
      %add3A_564 = vector.broadcast %slice3A_562 : vector<128x1xf32> to vector<128x1024xf32>
      %add3A_565 = vector.broadcast %slice3A_563 : vector<1x1024xf32> to vector<128x1024xf32>
      %add3A_566 = arith.addf %add3A_564, %add3A_565 : vector<128x1024xf32>
      %slice3A_567 = vector.extract_strided_slice %get3A_30 {offsets = [0, 107], sizes = [128, 1], strides = [1, 1]} : vector<128x128xf32> to vector<128x1xf32>
      %slice3A_568 = vector.extract_strided_slice %get3A_33 {offsets = [107, 0], sizes = [1, 1024], strides = [1, 1]} : vector<128x1024xf32> to vector<1x1024xf32>
      %add3A_569 = vector.broadcast %slice3A_567 : vector<128x1xf32> to vector<128x1024xf32>
      %add3A_570 = vector.broadcast %slice3A_568 : vector<1x1024xf32> to vector<128x1024xf32>
      %add3A_571 = arith.addf %add3A_569, %add3A_570 : vector<128x1024xf32>
      %slice3A_572 = vector.extract_strided_slice %get3A_30 {offsets = [0, 108], sizes = [128, 1], strides = [1, 1]} : vector<128x128xf32> to vector<128x1xf32>
      %slice3A_573 = vector.extract_strided_slice %get3A_33 {offsets = [108, 0], sizes = [1, 1024], strides = [1, 1]} : vector<128x1024xf32> to vector<1x1024xf32>
      %add3A_574 = vector.broadcast %slice3A_572 : vector<128x1xf32> to vector<128x1024xf32>
      %add3A_575 = vector.broadcast %slice3A_573 : vector<1x1024xf32> to vector<128x1024xf32>
      %add3A_576 = arith.addf %add3A_574, %add3A_575 : vector<128x1024xf32>
      %slice3A_577 = vector.extract_strided_slice %get3A_30 {offsets = [0, 109], sizes = [128, 1], strides = [1, 1]} : vector<128x128xf32> to vector<128x1xf32>
      %slice3A_578 = vector.extract_strided_slice %get3A_33 {offsets = [109, 0], sizes = [1, 1024], strides = [1, 1]} : vector<128x1024xf32> to vector<1x1024xf32>
      %add3A_579 = vector.broadcast %slice3A_577 : vector<128x1xf32> to vector<128x1024xf32>
      %add3A_580 = vector.broadcast %slice3A_578 : vector<1x1024xf32> to vector<128x1024xf32>
      %add3A_581 = arith.addf %add3A_579, %add3A_580 : vector<128x1024xf32>
      %slice3A_582 = vector.extract_strided_slice %get3A_30 {offsets = [0, 110], sizes = [128, 1], strides = [1, 1]} : vector<128x128xf32> to vector<128x1xf32>
      %slice3A_583 = vector.extract_strided_slice %get3A_33 {offsets = [110, 0], sizes = [1, 1024], strides = [1, 1]} : vector<128x1024xf32> to vector<1x1024xf32>
      %add3A_584 = vector.broadcast %slice3A_582 : vector<128x1xf32> to vector<128x1024xf32>
      %add3A_585 = vector.broadcast %slice3A_583 : vector<1x1024xf32> to vector<128x1024xf32>
      %add3A_586 = arith.addf %add3A_584, %add3A_585 : vector<128x1024xf32>
      %slice3A_587 = vector.extract_strided_slice %get3A_30 {offsets = [0, 111], sizes = [128, 1], strides = [1, 1]} : vector<128x128xf32> to vector<128x1xf32>
      %slice3A_588 = vector.extract_strided_slice %get3A_33 {offsets = [111, 0], sizes = [1, 1024], strides = [1, 1]} : vector<128x1024xf32> to vector<1x1024xf32>
      %add3A_589 = vector.broadcast %slice3A_587 : vector<128x1xf32> to vector<128x1024xf32>
      %add3A_590 = vector.broadcast %slice3A_588 : vector<1x1024xf32> to vector<128x1024xf32>
      %add3A_591 = arith.addf %add3A_589, %add3A_590 : vector<128x1024xf32>
      %slice3A_592 = vector.extract_strided_slice %get3A_30 {offsets = [0, 112], sizes = [128, 1], strides = [1, 1]} : vector<128x128xf32> to vector<128x1xf32>
      %slice3A_593 = vector.extract_strided_slice %get3A_33 {offsets = [112, 0], sizes = [1, 1024], strides = [1, 1]} : vector<128x1024xf32> to vector<1x1024xf32>
      %add3A_594 = vector.broadcast %slice3A_592 : vector<128x1xf32> to vector<128x1024xf32>
      %add3A_595 = vector.broadcast %slice3A_593 : vector<1x1024xf32> to vector<128x1024xf32>
      %add3A_596 = arith.addf %add3A_594, %add3A_595 : vector<128x1024xf32>
      %slice3A_597 = vector.extract_strided_slice %get3A_30 {offsets = [0, 113], sizes = [128, 1], strides = [1, 1]} : vector<128x128xf32> to vector<128x1xf32>
      %slice3A_598 = vector.extract_strided_slice %get3A_33 {offsets = [113, 0], sizes = [1, 1024], strides = [1, 1]} : vector<128x1024xf32> to vector<1x1024xf32>
      %add3A_599 = vector.broadcast %slice3A_597 : vector<128x1xf32> to vector<128x1024xf32>
      %add3A_600 = vector.broadcast %slice3A_598 : vector<1x1024xf32> to vector<128x1024xf32>
      %add3A_601 = arith.addf %add3A_599, %add3A_600 : vector<128x1024xf32>
      %slice3A_602 = vector.extract_strided_slice %get3A_30 {offsets = [0, 114], sizes = [128, 1], strides = [1, 1]} : vector<128x128xf32> to vector<128x1xf32>
      %slice3A_603 = vector.extract_strided_slice %get3A_33 {offsets = [114, 0], sizes = [1, 1024], strides = [1, 1]} : vector<128x1024xf32> to vector<1x1024xf32>
      %add3A_604 = vector.broadcast %slice3A_602 : vector<128x1xf32> to vector<128x1024xf32>
      %add3A_605 = vector.broadcast %slice3A_603 : vector<1x1024xf32> to vector<128x1024xf32>
      %add3A_606 = arith.addf %add3A_604, %add3A_605 : vector<128x1024xf32>
      %slice3A_607 = vector.extract_strided_slice %get3A_30 {offsets = [0, 115], sizes = [128, 1], strides = [1, 1]} : vector<128x128xf32> to vector<128x1xf32>
      %slice3A_608 = vector.extract_strided_slice %get3A_33 {offsets = [115, 0], sizes = [1, 1024], strides = [1, 1]} : vector<128x1024xf32> to vector<1x1024xf32>
      %add3A_609 = vector.broadcast %slice3A_607 : vector<128x1xf32> to vector<128x1024xf32>
      %add3A_610 = vector.broadcast %slice3A_608 : vector<1x1024xf32> to vector<128x1024xf32>
      %add3A_611 = arith.addf %add3A_609, %add3A_610 : vector<128x1024xf32>
      %slice3A_612 = vector.extract_strided_slice %get3A_30 {offsets = [0, 116], sizes = [128, 1], strides = [1, 1]} : vector<128x128xf32> to vector<128x1xf32>
      %slice3A_613 = vector.extract_strided_slice %get3A_33 {offsets = [116, 0], sizes = [1, 1024], strides = [1, 1]} : vector<128x1024xf32> to vector<1x1024xf32>
      %add3A_614 = vector.broadcast %slice3A_612 : vector<128x1xf32> to vector<128x1024xf32>
      %add3A_615 = vector.broadcast %slice3A_613 : vector<1x1024xf32> to vector<128x1024xf32>
      %add3A_616 = arith.addf %add3A_614, %add3A_615 : vector<128x1024xf32>
      %slice3A_617 = vector.extract_strided_slice %get3A_30 {offsets = [0, 117], sizes = [128, 1], strides = [1, 1]} : vector<128x128xf32> to vector<128x1xf32>
      %slice3A_618 = vector.extract_strided_slice %get3A_33 {offsets = [117, 0], sizes = [1, 1024], strides = [1, 1]} : vector<128x1024xf32> to vector<1x1024xf32>
      %add3A_619 = vector.broadcast %slice3A_617 : vector<128x1xf32> to vector<128x1024xf32>
      %add3A_620 = vector.broadcast %slice3A_618 : vector<1x1024xf32> to vector<128x1024xf32>
      %add3A_621 = arith.addf %add3A_619, %add3A_620 : vector<128x1024xf32>
      %slice3A_622 = vector.extract_strided_slice %get3A_30 {offsets = [0, 118], sizes = [128, 1], strides = [1, 1]} : vector<128x128xf32> to vector<128x1xf32>
      %slice3A_623 = vector.extract_strided_slice %get3A_33 {offsets = [118, 0], sizes = [1, 1024], strides = [1, 1]} : vector<128x1024xf32> to vector<1x1024xf32>
      %add3A_624 = vector.broadcast %slice3A_622 : vector<128x1xf32> to vector<128x1024xf32>
      %add3A_625 = vector.broadcast %slice3A_623 : vector<1x1024xf32> to vector<128x1024xf32>
      %add3A_626 = arith.addf %add3A_624, %add3A_625 : vector<128x1024xf32>
      %slice3A_627 = vector.extract_strided_slice %get3A_30 {offsets = [0, 119], sizes = [128, 1], strides = [1, 1]} : vector<128x128xf32> to vector<128x1xf32>
      %slice3A_628 = vector.extract_strided_slice %get3A_33 {offsets = [119, 0], sizes = [1, 1024], strides = [1, 1]} : vector<128x1024xf32> to vector<1x1024xf32>
      %add3A_629 = vector.broadcast %slice3A_627 : vector<128x1xf32> to vector<128x1024xf32>
      %add3A_630 = vector.broadcast %slice3A_628 : vector<1x1024xf32> to vector<128x1024xf32>
      %add3A_631 = arith.addf %add3A_629, %add3A_630 : vector<128x1024xf32>
      %slice3A_632 = vector.extract_strided_slice %get3A_30 {offsets = [0, 120], sizes = [128, 1], strides = [1, 1]} : vector<128x128xf32> to vector<128x1xf32>
      %slice3A_633 = vector.extract_strided_slice %get3A_33 {offsets = [120, 0], sizes = [1, 1024], strides = [1, 1]} : vector<128x1024xf32> to vector<1x1024xf32>
      %add3A_634 = vector.broadcast %slice3A_632 : vector<128x1xf32> to vector<128x1024xf32>
      %add3A_635 = vector.broadcast %slice3A_633 : vector<1x1024xf32> to vector<128x1024xf32>
      %add3A_636 = arith.addf %add3A_634, %add3A_635 : vector<128x1024xf32>
      %slice3A_637 = vector.extract_strided_slice %get3A_30 {offsets = [0, 121], sizes = [128, 1], strides = [1, 1]} : vector<128x128xf32> to vector<128x1xf32>
      %slice3A_638 = vector.extract_strided_slice %get3A_33 {offsets = [121, 0], sizes = [1, 1024], strides = [1, 1]} : vector<128x1024xf32> to vector<1x1024xf32>
      %add3A_639 = vector.broadcast %slice3A_637 : vector<128x1xf32> to vector<128x1024xf32>
      %add3A_640 = vector.broadcast %slice3A_638 : vector<1x1024xf32> to vector<128x1024xf32>
      %add3A_641 = arith.addf %add3A_639, %add3A_640 : vector<128x1024xf32>
      %slice3A_642 = vector.extract_strided_slice %get3A_30 {offsets = [0, 122], sizes = [128, 1], strides = [1, 1]} : vector<128x128xf32> to vector<128x1xf32>
      %slice3A_643 = vector.extract_strided_slice %get3A_33 {offsets = [122, 0], sizes = [1, 1024], strides = [1, 1]} : vector<128x1024xf32> to vector<1x1024xf32>
      %add3A_644 = vector.broadcast %slice3A_642 : vector<128x1xf32> to vector<128x1024xf32>
      %add3A_645 = vector.broadcast %slice3A_643 : vector<1x1024xf32> to vector<128x1024xf32>
      %add3A_646 = arith.addf %add3A_644, %add3A_645 : vector<128x1024xf32>
      %slice3A_647 = vector.extract_strided_slice %get3A_30 {offsets = [0, 123], sizes = [128, 1], strides = [1, 1]} : vector<128x128xf32> to vector<128x1xf32>
      %slice3A_648 = vector.extract_strided_slice %get3A_33 {offsets = [123, 0], sizes = [1, 1024], strides = [1, 1]} : vector<128x1024xf32> to vector<1x1024xf32>
      %add3A_649 = vector.broadcast %slice3A_647 : vector<128x1xf32> to vector<128x1024xf32>
      %add3A_650 = vector.broadcast %slice3A_648 : vector<1x1024xf32> to vector<128x1024xf32>
      %add3A_651 = arith.addf %add3A_649, %add3A_650 : vector<128x1024xf32>
      %slice3A_652 = vector.extract_strided_slice %get3A_30 {offsets = [0, 124], sizes = [128, 1], strides = [1, 1]} : vector<128x128xf32> to vector<128x1xf32>
      %slice3A_653 = vector.extract_strided_slice %get3A_33 {offsets = [124, 0], sizes = [1, 1024], strides = [1, 1]} : vector<128x1024xf32> to vector<1x1024xf32>
      %add3A_654 = vector.broadcast %slice3A_652 : vector<128x1xf32> to vector<128x1024xf32>
      %add3A_655 = vector.broadcast %slice3A_653 : vector<1x1024xf32> to vector<128x1024xf32>
      %add3A_656 = arith.addf %add3A_654, %add3A_655 : vector<128x1024xf32>
      %slice3A_657 = vector.extract_strided_slice %get3A_30 {offsets = [0, 125], sizes = [128, 1], strides = [1, 1]} : vector<128x128xf32> to vector<128x1xf32>
      %slice3A_658 = vector.extract_strided_slice %get3A_33 {offsets = [125, 0], sizes = [1, 1024], strides = [1, 1]} : vector<128x1024xf32> to vector<1x1024xf32>
      %add3A_659 = vector.broadcast %slice3A_657 : vector<128x1xf32> to vector<128x1024xf32>
      %add3A_660 = vector.broadcast %slice3A_658 : vector<1x1024xf32> to vector<128x1024xf32>
      %add3A_661 = arith.addf %add3A_659, %add3A_660 : vector<128x1024xf32>
      %slice3A_662 = vector.extract_strided_slice %get3A_30 {offsets = [0, 126], sizes = [128, 1], strides = [1, 1]} : vector<128x128xf32> to vector<128x1xf32>
      %slice3A_663 = vector.extract_strided_slice %get3A_33 {offsets = [126, 0], sizes = [1, 1024], strides = [1, 1]} : vector<128x1024xf32> to vector<1x1024xf32>
      %add3A_664 = vector.broadcast %slice3A_662 : vector<128x1xf32> to vector<128x1024xf32>
      %add3A_665 = vector.broadcast %slice3A_663 : vector<1x1024xf32> to vector<128x1024xf32>
      %add3A_666 = arith.addf %add3A_664, %add3A_665 : vector<128x1024xf32>
      %slice3A_667 = vector.extract_strided_slice %get3A_30 {offsets = [0, 127], sizes = [128, 1], strides = [1, 1]} : vector<128x128xf32> to vector<128x1xf32>
      %slice3A_668 = vector.extract_strided_slice %get3A_33 {offsets = [127, 0], sizes = [1, 1024], strides = [1, 1]} : vector<128x1024xf32> to vector<1x1024xf32>
      %add3A_669 = vector.broadcast %slice3A_667 : vector<128x1xf32> to vector<128x1024xf32>
      %add3A_670 = vector.broadcast %slice3A_668 : vector<1x1024xf32> to vector<128x1024xf32>
      %add3A_671 = arith.addf %add3A_669, %add3A_670 : vector<128x1024xf32>
      %min3A = arith.minimumf %add3A_36, %add3A_41 : vector<128x1024xf32>
      %min3A_672 = arith.minimumf %add3A_46, %add3A_51 : vector<128x1024xf32>
      %min3A_673 = arith.minimumf %add3A_56, %add3A_61 : vector<128x1024xf32>
      %min3A_674 = arith.minimumf %add3A_66, %add3A_71 : vector<128x1024xf32>
      %min3A_675 = arith.minimumf %add3A_76, %add3A_81 : vector<128x1024xf32>
      %min3A_676 = arith.minimumf %add3A_86, %add3A_91 : vector<128x1024xf32>
      %min3A_677 = arith.minimumf %add3A_96, %add3A_101 : vector<128x1024xf32>
      %min3A_678 = arith.minimumf %add3A_106, %add3A_111 : vector<128x1024xf32>
      %min3A_679 = arith.minimumf %add3A_116, %add3A_121 : vector<128x1024xf32>
      %min3A_680 = arith.minimumf %add3A_126, %add3A_131 : vector<128x1024xf32>
      %min3A_681 = arith.minimumf %add3A_136, %add3A_141 : vector<128x1024xf32>
      %min3A_682 = arith.minimumf %add3A_146, %add3A_151 : vector<128x1024xf32>
      %min3A_683 = arith.minimumf %add3A_156, %add3A_161 : vector<128x1024xf32>
      %min3A_684 = arith.minimumf %add3A_166, %add3A_171 : vector<128x1024xf32>
      %min3A_685 = arith.minimumf %add3A_176, %add3A_181 : vector<128x1024xf32>
      %min3A_686 = arith.minimumf %add3A_186, %add3A_191 : vector<128x1024xf32>
      %min3A_687 = arith.minimumf %add3A_196, %add3A_201 : vector<128x1024xf32>
      %min3A_688 = arith.minimumf %add3A_206, %add3A_211 : vector<128x1024xf32>
      %min3A_689 = arith.minimumf %add3A_216, %add3A_221 : vector<128x1024xf32>
      %min3A_690 = arith.minimumf %add3A_226, %add3A_231 : vector<128x1024xf32>
      %min3A_691 = arith.minimumf %add3A_236, %add3A_241 : vector<128x1024xf32>
      %min3A_692 = arith.minimumf %add3A_246, %add3A_251 : vector<128x1024xf32>
      %min3A_693 = arith.minimumf %add3A_256, %add3A_261 : vector<128x1024xf32>
      %min3A_694 = arith.minimumf %add3A_266, %add3A_271 : vector<128x1024xf32>
      %min3A_695 = arith.minimumf %add3A_276, %add3A_281 : vector<128x1024xf32>
      %min3A_696 = arith.minimumf %add3A_286, %add3A_291 : vector<128x1024xf32>
      %min3A_697 = arith.minimumf %add3A_296, %add3A_301 : vector<128x1024xf32>
      %min3A_698 = arith.minimumf %add3A_306, %add3A_311 : vector<128x1024xf32>
      %min3A_699 = arith.minimumf %add3A_316, %add3A_321 : vector<128x1024xf32>
      %min3A_700 = arith.minimumf %add3A_326, %add3A_331 : vector<128x1024xf32>
      %min3A_701 = arith.minimumf %add3A_336, %add3A_341 : vector<128x1024xf32>
      %min3A_702 = arith.minimumf %add3A_346, %add3A_351 : vector<128x1024xf32>
      %min3A_703 = arith.minimumf %add3A_356, %add3A_361 : vector<128x1024xf32>
      %min3A_704 = arith.minimumf %add3A_366, %add3A_371 : vector<128x1024xf32>
      %min3A_705 = arith.minimumf %add3A_376, %add3A_381 : vector<128x1024xf32>
      %min3A_706 = arith.minimumf %add3A_386, %add3A_391 : vector<128x1024xf32>
      %min3A_707 = arith.minimumf %add3A_396, %add3A_401 : vector<128x1024xf32>
      %min3A_708 = arith.minimumf %add3A_406, %add3A_411 : vector<128x1024xf32>
      %min3A_709 = arith.minimumf %add3A_416, %add3A_421 : vector<128x1024xf32>
      %min3A_710 = arith.minimumf %add3A_426, %add3A_431 : vector<128x1024xf32>
      %min3A_711 = arith.minimumf %add3A_436, %add3A_441 : vector<128x1024xf32>
      %min3A_712 = arith.minimumf %add3A_446, %add3A_451 : vector<128x1024xf32>
      %min3A_713 = arith.minimumf %add3A_456, %add3A_461 : vector<128x1024xf32>
      %min3A_714 = arith.minimumf %add3A_466, %add3A_471 : vector<128x1024xf32>
      %min3A_715 = arith.minimumf %add3A_476, %add3A_481 : vector<128x1024xf32>
      %min3A_716 = arith.minimumf %add3A_486, %add3A_491 : vector<128x1024xf32>
      %min3A_717 = arith.minimumf %add3A_496, %add3A_501 : vector<128x1024xf32>
      %min3A_718 = arith.minimumf %add3A_506, %add3A_511 : vector<128x1024xf32>
      %min3A_719 = arith.minimumf %add3A_516, %add3A_521 : vector<128x1024xf32>
      %min3A_720 = arith.minimumf %add3A_526, %add3A_531 : vector<128x1024xf32>
      %min3A_721 = arith.minimumf %add3A_536, %add3A_541 : vector<128x1024xf32>
      %min3A_722 = arith.minimumf %add3A_546, %add3A_551 : vector<128x1024xf32>
      %min3A_723 = arith.minimumf %add3A_556, %add3A_561 : vector<128x1024xf32>
      %min3A_724 = arith.minimumf %add3A_566, %add3A_571 : vector<128x1024xf32>
      %min3A_725 = arith.minimumf %add3A_576, %add3A_581 : vector<128x1024xf32>
      %min3A_726 = arith.minimumf %add3A_586, %add3A_591 : vector<128x1024xf32>
      %min3A_727 = arith.minimumf %add3A_596, %add3A_601 : vector<128x1024xf32>
      %min3A_728 = arith.minimumf %add3A_606, %add3A_611 : vector<128x1024xf32>
      %min3A_729 = arith.minimumf %add3A_616, %add3A_621 : vector<128x1024xf32>
      %min3A_730 = arith.minimumf %add3A_626, %add3A_631 : vector<128x1024xf32>
      %min3A_731 = arith.minimumf %add3A_636, %add3A_641 : vector<128x1024xf32>
      %min3A_732 = arith.minimumf %add3A_646, %add3A_651 : vector<128x1024xf32>
      %min3A_733 = arith.minimumf %add3A_656, %add3A_661 : vector<128x1024xf32>
      %min3A_734 = arith.minimumf %add3A_666, %add3A_671 : vector<128x1024xf32>
      %min3A_735 = arith.minimumf %min3A, %min3A_672 : vector<128x1024xf32>
      %min3A_736 = arith.minimumf %min3A_673, %min3A_674 : vector<128x1024xf32>
      %min3A_737 = arith.minimumf %min3A_675, %min3A_676 : vector<128x1024xf32>
      %min3A_738 = arith.minimumf %min3A_677, %min3A_678 : vector<128x1024xf32>
      %min3A_739 = arith.minimumf %min3A_679, %min3A_680 : vector<128x1024xf32>
      %min3A_740 = arith.minimumf %min3A_681, %min3A_682 : vector<128x1024xf32>
      %min3A_741 = arith.minimumf %min3A_683, %min3A_684 : vector<128x1024xf32>
      %min3A_742 = arith.minimumf %min3A_685, %min3A_686 : vector<128x1024xf32>
      %min3A_743 = arith.minimumf %min3A_687, %min3A_688 : vector<128x1024xf32>
      %min3A_744 = arith.minimumf %min3A_689, %min3A_690 : vector<128x1024xf32>
      %min3A_745 = arith.minimumf %min3A_691, %min3A_692 : vector<128x1024xf32>
      %min3A_746 = arith.minimumf %min3A_693, %min3A_694 : vector<128x1024xf32>
      %min3A_747 = arith.minimumf %min3A_695, %min3A_696 : vector<128x1024xf32>
      %min3A_748 = arith.minimumf %min3A_697, %min3A_698 : vector<128x1024xf32>
      %min3A_749 = arith.minimumf %min3A_699, %min3A_700 : vector<128x1024xf32>
      %min3A_750 = arith.minimumf %min3A_701, %min3A_702 : vector<128x1024xf32>
      %min3A_751 = arith.minimumf %min3A_703, %min3A_704 : vector<128x1024xf32>
      %min3A_752 = arith.minimumf %min3A_705, %min3A_706 : vector<128x1024xf32>
      %min3A_753 = arith.minimumf %min3A_707, %min3A_708 : vector<128x1024xf32>
      %min3A_754 = arith.minimumf %min3A_709, %min3A_710 : vector<128x1024xf32>
      %min3A_755 = arith.minimumf %min3A_711, %min3A_712 : vector<128x1024xf32>
      %min3A_756 = arith.minimumf %min3A_713, %min3A_714 : vector<128x1024xf32>
      %min3A_757 = arith.minimumf %min3A_715, %min3A_716 : vector<128x1024xf32>
      %min3A_758 = arith.minimumf %min3A_717, %min3A_718 : vector<128x1024xf32>
      %min3A_759 = arith.minimumf %min3A_719, %min3A_720 : vector<128x1024xf32>
      %min3A_760 = arith.minimumf %min3A_721, %min3A_722 : vector<128x1024xf32>
      %min3A_761 = arith.minimumf %min3A_723, %min3A_724 : vector<128x1024xf32>
      %min3A_762 = arith.minimumf %min3A_725, %min3A_726 : vector<128x1024xf32>
      %min3A_763 = arith.minimumf %min3A_727, %min3A_728 : vector<128x1024xf32>
      %min3A_764 = arith.minimumf %min3A_729, %min3A_730 : vector<128x1024xf32>
      %min3A_765 = arith.minimumf %min3A_731, %min3A_732 : vector<128x1024xf32>
      %min3A_766 = arith.minimumf %min3A_733, %min3A_734 : vector<128x1024xf32>
      %min3A_767 = arith.minimumf %min3A_735, %min3A_736 : vector<128x1024xf32>
      %min3A_768 = arith.minimumf %min3A_737, %min3A_738 : vector<128x1024xf32>
      %min3A_769 = arith.minimumf %min3A_739, %min3A_740 : vector<128x1024xf32>
      %min3A_770 = arith.minimumf %min3A_741, %min3A_742 : vector<128x1024xf32>
      %min3A_771 = arith.minimumf %min3A_743, %min3A_744 : vector<128x1024xf32>
      %min3A_772 = arith.minimumf %min3A_745, %min3A_746 : vector<128x1024xf32>
      %min3A_773 = arith.minimumf %min3A_747, %min3A_748 : vector<128x1024xf32>
      %min3A_774 = arith.minimumf %min3A_749, %min3A_750 : vector<128x1024xf32>
      %min3A_775 = arith.minimumf %min3A_751, %min3A_752 : vector<128x1024xf32>
      %min3A_776 = arith.minimumf %min3A_753, %min3A_754 : vector<128x1024xf32>
      %min3A_777 = arith.minimumf %min3A_755, %min3A_756 : vector<128x1024xf32>
      %min3A_778 = arith.minimumf %min3A_757, %min3A_758 : vector<128x1024xf32>
      %min3A_779 = arith.minimumf %min3A_759, %min3A_760 : vector<128x1024xf32>
      %min3A_780 = arith.minimumf %min3A_761, %min3A_762 : vector<128x1024xf32>
      %min3A_781 = arith.minimumf %min3A_763, %min3A_764 : vector<128x1024xf32>
      %min3A_782 = arith.minimumf %min3A_765, %min3A_766 : vector<128x1024xf32>
      %min3A_783 = arith.minimumf %min3A_767, %min3A_768 : vector<128x1024xf32>
      %min3A_784 = arith.minimumf %min3A_769, %min3A_770 : vector<128x1024xf32>
      %min3A_785 = arith.minimumf %min3A_771, %min3A_772 : vector<128x1024xf32>
      %min3A_786 = arith.minimumf %min3A_773, %min3A_774 : vector<128x1024xf32>
      %min3A_787 = arith.minimumf %min3A_775, %min3A_776 : vector<128x1024xf32>
      %min3A_788 = arith.minimumf %min3A_777, %min3A_778 : vector<128x1024xf32>
      %min3A_789 = arith.minimumf %min3A_779, %min3A_780 : vector<128x1024xf32>
      %min3A_790 = arith.minimumf %min3A_781, %min3A_782 : vector<128x1024xf32>
      %min3A_791 = arith.minimumf %min3A_783, %min3A_784 : vector<128x1024xf32>
      %min3A_792 = arith.minimumf %min3A_785, %min3A_786 : vector<128x1024xf32>
      %min3A_793 = arith.minimumf %min3A_787, %min3A_788 : vector<128x1024xf32>
      %min3A_794 = arith.minimumf %min3A_789, %min3A_790 : vector<128x1024xf32>
      %min3A_795 = arith.minimumf %min3A_791, %min3A_792 : vector<128x1024xf32>
      %min3A_796 = arith.minimumf %min3A_793, %min3A_794 : vector<128x1024xf32>
      %min3A_797 = arith.minimumf %min3A_795, %min3A_796 : vector<128x1024xf32>
      %min3A_798 = arith.minimumf %scan3A_26, %min3A_797 : vector<128x1024xf32>
      scf.yield %min3A_798 : vector<128x1024xf32>
    }
    %scan3A_7 = arith.constant 8 : i32
    %swap3A = arith.constant 0 : index
    %swap3A_8 = arith.constant 0 : index
    %swap3A_9 = vector.load %arg3[%swap3A, %swap3A_8] : memref<128x1024xf32, #tpu.memory_space<vmem>>, vector<128x1024xf32>
    tpu.vector_store %arg3[%swap3A, %swap3A_8], %scan3A_6 {strides = array<i32>} : memref<128x1024xf32, #tpu.memory_space<vmem>>, vector<128x1024xf32>,
    %lt3A = arith.cmpf olt, %scan3A_6, %get3A_1 : vector<128x1024xf32>
    %jit3A = arith.constant 1.000000e+00 : f32
    %jit3A_10 = arith.constant 0.000000e+00 : f32
    %broadcast_in_dim3A_11 = vector.broadcast %jit3A : f32 to vector<128x1024xf32>
    %broadcast_in_dim3A_12 = vector.broadcast %jit3A_10 : f32 to vector<128x1024xf32>
    %select_n3A = arith.select %lt3A, %broadcast_in_dim3A_11, %broadcast_in_dim3A_12 : vector<128x1024xi1>, vector<128x1024xf32>
    %reduce_max3A = vector.shape_cast %select_n3A : vector<128x1024xf32> to vector<1x128x1024xf32>
    %reduce_max3A_13 = arith.constant dense<0xFF800000> : vector<1xf32>
    %reduce_max3A_14 = vector.multi_reduction <maximumf>, %reduce_max3A, %reduce_max3A_13 [1, 2] : vector<1x128x1024xf32> to vector<1xf32>
    %reduce_max3A_15 = vector.shape_cast %reduce_max3A_14 : vector<1xf32> to vector<1x1x1xf32>
    %reduce_max3A_16 = vector.extract %reduce_max3A_15[0, 0, 0] : f32 from vector<1x1x1xf32>
    %eq3A = arith.constant 0 : i32
    %eq3A_17 = arith.cmpi eq, %arg0, %eq3A : i32
    %convert_element_type3A = arith.extui %eq3A_17 : i1 to i32
    %cond3A = arith.constant 0 : i32
    %cond3A_18 = arith.cmpi ne, %convert_element_type3A, %cond3A : i32
    scf.if %cond3A_18 {
      %swap3A_25 = arith.constant 0.000000e+00 : f32
      %swap3A_26 = arith.constant 0 : index
      %swap3A_27 = arith.constant 0 : index
      %swap3A_28 = memref.load %arg4[%swap3A_26, %swap3A_27] : memref<1x1xf32, #tpu.memory_space<smem>>
      memref.store %swap3A_25, %arg4[%swap3A_26, %swap3A_27] : memref<1x1xf32, #tpu.memory_space<smem>>
    } else {
    }
    %get3A_19 = arith.constant 0 : index
    %get3A_20 = arith.constant 0 : index
    %get3A_21 = memref.load %arg4[%get3A_19, %get3A_20] : memref<1x1xf32, #tpu.memory_space<smem>>
    %max3A = arith.maximumf %get3A_21, %reduce_max3A_16 : f32
    %swap3A_22 = arith.constant 0 : index
    %swap3A_23 = arith.constant 0 : index
    %swap3A_24 = memref.load %arg4[%swap3A_22, %swap3A_23] : memref<1x1xf32, #tpu.memory_space<smem>>
    memref.store %max3A, %arg4[%swap3A_22, %swap3A_23] : memref<1x1xf32, #tpu.memory_space<smem>>
    return
  }
  func.func @transform_0(%arg0: i32) -> (i32, i32) {
    %c0_i32 = arith.constant 0 : i32
    %c0_i32_0 = arith.constant 0 : i32
    return %arg0, %c0_i32 : i32, i32
  }
  func.func @transform_1(%arg0: i32) -> (i32, i32) {
    %c0_i32 = arith.constant 0 : i32
    %c0_i32_0 = arith.constant 0 : i32
    %c0_i32_1 = arith.constant 0 : i32
    return %c0_i32, %c0_i32_0 : i32, i32
  }
  func.func @transform_2(%arg0: i32) -> (i32, i32) {
    %c0_i32 = arith.constant 0 : i32
    %c0_i32_0 = arith.constant 0 : i32
    return %arg0, %c0_i32 : i32, i32
  }
  func.func @transform_3(%arg0: i32) -> (i32, i32) {
    %c0_i32 = arith.constant 0 : i32
    %c0_i32_0 = arith.constant 0 : i32
    %c0_i32_1 = arith.constant 0 : i32
    return %c0_i32, %c0_i32_0 : i32, i32
  }
}

</mosaic_0001>

<sc_bundles>
// kernel: kernel.4.cloned.1.call-start
scs
__scs_entry_jumppad:
0x0: {  	(pc) =	sbr.rel $0x88, $3  }
0x1: {  	(tag) =	ssettag $0x0;
	lr =	simm.s32 $0x1  }
0x2: {  	[smem:$0x3FA0] =	sst lr;
	_ =	strace $0xD0000000  }
0x3: {  	_ = 	snop  }
0x4: {  	_ = 	snop  }
0x5: {  	_ = 	snop  }
0x6: {  	_ = 	snop  }
0x7: {  	_ = 	snop  }
__scs_overlays_trampoline_lowered:
0x8: {  	[smem:$0x3FAF] =	sst s0  }
0x9: {  	[smem:$0x3FB0] =	sst s1  }
0xa: {  	[smem:$0x3FB1] =	sst s2  }
0xb: {  	[smem:$0x3FB2] =	sst s3  }
0xc: {  	[smem:$0x3FB3] =	sst s4  }
0xd: {  	[smem:$0x3FB4] =	sst s5  }
0xe: {  	[smem:$0x3FB5] =	sst s6  }
0xf: {  	[smem:$0x3FB6] =	sst s7  }
0x10: {  	[smem:$0x3FB7] =	sst s8  }
0x11: {  	[smem:$0x3FB8] =	sst s9;
	s0 =	simm.s32 @!p0 $0x0  }
0x12: {  	s1 =	sld [smem:$0x3F9E];
	s0 =	simm.s32 @p0 $0x1  }
0x13: {  	[smem:$0x3FB9] =	sst s0;
	s0 =	simm.s32 @!p1 $0x0  }
0x14: {  	s2 =	sld [smem:$0x3F9D];
	s0 =	simm.s32 @p1 $0x1  }
0x15: {  	[smem:$0x3FBA] =	sst s0;
	s0 =	simm.s32 @!p2 $0x0  }
0x16: {  	s3 =	sld [smem:$0x3FDB];
	s0 =	simm.s32 @p2 $0x1  }
0x17: {  	s4 =	simm.s32 $0x1BF5;
	[smem:$0x3FBC] =	sst s0  }
0x18: {  	s0 =	sld [smem:$0x3F9F];
	_ =	swait.ge [sflag:s4], $0x0  }
0x19: {  	s7 =	sld [smem:$0x3FA0]  }
0x1a: {  	s8 =	sadd.s32 $0xFFFFE003, lr  }
0x1b: {  	s9 =	sadd.s32 $0xFFFFFEF7, lr;
	s5 =	simm.s32 $0xFFFFFFFF;
	p2 =	slt.u32 s8, $0xFFFFF086  }
0x1c: {  	p1 =	slt.u32 s9, $0xF7A;
	s5 =	simm.s32 @!p2 $0x0  }
0x1d: {  	s5 =	simm.s32 @p1 $0x1;
	p0 =	seq.s32 s7, s2  }
0x1e: {  	s7 =	smul.u32 @!p0 $0xF7A, s2;
	p2 =	seq.s32 @!p0 s5, $0x0  }
0x1f: {  	s9 =	smul.u32 $0xF7A, s1;
	s8 =	simm.s32 @!p0 $0x1BF5;
	p2 =	por !p2, p0  }
0x20: {  	[sflag:s8] =	ssyncset.s32 @!p0 $0xFFFFF086;
	s6 =	sadd.s32 @!p0 s3, s7;
	s7 =	simm.s32 @!p0 $0x108  }
0x21: {  	s3 =	sadd.s32 s3, s9;
	s6 =	sadd.s32 @!p0 $0x88, s6;
	s7 =	simm.s32 @p2 $0x1082  }
0x22: {  	[simem:s7], [sflag:s8] =	dma.local @!p0 [hbm:s6], $0xF7A  }
0x23: {  	s9 =	sor.u32 $0xD0000000, s2;
	s6 =	simm.s32 $0x108;
	_ =	swait.ge @!p0 [sflag:s8], $0x0  }
0x24: {  	s3 =	sadd.s32 $0x88, s3;
	s6 =	simm.s32 @!p1 $0x1082;
	[sflag:s4] =	ssyncset.s32 $0xFFFFF086  }
0x25: {  	[simem:s6], [sflag:s4] =	dma.local [hbm:s3], $0xF7A  }
0x26: {  	[smem:$0x3FA0] =	sst s1;
	(tag) =	ssettag s2;
	_ =	strace s9  }
0x27: {  	s1 =	sld [smem:$0x3FB0]  }
0x28: {  	s2 =	sld [smem:$0x3FB1]  }
0x29: {  	s4 =	sld [smem:$0x3FB3]  }
0x2a: {  	p0 =	seq.s32 s5, $0x0;
	s5 =	sld [smem:$0x3FB4]  }
0x2b: {  	s6 =	sld [smem:$0x3FB5]  }
0x2c: {  	s7 =	sld [smem:$0x3FB6]  }
0x2d: {  	s3 =	simm.s32 $0x108;
	s8 =	sld [smem:$0x3FB7]  }
0x2e: {  	s3 =	simm.s32 @!p0 $0x1082;
	s9 =	sld [smem:$0x3FB8]  }
0x2f: {  	lr =	sadd.s32 s0, s3;
	s0 =	sld [smem:$0x3FAF]  }
0x30: {  	s3 =	sld [smem:$0x3FB2]  }
0x31: {  	[smem:$0x3FBB] =	sst s10  }
0x32: {  	s10 =	sld [smem:$0x3FB9];
	_ =	sdelay $0x3  }
0x33: {  	p0 =	seq.s32 s10, $0x1;
	s10 =	sld [smem:$0x3FBB];
	_ =	sdelay $0x3  }
0x34: {  	[smem:$0x3FBB] =	sst s10  }
0x35: {  	s10 =	sld [smem:$0x3FBA];
	_ =	sdelay $0x3  }
0x36: {  	p1 =	seq.s32 s10, $0x1;
	s10 =	sld [smem:$0x3FBB];
	_ =	sdelay $0x3  }
0x37: {  	[smem:$0x3FBB] =	sst s10  }
0x38: {  	s10 =	sld [smem:$0x3FBC]  }
0x39: {  	_ = 	snop;
	(pc) =	sbr.ind lr, $3  }
0x3a: {  	_ = 	snop  }
0x3b: {  	_ = 	snop  }
0x3c: {  	p2 =	seq.s32 s10, $0x1;
	s10 =	sld [smem:$0x3FBB]  }
0x3d: {  	_ =	shalt  }
0x3e: {  	_ =	shalt  }
0x3f: {  	_ =	shalt  }
0x40: {  	_ =	shalt  }
0x41: {  	_ =	shalt  }
0x42: {  	_ =	shalt  }
0x43: {  	_ =	shalt  }
0x44: {  	_ =	shalt  }
0x45: {  	_ =	shalt  }
0x46: {  	_ =	shalt  }
0x47: {  	_ =	shalt  }
0x48: {  	_ =	shalt  }
0x49: {  	_ =	shalt  }
0x4a: {  	_ =	shalt  }
0x4b: {  	_ =	shalt  }
0x4c: {  	_ =	shalt  }
0x4d: {  	_ =	shalt  }
0x4e: {  	_ =	shalt  }
0x4f: {  	_ =	shalt  }
0x50: {  	_ =	shalt  }
0x51: {  	_ =	shalt  }
0x52: {  	_ =	shalt  }
0x53: {  	_ =	shalt  }
0x54: {  	_ =	shalt  }
0x55: {  	_ =	shalt  }
0x56: {  	_ =	shalt  }
0x57: {  	_ =	shalt  }
0x58: {  	_ =	shalt  }
0x59: {  	_ =	shalt  }
0x5a: {  	_ =	shalt  }
0x5b: {  	_ =	shalt  }
0x5c: {  	_ =	shalt  }
0x5d: {  	_ =	shalt  }
0x5e: {  	_ =	shalt  }
0x5f: {  	_ =	shalt  }
0x60: {  	_ =	shalt  }
0x61: {  	_ =	shalt  }
0x62: {  	_ =	shalt  }
0x63: {  	_ =	shalt  }
0x64: {  	_ =	shalt  }
0x65: {  	_ =	shalt  }
0x66: {  	_ =	shalt  }
0x67: {  	_ =	shalt  }
0x68: {  	_ =	shalt  }
0x69: {  	_ =	shalt  }
0x6a: {  	_ =	shalt  }
0x6b: {  	_ =	shalt  }
0x6c: {  	_ =	shalt  }
0x6d: {  	_ =	shalt  }
0x6e: {  	_ =	shalt  }
0x6f: {  	_ =	shalt  }
0x70: {  	_ =	shalt  }
0x71: {  	_ =	shalt  }
0x72: {  	_ =	shalt  }
0x73: {  	_ =	shalt  }
0x74: {  	_ =	shalt  }
0x75: {  	_ =	shalt  }
0x76: {  	_ =	shalt  }
0x77: {  	_ =	shalt  }
0x78: {  	_ =	shalt  }
0x79: {  	_ =	shalt  }
0x7a: {  	_ =	shalt  }
0x7b: {  	_ =	shalt  }
0x7c: {  	_ =	shalt  }
0x7d: {  	_ =	shalt  }
0x7e: {  	_ =	shalt  }
0x7f: {  	_ =	shalt  }
0x80: {  	_ =	shalt  }
0x81: {  	_ =	shalt  }
0x82: {  	_ =	shalt  }
0x83: {  	_ =	shalt  }
0x84: {  	_ =	shalt  }
0x85: {  	_ =	shalt  }
0x86: {  	_ =	shalt  }
0x87: {  	_ =	shalt  }
.Lfunc_end0:
.L_simem_size_0:
called_computation_lowered:
.L_overlay_start_0:
0x88: {  	s2 =	sld [smem:$0x3FD9]  }
0x89: {  	s3 =	sld [smem:$0x3FFE];
	_ =	sdelay $0x1  }
0x8a: {  	s1 =	srdreg.scid  }
0x8b: {  	s0 =	sand.u32 $0x1, s1  }
0x8c: {  	s17 =	sshll.u32 s0, $0xA;
	s2 =	sadd.s32 s3, s2  }
0x8d: {  	s2 =	sadd.s32 s2, s17  }
0x8e: {  	[smem:$0x3FC7] =	sst s2  }
0x8f: {  	_ = 	snop  }
0x90: {  	s2 =	sld [smem:$0x3FD0];
	(tm) =	ssettm $0x1  }
0x91: {  	s18 =	sld [smem:$0x3FFB];
	_ =	sdelay $0x3  }
0x92: {  	_ =	strace s18  }
0x93: {  	s3 =	sld [smem:$0x3FFC];
	_ =	sdelay $0x3  }
0x94: {  	_ =	strace s3  }
0x95: {  	s3 =	sld [smem:$0x3FFD];
	_ =	sdelay $0x3  }
0x96: {  	_ =	strace s3  }
0x97: {  	_ =	strace $0x8FFFFFFF  }
0x98: {  	s19 =	sld [smem:$0x3FDB];
	_ =	sdelay $0x1  }
0x99: {  	s4 =	simm.s32 $_scs_section_size  }
0x9a: {  	s5 =	simm.s32 $_size__tile_overlayer_lowered;
	s6 =	simm.s32 $_tile_overlayer_lowered  }
0x9b: {  	s22 =	simm.s32 $0x1BFF;
	s21 =	sshll.u32 s6, $0x1;
	s3 =	sadd.s32 s4, s19  }
0x9c: {  	s7 =	simm.s32 $0x0;
	s20 =	sshll.u32 s5, $0x1;
	s5 =	sadd.s32 s21, s3  }
0x9d: {  	[timem:s7], [sflag:s22] =	dma.local [hbm:s5], s20  }
0x9e: {  	_ =	swait.ge [sflag:s22], s20  }
0x9f: {  	s4 =	ssub.s32 $0x0, s20;
	[sflag:s22] =	ssyncset.done $0x0  }
0xa0: {  	[sflag:s22] =	ssyncadd.s32 s4;
	_ =	sdelay $0x1  }
0xa1: {  	s23 =	simm.s32 $0x1B8B  }
0xa2: {  	_ =	swait.ge [sflag:s23], $0x1  }
0xa3: {  	[sflag:s23] =	ssyncset.done $0x0  }
0xa4: {  	s25 =	simm.s32 $0x1B8E;
	s24 =	sld [smem:$0x3FFE];
	[sflag:s23] =	ssyncadd.s32 $0xFFFFFFFF  }
0xa5: {  	s26 =	simm.s32 $execute0_lowered;
	[smem:$0x3FD2] =	sst s25  }
0xa6: {  	s5 =	sshll.u32 s26, $0x1;
	_ =	strace $0x80000046;
	[dreg:$0x1] =	wrdreg $0xFFFFFFFF  }
0xa7: {  	s28 =	simm.s32 $_size_execute0_lowered;
	s3 =	sadd.s32 s3, s5;
	[dreg:$0x0] =	wrdreg $0x0  }
0xa8: {  	s5 =	sshll.u32 s28, $0x1;
	[dreg:$0x2] =	wrdreg s3  }
0xa9: {  	[dreg:$0x3] =	wrdreg s5  }
0xaa: {  	[dreg:$0x4] =	wrdreg $0xC0  }
0xab: {  	_ =	task [dreg:s7], $0x5FFFF  }
0xac: {  	[dreg:$0x1] =	wrdreg $0xFFFFFFFF  }
0xad: {  	[dreg:$0x0] =	wrdreg $0x60  }
0xae: {  	[dreg:$0x2] =	wrdreg s24  }
0xaf: {  	[dreg:$0x3] =	wrdreg s2  }
0xb0: {  	[dreg:$0x4] =	wrdreg $0x9  }
0xb1: {  	_ =	task.clear_ibuf [dreg:s7], $0x5FFFF;
	_ =	strace $0x90000046  }
0xb2: {  	s29 =	simm.s32 $0x9;
	_ =	strace $0x80000048  }
0xb3: {  	_ =	swait.ge [sflag:s29], $0x1  }
0xb4: {  	[sflag:s29] =	ssyncadd.s32 $0xFFFFFFFF  }
0xb5: {  	_ =	strace $0x90000048  }
0xb6: {  	_ =	sfence  }
0xb7: {  	s30 =	sld [smem:$0x0];
	_ =	sdelay $0x2  }
0xb8: {  	s31 =	sshll.u32 s1, $0xD;
	s1 =	sshrl.u32 s1, $0x2  }
0xb9: {  	s3 =	sand.u32 $0x4000, s31;
	s1 =	sadd.s32 s1, s30  }
0xba: {  	s0 =	sor.u32 s3, s0;
	s1 =	sshll.u32 s1, $0x11  }
0xbb: {  	s0 =	sor.u32 s1, s0  }
0xbc: {  	s0 =	sadd.s32 $0x8F2B, s0  }
0xbd: {  	[sflag:s0] =	ssyncadd.remote.s32 $0x1  }
0xbe: {  	_ =	sfence.sel $0xFFFF  }
0xbf: {  	[dreg:$0x0] =	wrdreg $0xFFFFFFFF;
	(pc) =	sbr.abs _section_cstart, $3  }
0xc0: {  	[dreg:$0x1] =	wrdreg $0xFFFFFFFF  }
0xc1: {  	_ =	task.clear_ibuf [dreg:s7], $0x2FFFF;
	_ =	strace $0x9FFFFFFF  }
0xc2: {  	(tm) =	ssettm $0x7FFFFFFF  }
0xc3: {  	_ =	shalt  }
tec
execute0_lowered:
.L_overlay_start_1:
0x0: {  	(tag) =	ssettag $0x1  }
0x1: {  	v0 =	vimm.s32 $0xFEDCBA98;
	v1 =	vimm.s32 $0x76543210  }
0x2: {  	v2 =	vimm.s32 $0xBA98FEDC;
	v3 =	vimm.s32 $0x32107654;
	v4 =	vimm.s32 $0xDCFE98BA  }
0x3: {  	v5 =	vimm.s32 $0x54761032;
	v6 =	vimm.s32 $0xEFCDAB89;
	v7 =	vimm.s32 $0x67452301  }
0x4: {  	s3 =	rddreg [dreg:$0x0];
	vm0 =	vcmask $0x318;
	vm1 =	vcmask $0x718;
	vm2 =	vcmask $0xB18  }
0x5: {  	s4 =	rddreg [dreg:$0x1];
	v0 =	vunpack.c.l.s4.s8 v0;
	v1 =	vunpack.c.l.s4.s8 v1;
	v2 =	vunpack.c.l.s4.s8 v2  }
0x6: {  	s0 =	rddreg [dreg:$0x2];
	s5 =	srdreg.scid;
	v3 =	vunpack.c.l.s4.s8 v3;
	v4 =	vunpack.c.l.s4.s8 v4;
	v5 =	vunpack.c.l.s4.s8 v5  }
0x7: {  	s1 =	stileid.u32;
	s2 =	simm.s32 $0x0;
	s10 =	simm.s32 $0x0;
	v6 =	vunpack.c.l.s4.s8 v6;
	v7 =	vunpack.c.l.s4.s8 v7;
	v0 =	vunpack.c.0.s8.s32 v0  }
0x8: {  	s5 =	sand.u32 $0x1, s5;
	s6 =	sshll.u32 s1, $0x1;
	[smem:$0x7FF] =	sst s2;
	v2 =	vunpack.c.0.s8.s32 v2;
	v3 =	vunpack.c.0.s8.s32 v3;
	v4 =	vunpack.c.0.s8.s32 v4  }
0x9: {  	s6 =	sor.u32 s5, s6;
	_ =	strace $0x80000047;
	s5 =	ssub.s32 $0x2, s5;
	v5 =	vunpack.c.0.s8.s32 v5;
	v6 =	vunpack.c.0.s8.s32 v6;
	v7 =	vunpack.c.0.s8.s32 v7  }
0xa: {  	vm3 =	vcmask $0xF18;
	v1 =	vunpack.c.0.s8.s32 v1;
	s7 =	sshll.u32 s6, $0x6;
	s9 =	sshrl.u32 s5, $0x1;
	s6 =	sshll.u32 s6, $0xC;
	v2 =	vcombine.low v3, v2  }
0xb: {  	s8 =	sadd.s32 s7, s3;
	s9 =	ssub.s32 s5, s9;
	s3 =	sadd.s32 s3, s6;
	v3 =	vcombine.low v5, v4;
	v4 =	vcombine.low v7, v6;
	v0 =	vand.u32 $0xF, v0  }
0xc: {  	vm4 =	vcmask $0x1318;
	s4 =	sadd.s32 s4, s7;
	s7 =	simm.s32 $0x1;
	s5 =	sadd.s32 $0x20000, s8;
	v0 =	vcombine.low v0, v1;
	v1 =	vand.u32 $0xF, v2  }
0xd: {  	s6 =	smax.u32 s9, $0x1;
	s8 =	simm.s32 $0x8000;
	s9 =	simm.s32 $0x8200;
	v2 =	vand.u32 $0xF, v3;
	v3 =	vand.u32 $0xF, v4;
	v4 =	vlaneseq.u32  }
.LBB2_1:
0xe: {  	[tilespmem:s2], [sflag:$0x1] =	stream.linear.gather [hbm4b:s3+s2], $0x8000, $0x38;
	[tilespmem:$0x8400] =	vst v63  }
0xf: {  	_ =	swait.ge [sflag:s7], $0x8000  }
0x10: {  	[sflag:s7] =	ssyncset.done $0x0  }
0x11: {  	s11 =	simm.s32 $0x0;
	[sflag:s7] =	ssyncadd.s32 $0xFFFF8000  }
.LBB2_2:
0x12: {  	s12 =	sshll.u32 s11, $0xC;
	s13 =	simm.s32 $0x0  }
0x13: {  	s12 =	sshra.s32 s12, $0x2;
	s14 =	sand.u32 $0x380, s13  }
0x14: {  	s15 =	sand.u32 $0x70, s13;
	s14 =	sadd.s32 s14, s12  }
0x15: {  	s15 =	sadd.s32 s15, s14  }
0x16: {  	v7 =	vld [tilespmem:s15+$0x0]  }
0x17: {  	v6 =	vimm.f32 $3.000000010e+38;
	v5 =	vimm.s32 $0x0;
	s14 =	simm.s32 $0x1;
	s15 =	simm.s32 $0x10  }
.LBB2_3:
0x18: {  	s16 =	sand.u32 $0x380, s15  }
0x19: {  	p0 =	sne.s32 s14, $0x3F;
	s17 =	smov.u32 s14;
	s14 =	sadd.s32 $0x1, s14  }
.Ltmp0:
0x1a: {  	s18 =	sand.u32 $0x70, s15;
	s16 =	sadd.s32 s16, s12;
	(pc) =	sbr.rel @p0 .LBB2_3-.Ltmp0, $4  }
0x1b: {  	s16 =	sadd.s32 s18, s16;
	vm5 =	vge.f32 v7, $-1.000000000e+00  }
0x1c: {  	v8 =	vnsel vm5, $0x7F61B1E6, v7;
	v7 =	vld [tilespmem:s16+$0x0]  }
0x1d: {  	vm5 =	vlt.f32 v8, v6  }
0x1e: {  	s15 =	sadd.s32 $0x10, s15;
	v6 =	vsel vm5, v8, v6;
	v5 =	vsel vm5, s13, v5;
	s13 =	smov.u32 s17  }
0x1f: {  	_ =	sdelay $0x1  }
0x20: {  	vm5 =	vge.f32 v7, $-1.000000000e+00  }
0x21: {  	v7 =	vnsel vm5, $0x7F61B1E6, v7  }
0x22: {  	vm5 =	vlt.f32 v7, v6  }
0x23: {  	v6 =	vsel vm5, v7, v6  }
0x24: {  	v7 =	vperm.xlane v6, v0;
	_ =	sdelay $0x1  }
0x25: {  	v7 =	vmin.f32 v6, v7  }
0x26: {  	v8 =	vperm.xlane v7, v1;
	_ =	sdelay $0x1  }
0x27: {  	v7 =	vmin.f32 v7, v8  }
0x28: {  	v8 =	vperm.xlane v7, v2;
	_ =	sdelay $0x1  }
0x29: {  	v7 =	vmin.f32 v7, v8  }
0x2a: {  	v8 =	vperm.xlane v7, v3  }
0x2b: {  	v9 =	vsel vm5, s13, v5  }
0x2c: {  	v5 =	vmin.f32 v7, v8;
	v7 =	vshll.u32 v9, $0x4  }
0x2d: {  	vm5 =	veq.f32 v6, v5;
	v6 =	vor.u32 v4, v7  }
0x2e: {  	v6 =	vnsel vm5, $0x40000000, v6  }
0x2f: {  	v7 =	vperm.xlane v6, v0;
	_ =	sdelay $0x1  }
0x30: {  	vm5 =	vlt.s32 v6, v7  }
0x31: {  	v6 =	vsel vm5, v6, v7  }
0x32: {  	v7 =	vperm.xlane v6, v1;
	_ =	sdelay $0x1  }
0x33: {  	vm5 =	vlt.s32 v6, v7  }
0x34: {  	s13 =	simm.s32 $0x0;
	v6 =	vsel vm5, v6, v7  }
0x35: {  	s14 =	sand.u32 $0x380, s13;
	v7 =	vperm.xlane v6, v2  }
0x36: {  	s15 =	sand.u32 $0x70, s13;
	s14 =	sadd.s32 s14, s12  }
0x37: {  	s14 =	sadd.s32 s15, s14;
	vm5 =	vlt.s32 v6, v7  }
0x38: {  	v10 =	vld [tilespmem:s14+$0x0];
	v6 =	vsel vm5, v6, v7  }
0x39: {  	v7 =	vperm.xlane v6, v3;
	_ =	sdelay $0x1  }
0x3a: {  	s15 =	simm.s32 $0x10;
	vm5 =	vlt.s32 v6, v7  }
0x3b: {  	s31 =	sand.u32 $0x380, s15;
	v6 =	vsel vm5, v6, v7;
	v7 =	vor.u32 s13, v4  }
0x3c: {  	s16 =	sand.u32 $0x70, s15;
	s14 =	sadd.s32 s31, s12;
	vm5 =	veq.f32 v10, v5;
	vm6 =	vgt.s32 v7, v6  }
0x3d: {  	s17 =	sadd.s32 s16, s14;
	vm7 =	vgt.f32 v10, v5;
	vm5 =	vmand vm6, vm5  }
0x3e: {  	v9 =	vld [tilespmem:s17+$0x0];
	vm5 =	vmor vm7, vm5  }
0x3f: {  	s14 =	simm.s32 $0x1;
	s16 =	simm.s32 $0x2;
	v8 =	vimm.f32 $3.000000010e+38;
	s17 =	simm.s32 $0x20;
	v7 =	vimm.s32 $0x0;
	v10 =	vnsel vm5, $0x7F61B1E6, v10  }
.LBB2_5:
0x40: {  	s18 =	sand.u32 $0x380, s17  }
0x41: {  	p0 =	sne.s32 s16, $0x3F;
	vm5 =	vlt.f32 v10, v8;
	s19 =	smov.u32 s16;
	s16 =	sadd.s32 $0x1, s16  }
.Ltmp1:
0x42: {  	s20 =	sand.u32 $0x70, s17;
	v11 =	vor.u32 s15, v4;
	s18 =	sadd.s32 s18, s12;
	v8 =	vsel vm5, v10, v8;
	v7 =	vsel vm5, s13, v7;
	(pc) =	sbr.rel @p0 .LBB2_5-.Ltmp1, $4  }
0x43: {  	vm6 =	vgt.s32 v11, v6;
	s13 =	smov.u32 s14;
	s14 =	smov.u32 s19;
	s15 =	sadd.s32 s20, s18;
	vm5 =	veq.f32 v9, v5;
	v10 =	vmov v9  }
0x44: {  	v9 =	vld [tilespmem:s15+$0x0];
	vm7 =	vgt.f32 v10, v5;
	vm5 =	vmand vm6, vm5;
	s15 =	smov.u32 s17  }
0x45: {  	vm5 =	vmor vm7, vm5  }
0x46: {  	s17 =	sadd.s32 $0x10, s17;
	v10 =	vnsel vm5, $0x7F61B1E6, v10  }
0x47: {  	_ = 	snop  }
0x48: {  	v11 =	vor.u32 s15, v4  }
0x49: {  	vm6 =	vgt.s32 v11, v6;
	vm5 =	veq.f32 v9, v5  }
0x4a: {  	vm7 =	vgt.f32 v9, v5;
	vm5 =	vmand vm6, vm5  }
0x4b: {  	vm6 =	vlt.f32 v10, v8;
	vm5 =	vmor vm7, vm5  }
0x4c: {  	v8 =	vsel vm6, v10, v8;
	v9 =	vnsel vm5, $0x7F61B1E6, v9  }
0x4d: {  	vm5 =	vlt.f32 v9, v8  }
0x4e: {  	v8 =	vsel vm5, v9, v8  }
0x4f: {  	v9 =	vperm.xlane v8, v0;
	_ =	sdelay $0x1  }
0x50: {  	v9 =	vmin.f32 v8, v9  }
0x51: {  	v10 =	vperm.xlane v9, v1;
	_ =	sdelay $0x1  }
0x52: {  	v9 =	vmin.f32 v9, v10  }
0x53: {  	v10 =	vperm.xlane v9, v2;
	_ =	sdelay $0x1  }
0x54: {  	v9 =	vmin.f32 v9, v10  }
0x55: {  	v7 =	vsel vm6, s13, v7;
	v10 =	vperm.xlane v9, v3  }
0x56: {  	v11 =	vsel vm5, s14, v7  }
0x57: {  	v7 =	vmin.f32 v9, v10;
	v9 =	vshll.u32 v11, $0x4  }
0x58: {  	vm5 =	veq.f32 v8, v7;
	v8 =	vor.u32 v4, v9  }
0x59: {  	v8 =	vnsel vm5, $0x40000000, v8  }
0x5a: {  	v9 =	vperm.xlane v8, v0;
	_ =	sdelay $0x1  }
0x5b: {  	vm5 =	vlt.s32 v8, v9  }
0x5c: {  	v8 =	vsel vm5, v8, v9  }
0x5d: {  	v9 =	vperm.xlane v8, v1;
	_ =	sdelay $0x1  }
0x5e: {  	vm5 =	vlt.s32 v8, v9  }
0x5f: {  	s13 =	simm.s32 $0x0;
	v8 =	vsel vm5, v8, v9  }
0x60: {  	s29 =	sand.u32 $0x380, s13;
	v9 =	vperm.xlane v8, v2  }
0x61: {  	s30 =	sand.u32 $0x70, s13;
	s14 =	sadd.s32 s29, s12  }
0x62: {  	s14 =	sadd.s32 s30, s14;
	vm5 =	vlt.s32 v8, v9  }
0x63: {  	v12 =	vld [tilespmem:s14+$0x0];
	v8 =	vsel vm5, v8, v9  }
0x64: {  	v9 =	vperm.xlane v8, v3;
	_ =	sdelay $0x1  }
0x65: {  	s15 =	simm.s32 $0x10;
	vm5 =	vlt.s32 v8, v9  }
0x66: {  	s31 =	sand.u32 $0x380, s15;
	v8 =	vsel vm5, v8, v9;
	v9 =	vor.u32 s13, v4  }
0x67: {  	s16 =	sand.u32 $0x70, s15;
	s14 =	sadd.s32 s31, s12;
	vm5 =	veq.f32 v12, v7;
	vm6 =	vgt.s32 v9, v8  }
0x68: {  	s17 =	sadd.s32 s16, s14;
	vm7 =	vgt.f32 v12, v7;
	vm5 =	vmand vm6, vm5  }
0x69: {  	v11 =	vld [tilespmem:s17+$0x0];
	vm5 =	vmor vm7, vm5  }
0x6a: {  	s14 =	simm.s32 $0x1;
	s16 =	simm.s32 $0x2;
	v10 =	vimm.f32 $3.000000010e+38;
	s17 =	simm.s32 $0x20;
	v9 =	vimm.s32 $0x0;
	v12 =	vnsel vm5, $0x7F61B1E6, v12  }
.LBB2_7:
0x6b: {  	s18 =	sand.u32 $0x380, s17  }
0x6c: {  	p0 =	sne.s32 s16, $0x3F;
	vm5 =	vlt.f32 v12, v10;
	s19 =	smov.u32 s16;
	s16 =	sadd.s32 $0x1, s16  }
.Ltmp2:
0x6d: {  	s20 =	sand.u32 $0x70, s17;
	v13 =	vor.u32 s15, v4;
	s18 =	sadd.s32 s18, s12;
	v10 =	vsel vm5, v12, v10;
	v9 =	vsel vm5, s13, v9;
	(pc) =	sbr.rel @p0 .LBB2_7-.Ltmp2, $4  }
0x6e: {  	vm6 =	vgt.s32 v13, v8;
	s13 =	smov.u32 s14;
	s14 =	smov.u32 s19;
	s15 =	sadd.s32 s20, s18;
	vm5 =	veq.f32 v11, v7;
	v12 =	vmov v11  }
0x6f: {  	v11 =	vld [tilespmem:s15+$0x0];
	vm7 =	vgt.f32 v12, v7;
	vm5 =	vmand vm6, vm5;
	s15 =	smov.u32 s17  }
0x70: {  	vm5 =	vmor vm7, vm5  }
0x71: {  	s17 =	sadd.s32 $0x10, s17;
	v12 =	vnsel vm5, $0x7F61B1E6, v12  }
0x72: {  	_ = 	snop  }
0x73: {  	v13 =	vor.u32 s15, v4  }
0x74: {  	vm6 =	vgt.s32 v13, v8;
	vm5 =	veq.f32 v11, v7  }
0x75: {  	vm7 =	vgt.f32 v11, v7;
	vm5 =	vmand vm6, vm5  }
0x76: {  	vm6 =	vlt.f32 v12, v10;
	vm5 =	vmor vm7, vm5  }
0x77: {  	v10 =	vsel vm6, v12, v10;
	v11 =	vnsel vm5, $0x7F61B1E6, v11  }
0x78: {  	vm5 =	vlt.f32 v11, v10  }
0x79: {  	v10 =	vsel vm5, v11, v10  }
0x7a: {  	v11 =	vperm.xlane v10, v0;
	_ =	sdelay $0x1  }
0x7b: {  	v11 =	vmin.f32 v10, v11  }
0x7c: {  	v12 =	vperm.xlane v11, v1;
	_ =	sdelay $0x1  }
0x7d: {  	v11 =	vmin.f32 v11, v12  }
0x7e: {  	v12 =	vperm.xlane v11, v2;
	_ =	sdelay $0x1  }
0x7f: {  	v11 =	vmin.f32 v11, v12  }
0x80: {  	v9 =	vsel vm6, s13, v9;
	v12 =	vperm.xlane v11, v3  }
0x81: {  	v13 =	vsel vm5, s14, v9  }
0x82: {  	v9 =	vmin.f32 v11, v12;
	v11 =	vshll.u32 v13, $0x4  }
0x83: {  	vm5 =	veq.f32 v10, v9;
	v10 =	vor.u32 v4, v11  }
0x84: {  	v10 =	vnsel vm5, $0x40000000, v10  }
0x85: {  	v11 =	vperm.xlane v10, v0;
	_ =	sdelay $0x1  }
0x86: {  	vm5 =	vlt.s32 v10, v11  }
0x87: {  	v10 =	vsel vm5, v10, v11  }
0x88: {  	v11 =	vperm.xlane v10, v1;
	_ =	sdelay $0x1  }
0x89: {  	vm5 =	vlt.s32 v10, v11  }
0x8a: {  	s13 =	simm.s32 $0x0;
	v10 =	vsel vm5, v10, v11  }
0x8b: {  	s29 =	sand.u32 $0x380, s13;
	v11 =	vperm.xlane v10, v2  }
0x8c: {  	s30 =	sand.u32 $0x70, s13;
	s14 =	sadd.s32 s29, s12  }
0x8d: {  	s14 =	sadd.s32 s30, s14;
	vm5 =	vlt.s32 v10, v11  }
0x8e: {  	v14 =	vld [tilespmem:s14+$0x0];
	v10 =	vsel vm5, v10, v11  }
0x8f: {  	v11 =	vperm.xlane v10, v3;
	_ =	sdelay $0x1  }
0x90: {  	s15 =	simm.s32 $0x10;
	vm5 =	vlt.s32 v10, v11  }
0x91: {  	s31 =	sand.u32 $0x380, s15;
	v10 =	vsel vm5, v10, v11;
	v11 =	vor.u32 s13, v4  }
0x92: {  	s16 =	sand.u32 $0x70, s15;
	s14 =	sadd.s32 s31, s12;
	vm5 =	veq.f32 v14, v9;
	vm6 =	vgt.s32 v11, v10  }
0x93: {  	s17 =	sadd.s32 s16, s14;
	vm7 =	vgt.f32 v14, v9;
	vm5 =	vmand vm6, vm5  }
0x94: {  	v13 =	vld [tilespmem:s17+$0x0];
	vm5 =	vmor vm7, vm5  }
0x95: {  	s14 =	simm.s32 $0x1;
	s16 =	simm.s32 $0x2;
	v12 =	vimm.f32 $3.000000010e+38;
	s17 =	simm.s32 $0x20;
	v11 =	vimm.s32 $0x0;
	v14 =	vnsel vm5, $0x7F61B1E6, v14  }
.LBB2_9:
0x96: {  	s18 =	sand.u32 $0x380, s17  }
0x97: {  	p0 =	sne.s32 s16, $0x3F;
	vm5 =	vlt.f32 v14, v12;
	s19 =	smov.u32 s16;
	s16 =	sadd.s32 $0x1, s16  }
.Ltmp3:
0x98: {  	s20 =	sand.u32 $0x70, s17;
	v15 =	vor.u32 s15, v4;
	s18 =	sadd.s32 s18, s12;
	v12 =	vsel vm5, v14, v12;
	v11 =	vsel vm5, s13, v11;
	(pc) =	sbr.rel @p0 .LBB2_9-.Ltmp3, $4  }
0x99: {  	vm6 =	vgt.s32 v15, v10;
	s13 =	smov.u32 s14;
	s14 =	smov.u32 s19;
	s15 =	sadd.s32 s20, s18;
	vm5 =	veq.f32 v13, v9;
	v14 =	vmov v13  }
0x9a: {  	v13 =	vld [tilespmem:s15+$0x0];
	vm7 =	vgt.f32 v14, v9;
	vm5 =	vmand vm6, vm5;
	s15 =	smov.u32 s17  }
0x9b: {  	vm5 =	vmor vm7, vm5  }
0x9c: {  	s17 =	sadd.s32 $0x10, s17;
	v14 =	vnsel vm5, $0x7F61B1E6, v14  }
0x9d: {  	_ = 	snop  }
0x9e: {  	v15 =	vor.u32 s15, v4  }
0x9f: {  	vm6 =	vgt.s32 v15, v10;
	vm5 =	veq.f32 v13, v9  }
0xa0: {  	vm7 =	vgt.f32 v13, v9;
	vm5 =	vmand vm6, vm5  }
0xa1: {  	vm6 =	vlt.f32 v14, v12;
	vm5 =	vmor vm7, vm5  }
0xa2: {  	v12 =	vsel vm6, v14, v12;
	v13 =	vnsel vm5, $0x7F61B1E6, v13  }
0xa3: {  	vm5 =	vlt.f32 v13, v12  }
0xa4: {  	v12 =	vsel vm5, v13, v12  }
0xa5: {  	v13 =	vperm.xlane v12, v0;
	_ =	sdelay $0x1  }
0xa6: {  	v13 =	vmin.f32 v12, v13  }
0xa7: {  	v14 =	vperm.xlane v13, v1;
	_ =	sdelay $0x1  }
0xa8: {  	v13 =	vmin.f32 v13, v14  }
0xa9: {  	v14 =	vperm.xlane v13, v2;
	_ =	sdelay $0x1  }
0xaa: {  	v13 =	vmin.f32 v13, v14  }
0xab: {  	v11 =	vsel vm6, s13, v11;
	v14 =	vperm.xlane v13, v3  }
0xac: {  	v15 =	vsel vm5, s14, v11  }
0xad: {  	v11 =	vmin.f32 v13, v14;
	v13 =	vshll.u32 v15, $0x4  }
0xae: {  	vm5 =	veq.f32 v12, v11;
	v12 =	vor.u32 v4, v13  }
0xaf: {  	v12 =	vnsel vm5, $0x40000000, v12  }
0xb0: {  	v13 =	vperm.xlane v12, v0;
	_ =	sdelay $0x1  }
0xb1: {  	vm5 =	vlt.s32 v12, v13  }
0xb2: {  	v12 =	vsel vm5, v12, v13  }
0xb3: {  	v13 =	vperm.xlane v12, v1;
	_ =	sdelay $0x1  }
0xb4: {  	vm5 =	vlt.s32 v12, v13  }
0xb5: {  	s13 =	simm.s32 $0x0;
	v12 =	vsel vm5, v12, v13  }
0xb6: {  	s29 =	sand.u32 $0x380, s13;
	v13 =	vperm.xlane v12, v2  }
0xb7: {  	s30 =	sand.u32 $0x70, s13;
	s14 =	sadd.s32 s29, s12  }
0xb8: {  	s14 =	sadd.s32 s30, s14;
	vm5 =	vlt.s32 v12, v13  }
0xb9: {  	v16 =	vld [tilespmem:s14+$0x0];
	v12 =	vsel vm5, v12, v13  }
0xba: {  	v13 =	vperm.xlane v12, v3;
	_ =	sdelay $0x1  }
0xbb: {  	s15 =	simm.s32 $0x10;
	vm5 =	vlt.s32 v12, v13  }
0xbc: {  	s31 =	sand.u32 $0x380, s15;
	v12 =	vsel vm5, v12, v13;
	v13 =	vor.u32 s13, v4  }
0xbd: {  	s16 =	sand.u32 $0x70, s15;
	s14 =	sadd.s32 s31, s12;
	vm5 =	veq.f32 v16, v11;
	vm6 =	vgt.s32 v13, v12  }
0xbe: {  	s17 =	sadd.s32 s16, s14;
	vm7 =	vgt.f32 v16, v11;
	vm5 =	vmand vm6, vm5  }
0xbf: {  	v15 =	vld [tilespmem:s17+$0x0];
	vm5 =	vmor vm7, vm5  }
0xc0: {  	s14 =	simm.s32 $0x1;
	s16 =	simm.s32 $0x2;
	v14 =	vimm.f32 $3.000000010e+38;
	s17 =	simm.s32 $0x20;
	v13 =	vimm.s32 $0x0;
	v16 =	vnsel vm5, $0x7F61B1E6, v16  }
.LBB2_11:
0xc1: {  	s18 =	sand.u32 $0x380, s17  }
0xc2: {  	p0 =	sne.s32 s16, $0x3F;
	vm5 =	vlt.f32 v16, v14;
	s19 =	smov.u32 s16;
	s16 =	sadd.s32 $0x1, s16  }
.Ltmp4:
0xc3: {  	s20 =	sand.u32 $0x70, s17;
	v17 =	vor.u32 s15, v4;
	s18 =	sadd.s32 s18, s12;
	v14 =	vsel vm5, v16, v14;
	v13 =	vsel vm5, s13, v13;
	(pc) =	sbr.rel @p0 .LBB2_11-.Ltmp4, $4  }
0xc4: {  	vm6 =	vgt.s32 v17, v12;
	s13 =	smov.u32 s14;
	s14 =	smov.u32 s19;
	s15 =	sadd.s32 s20, s18;
	vm5 =	veq.f32 v15, v11;
	v16 =	vmov v15  }
0xc5: {  	v15 =	vld [tilespmem:s15+$0x0];
	vm7 =	vgt.f32 v16, v11;
	vm5 =	vmand vm6, vm5;
	s15 =	smov.u32 s17  }
0xc6: {  	vm5 =	vmor vm7, vm5  }
0xc7: {  	s17 =	sadd.s32 $0x10, s17;
	v16 =	vnsel vm5, $0x7F61B1E6, v16  }
0xc8: {  	_ = 	snop  }
0xc9: {  	v17 =	vor.u32 s15, v4  }
0xca: {  	vm6 =	vgt.s32 v17, v12;
	vm5 =	veq.f32 v15, v11  }
0xcb: {  	vm7 =	vgt.f32 v15, v11;
	vm5 =	vmand vm6, vm5  }
0xcc: {  	vm6 =	vlt.f32 v16, v14;
	vm5 =	vmor vm7, vm5  }
0xcd: {  	v14 =	vsel vm6, v16, v14;
	v15 =	vnsel vm5, $0x7F61B1E6, v15  }
0xce: {  	vm5 =	vlt.f32 v15, v14  }
0xcf: {  	v14 =	vsel vm5, v15, v14  }
0xd0: {  	v15 =	vperm.xlane v14, v0;
	_ =	sdelay $0x1  }
0xd1: {  	v15 =	vmin.f32 v14, v15  }
0xd2: {  	v16 =	vperm.xlane v15, v1;
	_ =	sdelay $0x1  }
0xd3: {  	v15 =	vmin.f32 v15, v16  }
0xd4: {  	v16 =	vperm.xlane v15, v2;
	_ =	sdelay $0x1  }
0xd5: {  	v15 =	vmin.f32 v15, v16  }
0xd6: {  	v13 =	vsel vm6, s13, v13;
	v16 =	vperm.xlane v15, v3  }
0xd7: {  	v17 =	vsel vm5, s14, v13  }
0xd8: {  	v13 =	vmin.f32 v15, v16;
	v15 =	vshll.u32 v17, $0x4  }
0xd9: {  	vm5 =	veq.f32 v14, v13;
	v14 =	vor.u32 v4, v15  }
0xda: {  	v14 =	vnsel vm5, $0x40000000, v14  }
0xdb: {  	v15 =	vperm.xlane v14, v0;
	_ =	sdelay $0x1  }
0xdc: {  	vm5 =	vlt.s32 v14, v15  }
0xdd: {  	v14 =	vsel vm5, v14, v15  }
0xde: {  	v15 =	vperm.xlane v14, v1;
	_ =	sdelay $0x1  }
0xdf: {  	vm5 =	vlt.s32 v14, v15  }
0xe0: {  	s13 =	simm.s32 $0x0;
	v14 =	vsel vm5, v14, v15  }
0xe1: {  	s29 =	sand.u32 $0x380, s13;
	v15 =	vperm.xlane v14, v2  }
0xe2: {  	s30 =	sand.u32 $0x70, s13;
	s14 =	sadd.s32 s29, s12  }
0xe3: {  	s14 =	sadd.s32 s30, s14;
	vm5 =	vlt.s32 v14, v15  }
0xe4: {  	v18 =	vld [tilespmem:s14+$0x0];
	v14 =	vsel vm5, v14, v15  }
0xe5: {  	v15 =	vperm.xlane v14, v3;
	_ =	sdelay $0x1  }
0xe6: {  	s15 =	simm.s32 $0x10;
	vm5 =	vlt.s32 v14, v15  }
0xe7: {  	s31 =	sand.u32 $0x380, s15;
	v14 =	vsel vm5, v14, v15;
	v15 =	vor.u32 s13, v4  }
0xe8: {  	s16 =	sand.u32 $0x70, s15;
	s14 =	sadd.s32 s31, s12;
	vm5 =	veq.f32 v18, v13;
	vm6 =	vgt.s32 v15, v14  }
0xe9: {  	s17 =	sadd.s32 s16, s14;
	vm7 =	vgt.f32 v18, v13;
	vm5 =	vmand vm6, vm5  }
0xea: {  	v17 =	vld [tilespmem:s17+$0x0];
	vm5 =	vmor vm7, vm5  }
0xeb: {  	s14 =	simm.s32 $0x1;
	s16 =	simm.s32 $0x2;
	v16 =	vimm.f32 $3.000000010e+38;
	s17 =	simm.s32 $0x20;
	v15 =	vimm.s32 $0x0;
	v18 =	vnsel vm5, $0x7F61B1E6, v18  }
.LBB2_13:
0xec: {  	s18 =	sand.u32 $0x380, s17  }
0xed: {  	p0 =	sne.s32 s16, $0x3F;
	vm5 =	vlt.f32 v18, v16;
	s19 =	smov.u32 s16;
	s16 =	sadd.s32 $0x1, s16  }
.Ltmp5:
0xee: {  	s20 =	sand.u32 $0x70, s17;
	v19 =	vor.u32 s15, v4;
	s18 =	sadd.s32 s18, s12;
	v16 =	vsel vm5, v18, v16;
	v15 =	vsel vm5, s13, v15;
	(pc) =	sbr.rel @p0 .LBB2_13-.Ltmp5, $4  }
0xef: {  	vm6 =	vgt.s32 v19, v14;
	s13 =	smov.u32 s14;
	s14 =	smov.u32 s19;
	s15 =	sadd.s32 s20, s18;
	vm5 =	veq.f32 v17, v13;
	v18 =	vmov v17  }
0xf0: {  	v17 =	vld [tilespmem:s15+$0x0];
	vm7 =	vgt.f32 v18, v13;
	vm5 =	vmand vm6, vm5;
	s15 =	smov.u32 s17  }
0xf1: {  	vm5 =	vmor vm7, vm5  }
0xf2: {  	s17 =	sadd.s32 $0x10, s17;
	v18 =	vnsel vm5, $0x7F61B1E6, v18  }
0xf3: {  	_ = 	snop  }
0xf4: {  	v19 =	vor.u32 s15, v4  }
0xf5: {  	vm6 =	vgt.s32 v19, v14;
	vm5 =	veq.f32 v17, v13  }
0xf6: {  	vm5 =	vmand vm6, vm5;
	vm6 =	vgt.f32 v17, v13  }
0xf7: {  	vm5 =	vmor vm6, vm5;
	vm6 =	vlt.f32 v18, v16  }
0xf8: {  	v16 =	vsel vm6, v18, v16;
	v60 =	vnsel vm5, $0x7F61B1E6, v17  }
0xf9: {  	vm5 =	vlt.f32 v60, v16  }
0xfa: {  	v16 =	vsel vm5, v60, v16  }
0xfb: {  	v17 =	vperm.xlane v16, v0;
	_ =	sdelay $0x1  }
0xfc: {  	v17 =	vmin.f32 v16, v17  }
0xfd: {  	v61 =	vperm.xlane v17, v1;
	_ =	sdelay $0x1  }
0xfe: {  	v17 =	vmin.f32 v17, v61  }
0xff: {  	v18 =	vperm.xlane v17, v2;
	_ =	sdelay $0x1  }
0x100: {  	v17 =	vmin.f32 v17, v18  }
0x101: {  	v15 =	vsel vm6, s13, v15;
	v18 =	vperm.xlane v17, v3  }
0x102: {  	v15 =	vsel vm5, s14, v15  }
0x103: {  	v15 =	vshll.u32 v15, $0x4;
	v17 =	vmin.f32 v17, v18  }
0x104: {  	v15 =	vor.u32 v4, v15;
	vm5 =	veq.f32 v16, v17  }
0x105: {  	v15 =	vnsel vm5, $0x40000000, v15  }
0x106: {  	v62 =	vperm.xlane v15, v0;
	_ =	sdelay $0x1  }
0x107: {  	vm5 =	vlt.s32 v15, v62  }
0x108: {  	v15 =	vsel vm5, v15, v62  }
0x109: {  	v16 =	vperm.xlane v15, v1;
	_ =	sdelay $0x1  }
0x10a: {  	vm5 =	vlt.s32 v15, v16  }
0x10b: {  	v15 =	vsel vm5, v15, v16  }
0x10c: {  	v16 =	vperm.xlane v15, v2  }
0x10d: {  	vm5 =	vmmov $0x1  }
0x10e: {  	v5 =	vnsel vm5, $0x0, v5;
	vm6 =	vlt.s32 v15, v16  }
0x10f: {  	s12 =	sshll.u32 s11, $0x4;
	s11 =	sadd.s32 $0x1, s11;
	v6 =	vnsel vm5, $0x0, v6;
	v5 =	vsel vm0, v5, v7;
	v7 =	vsel vm6, v15, v16  }
0x110: {  	p0 =	sne.s32 s11, $0x20;
	v6 =	vsel vm0, v6, v8;
	v5 =	vsel vm1, v5, v9;
	v63 =	vperm.xlane v7, v3  }
.Ltmp6:
0x111: {  	v6 =	vsel vm1, v6, v10;
	v5 =	vsel vm2, v5, v11;
	(pc) =	sbr.rel @p0 .LBB2_2-.Ltmp6, $4  }
0x112: {  	v6 =	vsel vm2, v6, v12;
	v5 =	vsel vm3, v5, v13;
	vm5 =	vlt.s32 v7, v63  }
0x113: {  	v6 =	vsel vm3, v6, v14;
	v5 =	vsel vm4, v5, v17;
	v7 =	vsel vm5, v7, v63  }
0x114: {  	[tilespmem:s12+$0x8000] =	vst v5;
	v6 =	vsel vm4, v6, v7  }
0x115: {  	[tilespmem:s12+$0x8200] =	vst v6  }
0x116: {  	[hbm4b:s4+s2] =	stream.linear.scatter [tilespmem:s8], [sflag:$0x1], $0x200, $0x38;
	[tilespmem:$0x8400] =	vst v63  }
0x117: {  	s10 =	sadd.s32 $0x1, s10;
	_ =	swait.ge [sflag:s7], $0x200  }
0x118: {  	p0 =	sne.s32 s10, s6;
	[sflag:s7] =	ssyncset.done $0x0  }
.Ltmp7:
0x119: {  	[sflag:s7] =	ssyncadd.s32 $0xFFFFFE00;
	(pc) =	sbr.rel @p0 .LBB2_1-.Ltmp7, $4  }
0x11a: {  	[hbm4b:s5+s2] =	stream.linear.scatter [tilespmem:s9], [sflag:$0x1], $0x200, $0x38;
	[tilespmem:$0x8400] =	vst v63  }
0x11b: {  	_ =	swait.ge [sflag:s7], $0x200  }
0x11c: {  	[sflag:s7] =	ssyncset.done $0x0  }
0x11d: {  	[sflag:s7] =	ssyncadd.s32 $0xFFFFFE00  }
0x11e: {  	_ =	sfence.sel $0x180000  }
0x11f: {  	[bflag:$0x0] =	sbarrier.arrive $0xFFFF  }
0x120: {  	p0 =	sne.s32 s1, $0x0;
	_ =	strace $0x90000047  }
0x121: {  	s0 =	sadd.s32 @!p0 $0x100000, s0;
	[bflag:$0x2] =	sbarrier.arrive $0xFFFF  }
0x122: {  	[sflag:s0] =	ssyncadd.tile.s32 @!p0 $0x1;
	_ =	shalt  }
.Lfunc_end2:
_tile_overlayer_lowered:
.L_overlay_start_2:
0x123: {  	(tag) =	ssettag $0x2  }
0x124: {  	s0 =	rddreg [dreg:$0x0];
	s2 =	stileid.u32  }
0x125: {  	s1 =	rddreg [dreg:$0x1];
	p0 =	sne.s32 s2, $0x0  }
0x126: {  	s3 =	rddreg [dreg:$0x2];
	[bflag:$0x3] =	sbarrier.arrive $0xFFFF;
	s2 =	simm.s32 @!p0 $0x1C01  }
0x127: {  	[timem:s3], [sflag:s2] =	dma.local @!p0 [hbm:s0], s1  }
0x128: {  	s0 =	simm.s32 @!p0 $0x1  }
0x129: {  	_ =	swait.ge @!p0 [sflag:s0], s1  }
0x12a: {  	s1 =	ssub.s32 @!p0 $0x0, s1;
	[sflag:s0] =	ssyncset.done @!p0 $0x0  }
0x12b: {  	[sflag:s0] =	ssyncadd.s32 @!p0 s1  }
0x12c: {  	[bflag:$0x3] =	sbarrier.arrive $0xFFFF  }
0x12d: {  	_ =	shalt  }

</sc_bundles>
